<compile_context>
chip_gen: v7x
topology: tpu7x:2x2x1
jax: 0.10.2.dev20260603
libtpu: 0.0.44.dev20260713+nightly
codegen_flags: <defaults>
</compile_context>

<pallas_src>
import functools
import math

import jax
import jax.numpy as jnp
from jax import lax
from jax.experimental import pallas as pl
from jax.experimental.pallas import tpu as pltpu
from jax.experimental.pallas import tpu_sc as plsc

D_MODEL = 64
SCALE = math.sqrt(D_MODEL)

NC = 2
NS = 16
NW = NC * NS
L = 16
VECS = D_MODEL // L

NBUF = 4
PIECES = ((0, 96), (96, 104))
MAXLEN = 104


def _make_lookup(R: int, C: int):
    assert R % NW == 0 and C == sum(p[1] for p in PIECES)
    rows_per_w = R // NW
    n_pieces = rows_per_w * 2
    assert n_pieces % NBUF == 0 and n_pieces // NBUF >= 2

    mesh = plsc.VectorSubcoreMesh(core_axis_name="c", subcore_axis_name="s")

    @functools.partial(
        pl.kernel,
        out_type=jax.ShapeDtypeStruct((R * C, 2 * D_MODEL), jnp.float32),
        mesh=mesh,
        compiler_params=pltpu.CompilerParams(use_tc_tiling_on_sc=False),
        scratch_types=[
            pltpu.VMEM((rows_per_w, C), jnp.int32),
            [pltpu.VMEM((MAXLEN, D_MODEL), jnp.float32)] * NBUF,
            [pltpu.VMEM((MAXLEN, D_MODEL), jnp.float32)] * NBUF,
            [pltpu.SemaphoreType.DMA] * NBUF,
            [pltpu.SemaphoreType.DMA] * NBUF,
        ],
    )
    def lookup(x_hbm, table_hbm, out_hbm, idx_v, gbufs, wbufs, gsems, wsems):
        wid = lax.axis_index("s") * NC + lax.axis_index("c")
        base_row = wid * rows_per_w
        pltpu.sync_copy(x_hbm.at[pl.ds(base_row, rows_per_w)], idx_v)

        def start_gather(b, p):
            off, ln = PIECES[b % 2]
            r = p // 2
            pltpu.async_copy(
                table_hbm.at[idx_v.at[r, pl.ds(off, ln)]],
                gbufs[b].at[pl.ds(0, ln)],
                gsems[b],
            )

        def gather_done(b):
            _, ln = PIECES[b % 2]
            pltpu.make_async_copy(
                table_hbm.at[pl.ds(0, ln)], gbufs[b].at[pl.ds(0, ln)], gsems[b]
            ).wait()

        def write_done(b):
            _, ln = PIECES[b % 2]
            pltpu.make_async_copy(
                wbufs[b].at[pl.ds(0, ln)],
                out_hbm.at[pl.ds(0, ln), pl.ds(0, D_MODEL)],
                wsems[b],
            ).wait()

        def scale(b):
            _, ln = PIECES[b % 2]

            @plsc.parallel_loop(0, ln, step=1, unroll=4)
            def _row(r2):
                for v in range(VECS):
                    sl = pl.ds(v * L, L)
                    wbufs[b][r2, sl] = gbufs[b][r2, sl] * SCALE

        def start_write(b, p):
            off, ln = PIECES[b % 2]
            r = p // 2
            pltpu.async_copy(
                wbufs[b].at[pl.ds(0, ln)],
                out_hbm.at[pl.ds((base_row + r) * C + off, ln), pl.ds(0, D_MODEL)],
                wsems[b],
            )

        for b in range(NBUF):
            start_gather(b, b)

        @pl.loop(0, n_pieces - NBUF, step=NBUF)
        def _outer(p0):
            for b in range(NBUF):
                p = p0 + b
                gather_done(b)

                @pl.when(p0 > 0)
                def _():
                    write_done(b)

                scale(b)
                start_write(b, p)
                start_gather(b, p + NBUF)

        for b in range(NBUF):
            p = n_pieces - NBUF + b
            gather_done(b)
            write_done(b)
            scale(b)
            start_write(b, p)
        for b in range(NBUF):
            write_done(b)

    return lookup


@jax.jit
def kernel(x, table):
    R, C = x.shape
    V, D = table.shape
    t128 = jnp.concatenate([table, jnp.zeros((V, D), table.dtype)], axis=1)
    t2m = t128.reshape(2 * V, D)
    pad_out = _make_lookup(R, C)(x * 2, t2m)
    return pad_out[:, :D_MODEL].reshape(R, C, D_MODEL)

# --- scband reference (transcript-rebuilt; emitter-appended) ---
"""Pipeline reference for scband-input-embeddings-37366215475257 (READ-ONLY COPY).

The authoritative reference and input builder live on the scoring server;
editing this copy changes nothing except your own understanding.
"""

import jax, jax.numpy as jnp
import numpy as np
import math

D_MODEL = 64
VOCAB_SIZE = 1000000

def setup_inputs(seed: int = 0) -> dict:
    key = jax.random.key(seed)
    k_idx, k_tab = jax.random.split(key)
    x = jax.random.randint(k_idx, (4096, 200), 0, VOCAB_SIZE, dtype=jnp.int64 if jax.config.jax_enable_x64 else jnp.int32)
    table = jax.random.normal(k_tab, (VOCAB_SIZE, D_MODEL), dtype=jnp.float32)
    return {"x": x, "table": table}

def reference(x, table):
    # Embedding lookup (gather) followed by sqrt(d_model) scaling,
    # per 'Attention is All You Need'.
    emb = jnp.take(table, x, axis=0)
    return emb * math.sqrt(D_MODEL)

if __name__ == "__main__":
    import jax
    _d = setup_inputs()
    print(jax.jit(kernel)(*tuple(_d.values())))

</pallas_src>

<mosaic_0001>
#map = affine_map<(d0, d1) -> (0, 0)>
module attributes {stable_mosaic.version = 14 : i64} {
  func.func @lookup(%arg0: i32, %arg1: i32, %arg2: memref<4096x200xi32, #tpu.memory_space<hbm>>, %arg3: memref<2000000x64xf32, #tpu.memory_space<hbm>>, %arg4: memref<819200x128xf32, #tpu.memory_space<hbm>>, %arg5: memref<128x200xi32, #tpu.memory_space<vmem>>, %arg6: memref<104x64xf32, #tpu.memory_space<vmem>>, %arg7: memref<104x64xf32, #tpu.memory_space<vmem>>, %arg8: memref<104x64xf32, #tpu.memory_space<vmem>>, %arg9: memref<104x64xf32, #tpu.memory_space<vmem>>, %arg10: memref<104x64xf32, #tpu.memory_space<vmem>>, %arg11: memref<104x64xf32, #tpu.memory_space<vmem>>, %arg12: memref<104x64xf32, #tpu.memory_space<vmem>>, %arg13: memref<104x64xf32, #tpu.memory_space<vmem>>, %arg14: memref<!tpu.dma_semaphore, #tpu.memory_space<semaphore_mem>>, %arg15: memref<!tpu.dma_semaphore, #tpu.memory_space<semaphore_mem>>, %arg16: memref<!tpu.dma_semaphore, #tpu.memory_space<semaphore_mem>>, %arg17: memref<!tpu.dma_semaphore, #tpu.memory_space<semaphore_mem>>, %arg18: memref<!tpu.dma_semaphore, #tpu.memory_space<semaphore_mem>>, %arg19: memref<!tpu.dma_semaphore, #tpu.memory_space<semaphore_mem>>, %arg20: memref<!tpu.dma_semaphore, #tpu.memory_space<semaphore_mem>>, %arg21: memref<!tpu.dma_semaphore, #tpu.memory_space<semaphore_mem>>) attributes {dimension_semantics = [#tpu.dimension_semantics<core_parallel>, #tpu.dimension_semantics<subcore_parallel>], iteration_bounds = array<i64: 2, 16>, scalar_prefetch = 0 : i64, scratch_operands = 17 : i64, tpu.core_type = #tpu.core_type<sc_vector_subcore>, window_params = [{transform_indices = #map}, {transform_indices = #map}, {transform_indices = #map}]} {
    %mul3A = arith.constant 2 : i32
    %mul3A_0 = arith.muli %arg1, %mul3A : i32
    %add3A = arith.addi %mul3A_0, %arg0 : i32
    %mul3A_1 = arith.constant 128 : i32
    %mul3A_2 = arith.muli %add3A, %mul3A_1 : i32
    "tpu.region"() ({
      %run_scoped3A = tpu.sem_alloc : memref<!tpu.dma_semaphore, #tpu.memory_space<semaphore_mem>>
      %dma_start3A_264 = arith.constant 0 : i32
      %dma_start3A_265 = tpu.memref_slice %arg2[%mul3A_2, %dma_start3A_264] : memref<4096x200xi32, #tpu.memory_space<hbm>> -> memref<128x200xi32, #tpu.memory_space<hbm>>
      %dma_start3A_266 = arith.constant 0 : i32
      %dma_start3A_267 = tpu.memref_slice %arg2[%mul3A_2, %dma_start3A_266] : memref<4096x200xi32, #tpu.memory_space<hbm>> -> memref<128x200xi32, #tpu.memory_space<hbm>>
      tpu.enqueue_dma source(%dma_start3A_267 : memref<128x200xi32, #tpu.memory_space<hbm>>) target(%arg5 : memref<128x200xi32, #tpu.memory_space<vmem>>) target_semaphore(%run_scoped3A : memref<!tpu.dma_semaphore, #tpu.memory_space<semaphore_mem>>)
      %dma_wait3A_268 = arith.constant 0 : i32
      %dma_wait3A_269 = tpu.memref_slice %arg2[%mul3A_2, %dma_wait3A_268] : memref<4096x200xi32, #tpu.memory_space<hbm>> -> memref<128x200xi32, #tpu.memory_space<hbm>>
      %dma_wait3A_270 = arith.constant 0 : i32
      %dma_wait3A_271 = tpu.memref_slice %arg2[%mul3A_2, %dma_wait3A_270] : memref<4096x200xi32, #tpu.memory_space<hbm>> -> memref<128x200xi32, #tpu.memory_space<hbm>>
      tpu.wait_dma2 semaphore(%run_scoped3A : memref<!tpu.dma_semaphore, #tpu.memory_space<semaphore_mem>>) src(%dma_wait3A_271 : memref<128x200xi32, #tpu.memory_space<hbm>>) dst(%arg5 : memref<128x200xi32, #tpu.memory_space<vmem>>)
      tpu.yield
    }) : () -> ()
    %dma_start3A = arith.constant 0 : i32
    %dma_start3A_3 = arith.constant 0 : i32
    %dma_start3A_4 = arith.constant 0 : i32
    %dma_start3A_5 = tpu.memref_slice %arg6[%dma_start3A_3, %dma_start3A_4] : memref<104x64xf32, #tpu.memory_space<vmem>> -> memref<96x64xf32, #tpu.memory_space<vmem>>
    %dma_start3A_6 = arith.constant 0 : i32
    %dma_start3A_7 = tpu.memref_slice %arg5[%dma_start3A, %dma_start3A_6] : memref<128x200xi32, #tpu.memory_space<vmem>> -> memref<1x96xi32, #tpu.memory_space<vmem>>
    %dma_start3A_8 = tpu.memref_squeeze %dma_start3A_7 : memref<1x96xi32, #tpu.memory_space<vmem>> -> memref<96xi32, #tpu.memory_space<vmem>>
    %dma_start3A_9 = arith.constant 0 : i32
    %dma_start3A_10 = arith.constant 0 : i32
    %dma_start3A_11 = tpu.memref_slice %arg3[%dma_start3A_9, %dma_start3A_10] : memref<2000000x64xf32, #tpu.memory_space<hbm>> -> memref<2000000x64xf32, #tpu.memory_space<hbm>>
    tpu.enqueue_indirect_dma source(%dma_start3A_11 : memref<2000000x64xf32, #tpu.memory_space<hbm>>) target(%dma_start3A_5 : memref<96x64xf32, #tpu.memory_space<vmem>>) offsets(%dma_start3A_8 : memref<96xi32, #tpu.memory_space<vmem>>) semaphore(%arg14 : memref<!tpu.dma_semaphore, #tpu.memory_space<semaphore_mem>>)
    %dma_start3A_12 = arith.constant 0 : i32
    %dma_start3A_13 = arith.constant 0 : i32
    %dma_start3A_14 = arith.constant 0 : i32
    %dma_start3A_15 = tpu.memref_slice %arg7[%dma_start3A_13, %dma_start3A_14] : memref<104x64xf32, #tpu.memory_space<vmem>> -> memref<104x64xf32, #tpu.memory_space<vmem>>
    %dma_start3A_16 = arith.constant 96 : i32
    %dma_start3A_17 = tpu.memref_slice %arg5[%dma_start3A_12, %dma_start3A_16] : memref<128x200xi32, #tpu.memory_space<vmem>> -> memref<1x104xi32, #tpu.memory_space<vmem>>
    %dma_start3A_18 = tpu.memref_squeeze %dma_start3A_17 : memref<1x104xi32, #tpu.memory_space<vmem>> -> memref<104xi32, #tpu.memory_space<vmem>>
    %dma_start3A_19 = arith.constant 0 : i32
    %dma_start3A_20 = arith.constant 0 : i32
    %dma_start3A_21 = tpu.memref_slice %arg3[%dma_start3A_19, %dma_start3A_20] : memref<2000000x64xf32, #tpu.memory_space<hbm>> -> memref<2000000x64xf32, #tpu.memory_space<hbm>>
    tpu.enqueue_indirect_dma source(%dma_start3A_21 : memref<2000000x64xf32, #tpu.memory_space<hbm>>) target(%dma_start3A_15 : memref<104x64xf32, #tpu.memory_space<vmem>>) offsets(%dma_start3A_18 : memref<104xi32, #tpu.memory_space<vmem>>) semaphore(%arg15 : memref<!tpu.dma_semaphore, #tpu.memory_space<semaphore_mem>>)
    %dma_start3A_22 = arith.constant 1 : i32
    %dma_start3A_23 = arith.constant 0 : i32
    %dma_start3A_24 = arith.constant 0 : i32
    %dma_start3A_25 = tpu.memref_slice %arg8[%dma_start3A_23, %dma_start3A_24] : memref<104x64xf32, #tpu.memory_space<vmem>> -> memref<96x64xf32, #tpu.memory_space<vmem>>
    %dma_start3A_26 = arith.constant 0 : i32
    %dma_start3A_27 = tpu.memref_slice %arg5[%dma_start3A_22, %dma_start3A_26] : memref<128x200xi32, #tpu.memory_space<vmem>> -> memref<1x96xi32, #tpu.memory_space<vmem>>
    %dma_start3A_28 = tpu.memref_squeeze %dma_start3A_27 : memref<1x96xi32, #tpu.memory_space<vmem>> -> memref<96xi32, #tpu.memory_space<vmem>>
    %dma_start3A_29 = arith.constant 0 : i32
    %dma_start3A_30 = arith.constant 0 : i32
    %dma_start3A_31 = tpu.memref_slice %arg3[%dma_start3A_29, %dma_start3A_30] : memref<2000000x64xf32, #tpu.memory_space<hbm>> -> memref<2000000x64xf32, #tpu.memory_space<hbm>>
    tpu.enqueue_indirect_dma source(%dma_start3A_31 : memref<2000000x64xf32, #tpu.memory_space<hbm>>) target(%dma_start3A_25 : memref<96x64xf32, #tpu.memory_space<vmem>>) offsets(%dma_start3A_28 : memref<96xi32, #tpu.memory_space<vmem>>) semaphore(%arg16 : memref<!tpu.dma_semaphore, #tpu.memory_space<semaphore_mem>>)
    %dma_start3A_32 = arith.constant 1 : i32
    %dma_start3A_33 = arith.constant 0 : i32
    %dma_start3A_34 = arith.constant 0 : i32
    %dma_start3A_35 = tpu.memref_slice %arg9[%dma_start3A_33, %dma_start3A_34] : memref<104x64xf32, #tpu.memory_space<vmem>> -> memref<104x64xf32, #tpu.memory_space<vmem>>
    %dma_start3A_36 = arith.constant 96 : i32
    %dma_start3A_37 = tpu.memref_slice %arg5[%dma_start3A_32, %dma_start3A_36] : memref<128x200xi32, #tpu.memory_space<vmem>> -> memref<1x104xi32, #tpu.memory_space<vmem>>
    %dma_start3A_38 = tpu.memref_squeeze %dma_start3A_37 : memref<1x104xi32, #tpu.memory_space<vmem>> -> memref<104xi32, #tpu.memory_space<vmem>>
    %dma_start3A_39 = arith.constant 0 : i32
    %dma_start3A_40 = arith.constant 0 : i32
    %dma_start3A_41 = tpu.memref_slice %arg3[%dma_start3A_39, %dma_start3A_40] : memref<2000000x64xf32, #tpu.memory_space<hbm>> -> memref<2000000x64xf32, #tpu.memory_space<hbm>>
    tpu.enqueue_indirect_dma source(%dma_start3A_41 : memref<2000000x64xf32, #tpu.memory_space<hbm>>) target(%dma_start3A_35 : memref<104x64xf32, #tpu.memory_space<vmem>>) offsets(%dma_start3A_38 : memref<104xi32, #tpu.memory_space<vmem>>) semaphore(%arg17 : memref<!tpu.dma_semaphore, #tpu.memory_space<semaphore_mem>>)
    %scan3A = arith.constant 0 : i32
    %scan3A_42 = arith.constant 63 : i32
    %scan3A_43 = arith.addi %scan3A, %scan3A_42 : i32
    %scan3A_44 = arith.constant 1 : i32
    scf.for %scan3A_264 = %scan3A to %scan3A_43 step %scan3A_44  : i32 {
      %mul3A_265 = arith.constant 4 : i32
      %mul3A_266 = arith.muli %scan3A_264, %mul3A_265 : i32
      %add3A_267 = arith.constant 0 : i32
      %add3A_268 = arith.addi %add3A_267, %mul3A_266 : i32
      %add3A_269 = arith.constant 0 : i32
      %add3A_270 = arith.addi %add3A_268, %add3A_269 : i32
      %dma_wait3A_271 = arith.constant 0 : i32
      %dma_wait3A_272 = arith.constant 0 : i32
      %dma_wait3A_273 = tpu.memref_slice %arg6[%dma_wait3A_271, %dma_wait3A_272] : memref<104x64xf32, #tpu.memory_space<vmem>> -> memref<96x64xf32, #tpu.memory_space<vmem>>
      %dma_wait3A_274 = arith.constant 0 : i32
      %dma_wait3A_275 = arith.constant 0 : i32
      %dma_wait3A_276 = tpu.memref_slice %arg3[%dma_wait3A_274, %dma_wait3A_275] : memref<2000000x64xf32, #tpu.memory_space<hbm>> -> memref<96x64xf32, #tpu.memory_space<hbm>>
      %dma_wait3A_277 = arith.constant 0 : i32
      %dma_wait3A_278 = arith.constant 0 : i32
      %dma_wait3A_279 = tpu.memref_slice %arg6[%dma_wait3A_277, %dma_wait3A_278] : memref<104x64xf32, #tpu.memory_space<vmem>> -> memref<96x64xf32, #tpu.memory_space<vmem>>
      %dma_wait3A_280 = arith.constant 0 : i32
      %dma_wait3A_281 = arith.constant 0 : i32
      %dma_wait3A_282 = tpu.memref_slice %arg3[%dma_wait3A_280, %dma_wait3A_281] : memref<2000000x64xf32, #tpu.memory_space<hbm>> -> memref<96x64xf32, #tpu.memory_space<hbm>>
      tpu.wait_dma2 semaphore(%arg14 : memref<!tpu.dma_semaphore, #tpu.memory_space<semaphore_mem>>) src(%dma_wait3A_282 : memref<96x64xf32, #tpu.memory_space<hbm>>) dst(%dma_wait3A_279 : memref<96x64xf32, #tpu.memory_space<vmem>>)
      %gt3A = arith.constant 0 : i32
      %gt3A_283 = arith.cmpi sgt, %add3A_268, %gt3A : i32
      %convert_element_type3A = arith.extui %gt3A_283 : i1 to i32
      %cond3A = arith.constant 0 : i32
      %cond3A_284 = arith.cmpi ne, %convert_element_type3A, %cond3A : i32
      scf.if %cond3A_284 {
        %dma_wait3A_642 = arith.constant 0 : i32
        %dma_wait3A_643 = arith.constant 0 : i32
        %dma_wait3A_644 = tpu.memref_slice %arg10[%dma_wait3A_642, %dma_wait3A_643] : memref<104x64xf32, #tpu.memory_space<vmem>> -> memref<96x64xf32, #tpu.memory_space<vmem>>
        %dma_wait3A_645 = arith.constant 0 : i32
        %dma_wait3A_646 = arith.constant 0 : i32
        %dma_wait3A_647 = tpu.memref_slice %arg4[%dma_wait3A_645, %dma_wait3A_646] : memref<819200x128xf32, #tpu.memory_space<hbm>> -> memref<96x64xf32, #tpu.memory_space<hbm>>
        %dma_wait3A_648 = arith.constant 0 : i32
        %dma_wait3A_649 = arith.constant 0 : i32
        %dma_wait3A_650 = tpu.memref_slice %arg4[%dma_wait3A_648, %dma_wait3A_649] : memref<819200x128xf32, #tpu.memory_space<hbm>> -> memref<96x64xf32, #tpu.memory_space<hbm>>
        %dma_wait3A_651 = arith.constant 0 : i32
        %dma_wait3A_652 = arith.constant 0 : i32
        %dma_wait3A_653 = tpu.memref_slice %arg10[%dma_wait3A_651, %dma_wait3A_652] : memref<104x64xf32, #tpu.memory_space<vmem>> -> memref<96x64xf32, #tpu.memory_space<vmem>>
        tpu.wait_dma2 semaphore(%arg18 : memref<!tpu.dma_semaphore, #tpu.memory_space<semaphore_mem>>) src(%dma_wait3A_653 : memref<96x64xf32, #tpu.memory_space<vmem>>) dst(%dma_wait3A_650 : memref<96x64xf32, #tpu.memory_space<hbm>>)
      } else {
      }
      %parallel_loop3A_285 = arith.constant 0 : i32
      %parallel_loop3A_286 = arith.constant 96 : i32
      %parallel_loop3A_287 = arith.constant 1 : i32
      scf.for %parallel_loop3A_642 = %parallel_loop3A_285 to %parallel_loop3A_286 step %parallel_loop3A_287  : i32 {
        %parallel_loop3A_643 = arith.index_cast %parallel_loop3A_642 : i32 to index
        %parallel_loop3A_644 = arith.constant 0 : index
        %parallel_loop3A_645 = tpu.vector_load %arg6[%parallel_loop3A_643, %parallel_loop3A_644] {strides = array<i32>} : memref<104x64xf32, #tpu.memory_space<vmem>>, vector<1x16xf32>,
        %parallel_loop3A_646 = vector.shape_cast %parallel_loop3A_645 : vector<1x16xf32> to vector<16xf32>
        %parallel_loop3A_647 = arith.constant 8.000000e+00 : f32
        %parallel_loop3A_648 = vector.broadcast %parallel_loop3A_647 : f32 to vector<16xf32>
        %parallel_loop3A_649 = arith.mulf %parallel_loop3A_646, %parallel_loop3A_648 : vector<16xf32>
        %parallel_loop3A_650 = arith.index_cast %parallel_loop3A_642 : i32 to index
        %parallel_loop3A_651 = arith.constant 0 : index
        %parallel_loop3A_652 = tpu.vector_load %arg10[%parallel_loop3A_650, %parallel_loop3A_651] {strides = array<i32>} : memref<104x64xf32, #tpu.memory_space<vmem>>, vector<1x16xf32>,
        %parallel_loop3A_653 = vector.shape_cast %parallel_loop3A_652 : vector<1x16xf32> to vector<16xf32>
        %parallel_loop3A_654 = vector.shape_cast %parallel_loop3A_649 : vector<16xf32> to vector<1x16xf32>
        tpu.vector_store %arg10[%parallel_loop3A_650, %parallel_loop3A_651], %parallel_loop3A_654 {strides = array<i32>} : memref<104x64xf32, #tpu.memory_space<vmem>>, vector<1x16xf32>,
        %parallel_loop3A_655 = arith.index_cast %parallel_loop3A_642 : i32 to index
        %parallel_loop3A_656 = arith.constant 16 : index
        %parallel_loop3A_657 = tpu.vector_load %arg6[%parallel_loop3A_655, %parallel_loop3A_656] {strides = array<i32>} : memref<104x64xf32, #tpu.memory_space<vmem>>, vector<1x16xf32>,
        %parallel_loop3A_658 = vector.shape_cast %parallel_loop3A_657 : vector<1x16xf32> to vector<16xf32>
        %parallel_loop3A_659 = arith.constant 8.000000e+00 : f32
        %parallel_loop3A_660 = vector.broadcast %parallel_loop3A_659 : f32 to vector<16xf32>
        %parallel_loop3A_661 = arith.mulf %parallel_loop3A_658, %parallel_loop3A_660 : vector<16xf32>
        %parallel_loop3A_662 = arith.index_cast %parallel_loop3A_642 : i32 to index
        %parallel_loop3A_663 = arith.constant 16 : index
        %parallel_loop3A_664 = tpu.vector_load %arg10[%parallel_loop3A_662, %parallel_loop3A_663] {strides = array<i32>} : memref<104x64xf32, #tpu.memory_space<vmem>>, vector<1x16xf32>,
        %parallel_loop3A_665 = vector.shape_cast %parallel_loop3A_664 : vector<1x16xf32> to vector<16xf32>
        %parallel_loop3A_666 = vector.shape_cast %parallel_loop3A_661 : vector<16xf32> to vector<1x16xf32>
        tpu.vector_store %arg10[%parallel_loop3A_662, %parallel_loop3A_663], %parallel_loop3A_666 {strides = array<i32>} : memref<104x64xf32, #tpu.memory_space<vmem>>, vector<1x16xf32>,
        %parallel_loop3A_667 = arith.index_cast %parallel_loop3A_642 : i32 to index
        %parallel_loop3A_668 = arith.constant 32 : index
        %parallel_loop3A_669 = tpu.vector_load %arg6[%parallel_loop3A_667, %parallel_loop3A_668] {strides = array<i32>} : memref<104x64xf32, #tpu.memory_space<vmem>>, vector<1x16xf32>,
        %parallel_loop3A_670 = vector.shape_cast %parallel_loop3A_669 : vector<1x16xf32> to vector<16xf32>
        %parallel_loop3A_671 = arith.constant 8.000000e+00 : f32
        %parallel_loop3A_672 = vector.broadcast %parallel_loop3A_671 : f32 to vector<16xf32>
        %parallel_loop3A_673 = arith.mulf %parallel_loop3A_670, %parallel_loop3A_672 : vector<16xf32>
        %parallel_loop3A_674 = arith.index_cast %parallel_loop3A_642 : i32 to index
        %parallel_loop3A_675 = arith.constant 32 : index
        %parallel_loop3A_676 = tpu.vector_load %arg10[%parallel_loop3A_674, %parallel_loop3A_675] {strides = array<i32>} : memref<104x64xf32, #tpu.memory_space<vmem>>, vector<1x16xf32>,
        %parallel_loop3A_677 = vector.shape_cast %parallel_loop3A_676 : vector<1x16xf32> to vector<16xf32>
        %parallel_loop3A_678 = vector.shape_cast %parallel_loop3A_673 : vector<16xf32> to vector<1x16xf32>
        tpu.vector_store %arg10[%parallel_loop3A_674, %parallel_loop3A_675], %parallel_loop3A_678 {strides = array<i32>} : memref<104x64xf32, #tpu.memory_space<vmem>>, vector<1x16xf32>,
        %parallel_loop3A_679 = arith.index_cast %parallel_loop3A_642 : i32 to index
        %parallel_loop3A_680 = arith.constant 48 : index
        %parallel_loop3A_681 = tpu.vector_load %arg6[%parallel_loop3A_679, %parallel_loop3A_680] {strides = array<i32>} : memref<104x64xf32, #tpu.memory_space<vmem>>, vector<1x16xf32>,
        %parallel_loop3A_682 = vector.shape_cast %parallel_loop3A_681 : vector<1x16xf32> to vector<16xf32>
        %parallel_loop3A_683 = arith.constant 8.000000e+00 : f32
        %parallel_loop3A_684 = vector.broadcast %parallel_loop3A_683 : f32 to vector<16xf32>
        %parallel_loop3A_685 = arith.mulf %parallel_loop3A_682, %parallel_loop3A_684 : vector<16xf32>
        %parallel_loop3A_686 = arith.index_cast %parallel_loop3A_642 : i32 to index
        %parallel_loop3A_687 = arith.constant 48 : index
        %parallel_loop3A_688 = tpu.vector_load %arg10[%parallel_loop3A_686, %parallel_loop3A_687] {strides = array<i32>} : memref<104x64xf32, #tpu.memory_space<vmem>>, vector<1x16xf32>,
        %parallel_loop3A_689 = vector.shape_cast %parallel_loop3A_688 : vector<1x16xf32> to vector<16xf32>
        %parallel_loop3A_690 = vector.shape_cast %parallel_loop3A_685 : vector<16xf32> to vector<1x16xf32>
        tpu.vector_store %arg10[%parallel_loop3A_686, %parallel_loop3A_687], %parallel_loop3A_690 {strides = array<i32>} : memref<104x64xf32, #tpu.memory_space<vmem>>, vector<1x16xf32>,
      } {sc.loop_unroll_factor = 4 : i64, sc.parallel_access}
      %jit3A = arith.constant 2 : i32
      %div3A = arith.divsi %add3A_270, %jit3A : i32
      %sign3A = arith.constant 0 : i32
      %sign3A_288 = arith.cmpi sgt, %add3A_270, %sign3A : i32
      %sign3A_289 = arith.extui %sign3A_288 : i1 to i32
      %sign3A_290 = arith.constant 0 : i32
      %sign3A_291 = arith.cmpi slt, %add3A_270, %sign3A_290 : i32
      %sign3A_292 = arith.extui %sign3A_291 : i1 to i32
      %sign3A_293 = arith.subi %sign3A_289, %sign3A_292 : i32
      %sign3A_294 = arith.constant 0 : i32
      %sign3A_295 = arith.cmpi sgt, %jit3A, %sign3A_294 : i32
      %sign3A_296 = arith.extui %sign3A_295 : i1 to i32
      %sign3A_297 = arith.constant 0 : i32
      %sign3A_298 = arith.cmpi slt, %jit3A, %sign3A_297 : i32
      %sign3A_299 = arith.extui %sign3A_298 : i1 to i32
      %sign3A_300 = arith.subi %sign3A_296, %sign3A_299 : i32
      %ne3A = arith.cmpi ne, %sign3A_293, %sign3A_300 : i32
      %rem3A = arith.remsi %add3A_270, %jit3A : i32
      %ne3A_301 = arith.constant 0 : i32
      %ne3A_302 = arith.cmpi ne, %rem3A, %ne3A_301 : i32
      %and3A = arith.andi %ne3A, %ne3A_302 : i1
      %sub3A = arith.constant 1 : i32
      %sub3A_303 = arith.subi %div3A, %sub3A : i32
      %select_n3A = arith.select %and3A, %sub3A_303, %div3A : i32
      %add3A_304 = arith.addi %mul3A_2, %select_n3A : i32
      %mul3A_305 = arith.constant 200 : i32
      %mul3A_306 = arith.muli %add3A_304, %mul3A_305 : i32
      %add3A_307 = arith.constant 0 : i32
      %add3A_308 = arith.addi %mul3A_306, %add3A_307 : i32
      %dma_start3A_309 = arith.constant 0 : i32
      %dma_start3A_310 = arith.constant 0 : i32
      %dma_start3A_311 = tpu.memref_slice %arg10[%dma_start3A_309, %dma_start3A_310] : memref<104x64xf32, #tpu.memory_space<vmem>> -> memref<96x64xf32, #tpu.memory_space<vmem>>
      %dma_start3A_312 = arith.constant 0 : i32
      %dma_start3A_313 = tpu.memref_slice %arg4[%add3A_308, %dma_start3A_312] : memref<819200x128xf32, #tpu.memory_space<hbm>> -> memref<96x64xf32, #tpu.memory_space<hbm>>
      %dma_start3A_314 = arith.constant 0 : i32
      %dma_start3A_315 = tpu.memref_slice %arg4[%add3A_308, %dma_start3A_314] : memref<819200x128xf32, #tpu.memory_space<hbm>> -> memref<96x64xf32, #tpu.memory_space<hbm>>
      %dma_start3A_316 = arith.constant 0 : i32
      %dma_start3A_317 = arith.constant 0 : i32
      %dma_start3A_318 = tpu.memref_slice %arg10[%dma_start3A_316, %dma_start3A_317] : memref<104x64xf32, #tpu.memory_space<vmem>> -> memref<96x64xf32, #tpu.memory_space<vmem>>
      tpu.enqueue_dma source(%dma_start3A_318 : memref<96x64xf32, #tpu.memory_space<vmem>>) target(%dma_start3A_315 : memref<96x64xf32, #tpu.memory_space<hbm>>) target_semaphore(%arg18 : memref<!tpu.dma_semaphore, #tpu.memory_space<semaphore_mem>>)
      %add3A_319 = arith.constant 4 : i32
      %add3A_320 = arith.addi %add3A_270, %add3A_319 : i32
      %jit3A_321 = arith.constant 2 : i32
      %div3A_322 = arith.divsi %add3A_320, %jit3A_321 : i32
      %sign3A_323 = arith.constant 0 : i32
      %sign3A_324 = arith.cmpi sgt, %add3A_320, %sign3A_323 : i32
      %sign3A_325 = arith.extui %sign3A_324 : i1 to i32
      %sign3A_326 = arith.constant 0 : i32
      %sign3A_327 = arith.cmpi slt, %add3A_320, %sign3A_326 : i32
      %sign3A_328 = arith.extui %sign3A_327 : i1 to i32
      %sign3A_329 = arith.subi %sign3A_325, %sign3A_328 : i32
      %sign3A_330 = arith.constant 0 : i32
      %sign3A_331 = arith.cmpi sgt, %jit3A_321, %sign3A_330 : i32
      %sign3A_332 = arith.extui %sign3A_331 : i1 to i32
      %sign3A_333 = arith.constant 0 : i32
      %sign3A_334 = arith.cmpi slt, %jit3A_321, %sign3A_333 : i32
      %sign3A_335 = arith.extui %sign3A_334 : i1 to i32
      %sign3A_336 = arith.subi %sign3A_332, %sign3A_335 : i32
      %ne3A_337 = arith.cmpi ne, %sign3A_329, %sign3A_336 : i32
      %rem3A_338 = arith.remsi %add3A_320, %jit3A_321 : i32
      %ne3A_339 = arith.constant 0 : i32
      %ne3A_340 = arith.cmpi ne, %rem3A_338, %ne3A_339 : i32
      %and3A_341 = arith.andi %ne3A_337, %ne3A_340 : i1
      %sub3A_342 = arith.constant 1 : i32
      %sub3A_343 = arith.subi %div3A_322, %sub3A_342 : i32
      %select_n3A_344 = arith.select %and3A_341, %sub3A_343, %div3A_322 : i32
      %dma_start3A_345 = arith.constant 0 : i32
      %dma_start3A_346 = arith.constant 0 : i32
      %dma_start3A_347 = tpu.memref_slice %arg6[%dma_start3A_345, %dma_start3A_346] : memref<104x64xf32, #tpu.memory_space<vmem>> -> memref<96x64xf32, #tpu.memory_space<vmem>>
      %dma_start3A_348 = arith.constant 0 : i32
      %dma_start3A_349 = tpu.memref_slice %arg5[%select_n3A_344, %dma_start3A_348] : memref<128x200xi32, #tpu.memory_space<vmem>> -> memref<1x96xi32, #tpu.memory_space<vmem>>
      %dma_start3A_350 = tpu.memref_squeeze %dma_start3A_349 : memref<1x96xi32, #tpu.memory_space<vmem>> -> memref<96xi32, #tpu.memory_space<vmem>>
      %dma_start3A_351 = arith.constant 0 : i32
      %dma_start3A_352 = arith.constant 0 : i32
      %dma_start3A_353 = tpu.memref_slice %arg3[%dma_start3A_351, %dma_start3A_352] : memref<2000000x64xf32, #tpu.memory_space<hbm>> -> memref<2000000x64xf32, #tpu.memory_space<hbm>>
      tpu.enqueue_indirect_dma source(%dma_start3A_353 : memref<2000000x64xf32, #tpu.memory_space<hbm>>) target(%dma_start3A_347 : memref<96x64xf32, #tpu.memory_space<vmem>>) offsets(%dma_start3A_350 : memref<96xi32, #tpu.memory_space<vmem>>) semaphore(%arg14 : memref<!tpu.dma_semaphore, #tpu.memory_space<semaphore_mem>>)
      %add3A_354 = arith.constant 1 : i32
      %add3A_355 = arith.addi %add3A_268, %add3A_354 : i32
      %dma_wait3A_356 = arith.constant 0 : i32
      %dma_wait3A_357 = arith.constant 0 : i32
      %dma_wait3A_358 = tpu.memref_slice %arg7[%dma_wait3A_356, %dma_wait3A_357] : memref<104x64xf32, #tpu.memory_space<vmem>> -> memref<104x64xf32, #tpu.memory_space<vmem>>
      %dma_wait3A_359 = arith.constant 0 : i32
      %dma_wait3A_360 = arith.constant 0 : i32
      %dma_wait3A_361 = tpu.memref_slice %arg3[%dma_wait3A_359, %dma_wait3A_360] : memref<2000000x64xf32, #tpu.memory_space<hbm>> -> memref<104x64xf32, #tpu.memory_space<hbm>>
      %dma_wait3A_362 = arith.constant 0 : i32
      %dma_wait3A_363 = arith.constant 0 : i32
      %dma_wait3A_364 = tpu.memref_slice %arg7[%dma_wait3A_362, %dma_wait3A_363] : memref<104x64xf32, #tpu.memory_space<vmem>> -> memref<104x64xf32, #tpu.memory_space<vmem>>
      %dma_wait3A_365 = arith.constant 0 : i32
      %dma_wait3A_366 = arith.constant 0 : i32
      %dma_wait3A_367 = tpu.memref_slice %arg3[%dma_wait3A_365, %dma_wait3A_366] : memref<2000000x64xf32, #tpu.memory_space<hbm>> -> memref<104x64xf32, #tpu.memory_space<hbm>>
      tpu.wait_dma2 semaphore(%arg15 : memref<!tpu.dma_semaphore, #tpu.memory_space<semaphore_mem>>) src(%dma_wait3A_367 : memref<104x64xf32, #tpu.memory_space<hbm>>) dst(%dma_wait3A_364 : memref<104x64xf32, #tpu.memory_space<vmem>>)
      %gt3A_368 = arith.constant 0 : i32
      %gt3A_369 = arith.cmpi sgt, %add3A_268, %gt3A_368 : i32
      %convert_element_type3A_370 = arith.extui %gt3A_369 : i1 to i32
      %cond3A_371 = arith.constant 0 : i32
      %cond3A_372 = arith.cmpi ne, %convert_element_type3A_370, %cond3A_371 : i32
      scf.if %cond3A_372 {
        %dma_wait3A_642 = arith.constant 0 : i32
        %dma_wait3A_643 = arith.constant 0 : i32
        %dma_wait3A_644 = tpu.memref_slice %arg11[%dma_wait3A_642, %dma_wait3A_643] : memref<104x64xf32, #tpu.memory_space<vmem>> -> memref<104x64xf32, #tpu.memory_space<vmem>>
        %dma_wait3A_645 = arith.constant 0 : i32
        %dma_wait3A_646 = arith.constant 0 : i32
        %dma_wait3A_647 = tpu.memref_slice %arg4[%dma_wait3A_645, %dma_wait3A_646] : memref<819200x128xf32, #tpu.memory_space<hbm>> -> memref<104x64xf32, #tpu.memory_space<hbm>>
        %dma_wait3A_648 = arith.constant 0 : i32
        %dma_wait3A_649 = arith.constant 0 : i32
        %dma_wait3A_650 = tpu.memref_slice %arg4[%dma_wait3A_648, %dma_wait3A_649] : memref<819200x128xf32, #tpu.memory_space<hbm>> -> memref<104x64xf32, #tpu.memory_space<hbm>>
        %dma_wait3A_651 = arith.constant 0 : i32
        %dma_wait3A_652 = arith.constant 0 : i32
        %dma_wait3A_653 = tpu.memref_slice %arg11[%dma_wait3A_651, %dma_wait3A_652] : memref<104x64xf32, #tpu.memory_space<vmem>> -> memref<104x64xf32, #tpu.memory_space<vmem>>
        tpu.wait_dma2 semaphore(%arg19 : memref<!tpu.dma_semaphore, #tpu.memory_space<semaphore_mem>>) src(%dma_wait3A_653 : memref<104x64xf32, #tpu.memory_space<vmem>>) dst(%dma_wait3A_650 : memref<104x64xf32, #tpu.memory_space<hbm>>)
      } else {
      }
      %parallel_loop3A_373 = arith.constant 0 : i32
      %parallel_loop3A_374 = arith.constant 104 : i32
      %parallel_loop3A_375 = arith.constant 1 : i32
      scf.for %parallel_loop3A_642 = %parallel_loop3A_373 to %parallel_loop3A_374 step %parallel_loop3A_375  : i32 {
        %parallel_loop3A_643 = arith.index_cast %parallel_loop3A_642 : i32 to index
        %parallel_loop3A_644 = arith.constant 0 : index
        %parallel_loop3A_645 = tpu.vector_load %arg7[%parallel_loop3A_643, %parallel_loop3A_644] {strides = array<i32>} : memref<104x64xf32, #tpu.memory_space<vmem>>, vector<1x16xf32>,
        %parallel_loop3A_646 = vector.shape_cast %parallel_loop3A_645 : vector<1x16xf32> to vector<16xf32>
        %parallel_loop3A_647 = arith.constant 8.000000e+00 : f32
        %parallel_loop3A_648 = vector.broadcast %parallel_loop3A_647 : f32 to vector<16xf32>
        %parallel_loop3A_649 = arith.mulf %parallel_loop3A_646, %parallel_loop3A_648 : vector<16xf32>
        %parallel_loop3A_650 = arith.index_cast %parallel_loop3A_642 : i32 to index
        %parallel_loop3A_651 = arith.constant 0 : index
        %parallel_loop3A_652 = tpu.vector_load %arg11[%parallel_loop3A_650, %parallel_loop3A_651] {strides = array<i32>} : memref<104x64xf32, #tpu.memory_space<vmem>>, vector<1x16xf32>,
        %parallel_loop3A_653 = vector.shape_cast %parallel_loop3A_652 : vector<1x16xf32> to vector<16xf32>
        %parallel_loop3A_654 = vector.shape_cast %parallel_loop3A_649 : vector<16xf32> to vector<1x16xf32>
        tpu.vector_store %arg11[%parallel_loop3A_650, %parallel_loop3A_651], %parallel_loop3A_654 {strides = array<i32>} : memref<104x64xf32, #tpu.memory_space<vmem>>, vector<1x16xf32>,
        %parallel_loop3A_655 = arith.index_cast %parallel_loop3A_642 : i32 to index
        %parallel_loop3A_656 = arith.constant 16 : index
        %parallel_loop3A_657 = tpu.vector_load %arg7[%parallel_loop3A_655, %parallel_loop3A_656] {strides = array<i32>} : memref<104x64xf32, #tpu.memory_space<vmem>>, vector<1x16xf32>,
        %parallel_loop3A_658 = vector.shape_cast %parallel_loop3A_657 : vector<1x16xf32> to vector<16xf32>
        %parallel_loop3A_659 = arith.constant 8.000000e+00 : f32
        %parallel_loop3A_660 = vector.broadcast %parallel_loop3A_659 : f32 to vector<16xf32>
        %parallel_loop3A_661 = arith.mulf %parallel_loop3A_658, %parallel_loop3A_660 : vector<16xf32>
        %parallel_loop3A_662 = arith.index_cast %parallel_loop3A_642 : i32 to index
        %parallel_loop3A_663 = arith.constant 16 : index
        %parallel_loop3A_664 = tpu.vector_load %arg11[%parallel_loop3A_662, %parallel_loop3A_663] {strides = array<i32>} : memref<104x64xf32, #tpu.memory_space<vmem>>, vector<1x16xf32>,
        %parallel_loop3A_665 = vector.shape_cast %parallel_loop3A_664 : vector<1x16xf32> to vector<16xf32>
        %parallel_loop3A_666 = vector.shape_cast %parallel_loop3A_661 : vector<16xf32> to vector<1x16xf32>
        tpu.vector_store %arg11[%parallel_loop3A_662, %parallel_loop3A_663], %parallel_loop3A_666 {strides = array<i32>} : memref<104x64xf32, #tpu.memory_space<vmem>>, vector<1x16xf32>,
        %parallel_loop3A_667 = arith.index_cast %parallel_loop3A_642 : i32 to index
        %parallel_loop3A_668 = arith.constant 32 : index
        %parallel_loop3A_669 = tpu.vector_load %arg7[%parallel_loop3A_667, %parallel_loop3A_668] {strides = array<i32>} : memref<104x64xf32, #tpu.memory_space<vmem>>, vector<1x16xf32>,
        %parallel_loop3A_670 = vector.shape_cast %parallel_loop3A_669 : vector<1x16xf32> to vector<16xf32>
        %parallel_loop3A_671 = arith.constant 8.000000e+00 : f32
        %parallel_loop3A_672 = vector.broadcast %parallel_loop3A_671 : f32 to vector<16xf32>
        %parallel_loop3A_673 = arith.mulf %parallel_loop3A_670, %parallel_loop3A_672 : vector<16xf32>
        %parallel_loop3A_674 = arith.index_cast %parallel_loop3A_642 : i32 to index
        %parallel_loop3A_675 = arith.constant 32 : index
        %parallel_loop3A_676 = tpu.vector_load %arg11[%parallel_loop3A_674, %parallel_loop3A_675] {strides = array<i32>} : memref<104x64xf32, #tpu.memory_space<vmem>>, vector<1x16xf32>,
        %parallel_loop3A_677 = vector.shape_cast %parallel_loop3A_676 : vector<1x16xf32> to vector<16xf32>
        %parallel_loop3A_678 = vector.shape_cast %parallel_loop3A_673 : vector<16xf32> to vector<1x16xf32>
        tpu.vector_store %arg11[%parallel_loop3A_674, %parallel_loop3A_675], %parallel_loop3A_678 {strides = array<i32>} : memref<104x64xf32, #tpu.memory_space<vmem>>, vector<1x16xf32>,
        %parallel_loop3A_679 = arith.index_cast %parallel_loop3A_642 : i32 to index
        %parallel_loop3A_680 = arith.constant 48 : index
        %parallel_loop3A_681 = tpu.vector_load %arg7[%parallel_loop3A_679, %parallel_loop3A_680] {strides = array<i32>} : memref<104x64xf32, #tpu.memory_space<vmem>>, vector<1x16xf32>,
        %parallel_loop3A_682 = vector.shape_cast %parallel_loop3A_681 : vector<1x16xf32> to vector<16xf32>
        %parallel_loop3A_683 = arith.constant 8.000000e+00 : f32
        %parallel_loop3A_684 = vector.broadcast %parallel_loop3A_683 : f32 to vector<16xf32>
        %parallel_loop3A_685 = arith.mulf %parallel_loop3A_682, %parallel_loop3A_684 : vector<16xf32>
        %parallel_loop3A_686 = arith.index_cast %parallel_loop3A_642 : i32 to index
        %parallel_loop3A_687 = arith.constant 48 : index
        %parallel_loop3A_688 = tpu.vector_load %arg11[%parallel_loop3A_686, %parallel_loop3A_687] {strides = array<i32>} : memref<104x64xf32, #tpu.memory_space<vmem>>, vector<1x16xf32>,
        %parallel_loop3A_689 = vector.shape_cast %parallel_loop3A_688 : vector<1x16xf32> to vector<16xf32>
        %parallel_loop3A_690 = vector.shape_cast %parallel_loop3A_685 : vector<16xf32> to vector<1x16xf32>
        tpu.vector_store %arg11[%parallel_loop3A_686, %parallel_loop3A_687], %parallel_loop3A_690 {strides = array<i32>} : memref<104x64xf32, #tpu.memory_space<vmem>>, vector<1x16xf32>,
      } {sc.loop_unroll_factor = 4 : i64, sc.parallel_access}
      %jit3A_376 = arith.constant 2 : i32
      %div3A_377 = arith.divsi %add3A_355, %jit3A_376 : i32
      %sign3A_378 = arith.constant 0 : i32
      %sign3A_379 = arith.cmpi sgt, %add3A_355, %sign3A_378 : i32
      %sign3A_380 = arith.extui %sign3A_379 : i1 to i32
      %sign3A_381 = arith.constant 0 : i32
      %sign3A_382 = arith.cmpi slt, %add3A_355, %sign3A_381 : i32
      %sign3A_383 = arith.extui %sign3A_382 : i1 to i32
      %sign3A_384 = arith.subi %sign3A_380, %sign3A_383 : i32
      %sign3A_385 = arith.constant 0 : i32
      %sign3A_386 = arith.cmpi sgt, %jit3A_376, %sign3A_385 : i32
      %sign3A_387 = arith.extui %sign3A_386 : i1 to i32
      %sign3A_388 = arith.constant 0 : i32
      %sign3A_389 = arith.cmpi slt, %jit3A_376, %sign3A_388 : i32
      %sign3A_390 = arith.extui %sign3A_389 : i1 to i32
      %sign3A_391 = arith.subi %sign3A_387, %sign3A_390 : i32
      %ne3A_392 = arith.cmpi ne, %sign3A_384, %sign3A_391 : i32
      %rem3A_393 = arith.remsi %add3A_355, %jit3A_376 : i32
      %ne3A_394 = arith.constant 0 : i32
      %ne3A_395 = arith.cmpi ne, %rem3A_393, %ne3A_394 : i32
      %and3A_396 = arith.andi %ne3A_392, %ne3A_395 : i1
      %sub3A_397 = arith.constant 1 : i32
      %sub3A_398 = arith.subi %div3A_377, %sub3A_397 : i32
      %select_n3A_399 = arith.select %and3A_396, %sub3A_398, %div3A_377 : i32
      %add3A_400 = arith.addi %mul3A_2, %select_n3A_399 : i32
      %mul3A_401 = arith.constant 200 : i32
      %mul3A_402 = arith.muli %add3A_400, %mul3A_401 : i32
      %add3A_403 = arith.constant 96 : i32
      %add3A_404 = arith.addi %mul3A_402, %add3A_403 : i32
      %dma_start3A_405 = arith.constant 0 : i32
      %dma_start3A_406 = arith.constant 0 : i32
      %dma_start3A_407 = tpu.memref_slice %arg11[%dma_start3A_405, %dma_start3A_406] : memref<104x64xf32, #tpu.memory_space<vmem>> -> memref<104x64xf32, #tpu.memory_space<vmem>>
      %dma_start3A_408 = arith.constant 0 : i32
      %dma_start3A_409 = tpu.memref_slice %arg4[%add3A_404, %dma_start3A_408] : memref<819200x128xf32, #tpu.memory_space<hbm>> -> memref<104x64xf32, #tpu.memory_space<hbm>>
      %dma_start3A_410 = arith.constant 0 : i32
      %dma_start3A_411 = tpu.memref_slice %arg4[%add3A_404, %dma_start3A_410] : memref<819200x128xf32, #tpu.memory_space<hbm>> -> memref<104x64xf32, #tpu.memory_space<hbm>>
      %dma_start3A_412 = arith.constant 0 : i32
      %dma_start3A_413 = arith.constant 0 : i32
      %dma_start3A_414 = tpu.memref_slice %arg11[%dma_start3A_412, %dma_start3A_413] : memref<104x64xf32, #tpu.memory_space<vmem>> -> memref<104x64xf32, #tpu.memory_space<vmem>>
      tpu.enqueue_dma source(%dma_start3A_414 : memref<104x64xf32, #tpu.memory_space<vmem>>) target(%dma_start3A_411 : memref<104x64xf32, #tpu.memory_space<hbm>>) target_semaphore(%arg19 : memref<!tpu.dma_semaphore, #tpu.memory_space<semaphore_mem>>)
      %add3A_415 = arith.constant 4 : i32
      %add3A_416 = arith.addi %add3A_355, %add3A_415 : i32
      %jit3A_417 = arith.constant 2 : i32
      %div3A_418 = arith.divsi %add3A_416, %jit3A_417 : i32
      %sign3A_419 = arith.constant 0 : i32
      %sign3A_420 = arith.cmpi sgt, %add3A_416, %sign3A_419 : i32
      %sign3A_421 = arith.extui %sign3A_420 : i1 to i32
      %sign3A_422 = arith.constant 0 : i32
      %sign3A_423 = arith.cmpi slt, %add3A_416, %sign3A_422 : i32
      %sign3A_424 = arith.extui %sign3A_423 : i1 to i32
      %sign3A_425 = arith.subi %sign3A_421, %sign3A_424 : i32
      %sign3A_426 = arith.constant 0 : i32
      %sign3A_427 = arith.cmpi sgt, %jit3A_417, %sign3A_426 : i32
      %sign3A_428 = arith.extui %sign3A_427 : i1 to i32
      %sign3A_429 = arith.constant 0 : i32
      %sign3A_430 = arith.cmpi slt, %jit3A_417, %sign3A_429 : i32
      %sign3A_431 = arith.extui %sign3A_430 : i1 to i32
      %sign3A_432 = arith.subi %sign3A_428, %sign3A_431 : i32
      %ne3A_433 = arith.cmpi ne, %sign3A_425, %sign3A_432 : i32
      %rem3A_434 = arith.remsi %add3A_416, %jit3A_417 : i32
      %ne3A_435 = arith.constant 0 : i32
      %ne3A_436 = arith.cmpi ne, %rem3A_434, %ne3A_435 : i32
      %and3A_437 = arith.andi %ne3A_433, %ne3A_436 : i1
      %sub3A_438 = arith.constant 1 : i32
      %sub3A_439 = arith.subi %div3A_418, %sub3A_438 : i32
      %select_n3A_440 = arith.select %and3A_437, %sub3A_439, %div3A_418 : i32
      %dma_start3A_441 = arith.constant 0 : i32
      %dma_start3A_442 = arith.constant 0 : i32
      %dma_start3A_443 = tpu.memref_slice %arg7[%dma_start3A_441, %dma_start3A_442] : memref<104x64xf32, #tpu.memory_space<vmem>> -> memref<104x64xf32, #tpu.memory_space<vmem>>
      %dma_start3A_444 = arith.constant 96 : i32
      %dma_start3A_445 = tpu.memref_slice %arg5[%select_n3A_440, %dma_start3A_444] : memref<128x200xi32, #tpu.memory_space<vmem>> -> memref<1x104xi32, #tpu.memory_space<vmem>>
      %dma_start3A_446 = tpu.memref_squeeze %dma_start3A_445 : memref<1x104xi32, #tpu.memory_space<vmem>> -> memref<104xi32, #tpu.memory_space<vmem>>
      %dma_start3A_447 = arith.constant 0 : i32
      %dma_start3A_448 = arith.constant 0 : i32
      %dma_start3A_449 = tpu.memref_slice %arg3[%dma_start3A_447, %dma_start3A_448] : memref<2000000x64xf32, #tpu.memory_space<hbm>> -> memref<2000000x64xf32, #tpu.memory_space<hbm>>
      tpu.enqueue_indirect_dma source(%dma_start3A_449 : memref<2000000x64xf32, #tpu.memory_space<hbm>>) target(%dma_start3A_443 : memref<104x64xf32, #tpu.memory_space<vmem>>) offsets(%dma_start3A_446 : memref<104xi32, #tpu.memory_space<vmem>>) semaphore(%arg15 : memref<!tpu.dma_semaphore, #tpu.memory_space<semaphore_mem>>)
      %add3A_450 = arith.constant 2 : i32
      %add3A_451 = arith.addi %add3A_268, %add3A_450 : i32
      %dma_wait3A_452 = arith.constant 0 : i32
      %dma_wait3A_453 = arith.constant 0 : i32
      %dma_wait3A_454 = tpu.memref_slice %arg8[%dma_wait3A_452, %dma_wait3A_453] : memref<104x64xf32, #tpu.memory_space<vmem>> -> memref<96x64xf32, #tpu.memory_space<vmem>>
      %dma_wait3A_455 = arith.constant 0 : i32
      %dma_wait3A_456 = arith.constant 0 : i32
      %dma_wait3A_457 = tpu.memref_slice %arg3[%dma_wait3A_455, %dma_wait3A_456] : memref<2000000x64xf32, #tpu.memory_space<hbm>> -> memref<96x64xf32, #tpu.memory_space<hbm>>
      %dma_wait3A_458 = arith.constant 0 : i32
      %dma_wait3A_459 = arith.constant 0 : i32
      %dma_wait3A_460 = tpu.memref_slice %arg8[%dma_wait3A_458, %dma_wait3A_459] : memref<104x64xf32, #tpu.memory_space<vmem>> -> memref<96x64xf32, #tpu.memory_space<vmem>>
      %dma_wait3A_461 = arith.constant 0 : i32
      %dma_wait3A_462 = arith.constant 0 : i32
      %dma_wait3A_463 = tpu.memref_slice %arg3[%dma_wait3A_461, %dma_wait3A_462] : memref<2000000x64xf32, #tpu.memory_space<hbm>> -> memref<96x64xf32, #tpu.memory_space<hbm>>
      tpu.wait_dma2 semaphore(%arg16 : memref<!tpu.dma_semaphore, #tpu.memory_space<semaphore_mem>>) src(%dma_wait3A_463 : memref<96x64xf32, #tpu.memory_space<hbm>>) dst(%dma_wait3A_460 : memref<96x64xf32, #tpu.memory_space<vmem>>)
      %gt3A_464 = arith.constant 0 : i32
      %gt3A_465 = arith.cmpi sgt, %add3A_268, %gt3A_464 : i32
      %convert_element_type3A_466 = arith.extui %gt3A_465 : i1 to i32
      %cond3A_467 = arith.constant 0 : i32
      %cond3A_468 = arith.cmpi ne, %convert_element_type3A_466, %cond3A_467 : i32
      scf.if %cond3A_468 {
        %dma_wait3A_642 = arith.constant 0 : i32
        %dma_wait3A_643 = arith.constant 0 : i32
        %dma_wait3A_644 = tpu.memref_slice %arg12[%dma_wait3A_642, %dma_wait3A_643] : memref<104x64xf32, #tpu.memory_space<vmem>> -> memref<96x64xf32, #tpu.memory_space<vmem>>
        %dma_wait3A_645 = arith.constant 0 : i32
        %dma_wait3A_646 = arith.constant 0 : i32
        %dma_wait3A_647 = tpu.memref_slice %arg4[%dma_wait3A_645, %dma_wait3A_646] : memref<819200x128xf32, #tpu.memory_space<hbm>> -> memref<96x64xf32, #tpu.memory_space<hbm>>
        %dma_wait3A_648 = arith.constant 0 : i32
        %dma_wait3A_649 = arith.constant 0 : i32
        %dma_wait3A_650 = tpu.memref_slice %arg4[%dma_wait3A_648, %dma_wait3A_649] : memref<819200x128xf32, #tpu.memory_space<hbm>> -> memref<96x64xf32, #tpu.memory_space<hbm>>
        %dma_wait3A_651 = arith.constant 0 : i32
        %dma_wait3A_652 = arith.constant 0 : i32
        %dma_wait3A_653 = tpu.memref_slice %arg12[%dma_wait3A_651, %dma_wait3A_652] : memref<104x64xf32, #tpu.memory_space<vmem>> -> memref<96x64xf32, #tpu.memory_space<vmem>>
        tpu.wait_dma2 semaphore(%arg20 : memref<!tpu.dma_semaphore, #tpu.memory_space<semaphore_mem>>) src(%dma_wait3A_653 : memref<96x64xf32, #tpu.memory_space<vmem>>) dst(%dma_wait3A_650 : memref<96x64xf32, #tpu.memory_space<hbm>>)
      } else {
      }
      %parallel_loop3A_469 = arith.constant 0 : i32
      %parallel_loop3A_470 = arith.constant 96 : i32
      %parallel_loop3A_471 = arith.constant 1 : i32
      scf.for %parallel_loop3A_642 = %parallel_loop3A_469 to %parallel_loop3A_470 step %parallel_loop3A_471  : i32 {
        %parallel_loop3A_643 = arith.index_cast %parallel_loop3A_642 : i32 to index
        %parallel_loop3A_644 = arith.constant 0 : index
        %parallel_loop3A_645 = tpu.vector_load %arg8[%parallel_loop3A_643, %parallel_loop3A_644] {strides = array<i32>} : memref<104x64xf32, #tpu.memory_space<vmem>>, vector<1x16xf32>,
        %parallel_loop3A_646 = vector.shape_cast %parallel_loop3A_645 : vector<1x16xf32> to vector<16xf32>
        %parallel_loop3A_647 = arith.constant 8.000000e+00 : f32
        %parallel_loop3A_648 = vector.broadcast %parallel_loop3A_647 : f32 to vector<16xf32>
        %parallel_loop3A_649 = arith.mulf %parallel_loop3A_646, %parallel_loop3A_648 : vector<16xf32>
        %parallel_loop3A_650 = arith.index_cast %parallel_loop3A_642 : i32 to index
        %parallel_loop3A_651 = arith.constant 0 : index
        %parallel_loop3A_652 = tpu.vector_load %arg12[%parallel_loop3A_650, %parallel_loop3A_651] {strides = array<i32>} : memref<104x64xf32, #tpu.memory_space<vmem>>, vector<1x16xf32>,
        %parallel_loop3A_653 = vector.shape_cast %parallel_loop3A_652 : vector<1x16xf32> to vector<16xf32>
        %parallel_loop3A_654 = vector.shape_cast %parallel_loop3A_649 : vector<16xf32> to vector<1x16xf32>
        tpu.vector_store %arg12[%parallel_loop3A_650, %parallel_loop3A_651], %parallel_loop3A_654 {strides = array<i32>} : memref<104x64xf32, #tpu.memory_space<vmem>>, vector<1x16xf32>,
        %parallel_loop3A_655 = arith.index_cast %parallel_loop3A_642 : i32 to index
        %parallel_loop3A_656 = arith.constant 16 : index
        %parallel_loop3A_657 = tpu.vector_load %arg8[%parallel_loop3A_655, %parallel_loop3A_656] {strides = array<i32>} : memref<104x64xf32, #tpu.memory_space<vmem>>, vector<1x16xf32>,
        %parallel_loop3A_658 = vector.shape_cast %parallel_loop3A_657 : vector<1x16xf32> to vector<16xf32>
        %parallel_loop3A_659 = arith.constant 8.000000e+00 : f32
        %parallel_loop3A_660 = vector.broadcast %parallel_loop3A_659 : f32 to vector<16xf32>
        %parallel_loop3A_661 = arith.mulf %parallel_loop3A_658, %parallel_loop3A_660 : vector<16xf32>
        %parallel_loop3A_662 = arith.index_cast %parallel_loop3A_642 : i32 to index
        %parallel_loop3A_663 = arith.constant 16 : index
        %parallel_loop3A_664 = tpu.vector_load %arg12[%parallel_loop3A_662, %parallel_loop3A_663] {strides = array<i32>} : memref<104x64xf32, #tpu.memory_space<vmem>>, vector<1x16xf32>,
        %parallel_loop3A_665 = vector.shape_cast %parallel_loop3A_664 : vector<1x16xf32> to vector<16xf32>
        %parallel_loop3A_666 = vector.shape_cast %parallel_loop3A_661 : vector<16xf32> to vector<1x16xf32>
        tpu.vector_store %arg12[%parallel_loop3A_662, %parallel_loop3A_663], %parallel_loop3A_666 {strides = array<i32>} : memref<104x64xf32, #tpu.memory_space<vmem>>, vector<1x16xf32>,
        %parallel_loop3A_667 = arith.index_cast %parallel_loop3A_642 : i32 to index
        %parallel_loop3A_668 = arith.constant 32 : index
        %parallel_loop3A_669 = tpu.vector_load %arg8[%parallel_loop3A_667, %parallel_loop3A_668] {strides = array<i32>} : memref<104x64xf32, #tpu.memory_space<vmem>>, vector<1x16xf32>,
        %parallel_loop3A_670 = vector.shape_cast %parallel_loop3A_669 : vector<1x16xf32> to vector<16xf32>
        %parallel_loop3A_671 = arith.constant 8.000000e+00 : f32
        %parallel_loop3A_672 = vector.broadcast %parallel_loop3A_671 : f32 to vector<16xf32>
        %parallel_loop3A_673 = arith.mulf %parallel_loop3A_670, %parallel_loop3A_672 : vector<16xf32>
        %parallel_loop3A_674 = arith.index_cast %parallel_loop3A_642 : i32 to index
        %parallel_loop3A_675 = arith.constant 32 : index
        %parallel_loop3A_676 = tpu.vector_load %arg12[%parallel_loop3A_674, %parallel_loop3A_675] {strides = array<i32>} : memref<104x64xf32, #tpu.memory_space<vmem>>, vector<1x16xf32>,
        %parallel_loop3A_677 = vector.shape_cast %parallel_loop3A_676 : vector<1x16xf32> to vector<16xf32>
        %parallel_loop3A_678 = vector.shape_cast %parallel_loop3A_673 : vector<16xf32> to vector<1x16xf32>
        tpu.vector_store %arg12[%parallel_loop3A_674, %parallel_loop3A_675], %parallel_loop3A_678 {strides = array<i32>} : memref<104x64xf32, #tpu.memory_space<vmem>>, vector<1x16xf32>,
        %parallel_loop3A_679 = arith.index_cast %parallel_loop3A_642 : i32 to index
        %parallel_loop3A_680 = arith.constant 48 : index
        %parallel_loop3A_681 = tpu.vector_load %arg8[%parallel_loop3A_679, %parallel_loop3A_680] {strides = array<i32>} : memref<104x64xf32, #tpu.memory_space<vmem>>, vector<1x16xf32>,
        %parallel_loop3A_682 = vector.shape_cast %parallel_loop3A_681 : vector<1x16xf32> to vector<16xf32>
        %parallel_loop3A_683 = arith.constant 8.000000e+00 : f32
        %parallel_loop3A_684 = vector.broadcast %parallel_loop3A_683 : f32 to vector<16xf32>
        %parallel_loop3A_685 = arith.mulf %parallel_loop3A_682, %parallel_loop3A_684 : vector<16xf32>
        %parallel_loop3A_686 = arith.index_cast %parallel_loop3A_642 : i32 to index
        %parallel_loop3A_687 = arith.constant 48 : index
        %parallel_loop3A_688 = tpu.vector_load %arg12[%parallel_loop3A_686, %parallel_loop3A_687] {strides = array<i32>} : memref<104x64xf32, #tpu.memory_space<vmem>>, vector<1x16xf32>,
        %parallel_loop3A_689 = vector.shape_cast %parallel_loop3A_688 : vector<1x16xf32> to vector<16xf32>
        %parallel_loop3A_690 = vector.shape_cast %parallel_loop3A_685 : vector<16xf32> to vector<1x16xf32>
        tpu.vector_store %arg12[%parallel_loop3A_686, %parallel_loop3A_687], %parallel_loop3A_690 {strides = array<i32>} : memref<104x64xf32, #tpu.memory_space<vmem>>, vector<1x16xf32>,
      } {sc.loop_unroll_factor = 4 : i64, sc.parallel_access}
      %jit3A_472 = arith.constant 2 : i32
      %div3A_473 = arith.divsi %add3A_451, %jit3A_472 : i32
      %sign3A_474 = arith.constant 0 : i32
      %sign3A_475 = arith.cmpi sgt, %add3A_451, %sign3A_474 : i32
      %sign3A_476 = arith.extui %sign3A_475 : i1 to i32
      %sign3A_477 = arith.constant 0 : i32
      %sign3A_478 = arith.cmpi slt, %add3A_451, %sign3A_477 : i32
      %sign3A_479 = arith.extui %sign3A_478 : i1 to i32
      %sign3A_480 = arith.subi %sign3A_476, %sign3A_479 : i32
      %sign3A_481 = arith.constant 0 : i32
      %sign3A_482 = arith.cmpi sgt, %jit3A_472, %sign3A_481 : i32
      %sign3A_483 = arith.extui %sign3A_482 : i1 to i32
      %sign3A_484 = arith.constant 0 : i32
      %sign3A_485 = arith.cmpi slt, %jit3A_472, %sign3A_484 : i32
      %sign3A_486 = arith.extui %sign3A_485 : i1 to i32
      %sign3A_487 = arith.subi %sign3A_483, %sign3A_486 : i32
      %ne3A_488 = arith.cmpi ne, %sign3A_480, %sign3A_487 : i32
      %rem3A_489 = arith.remsi %add3A_451, %jit3A_472 : i32
      %ne3A_490 = arith.constant 0 : i32
      %ne3A_491 = arith.cmpi ne, %rem3A_489, %ne3A_490 : i32
      %and3A_492 = arith.andi %ne3A_488, %ne3A_491 : i1
      %sub3A_493 = arith.constant 1 : i32
      %sub3A_494 = arith.subi %div3A_473, %sub3A_493 : i32
      %select_n3A_495 = arith.select %and3A_492, %sub3A_494, %div3A_473 : i32
      %add3A_496 = arith.addi %mul3A_2, %select_n3A_495 : i32
      %mul3A_497 = arith.constant 200 : i32
      %mul3A_498 = arith.muli %add3A_496, %mul3A_497 : i32
      %add3A_499 = arith.constant 0 : i32
      %add3A_500 = arith.addi %mul3A_498, %add3A_499 : i32
      %dma_start3A_501 = arith.constant 0 : i32
      %dma_start3A_502 = arith.constant 0 : i32
      %dma_start3A_503 = tpu.memref_slice %arg12[%dma_start3A_501, %dma_start3A_502] : memref<104x64xf32, #tpu.memory_space<vmem>> -> memref<96x64xf32, #tpu.memory_space<vmem>>
      %dma_start3A_504 = arith.constant 0 : i32
      %dma_start3A_505 = tpu.memref_slice %arg4[%add3A_500, %dma_start3A_504] : memref<819200x128xf32, #tpu.memory_space<hbm>> -> memref<96x64xf32, #tpu.memory_space<hbm>>
      %dma_start3A_506 = arith.constant 0 : i32
      %dma_start3A_507 = tpu.memref_slice %arg4[%add3A_500, %dma_start3A_506] : memref<819200x128xf32, #tpu.memory_space<hbm>> -> memref<96x64xf32, #tpu.memory_space<hbm>>
      %dma_start3A_508 = arith.constant 0 : i32
      %dma_start3A_509 = arith.constant 0 : i32
      %dma_start3A_510 = tpu.memref_slice %arg12[%dma_start3A_508, %dma_start3A_509] : memref<104x64xf32, #tpu.memory_space<vmem>> -> memref<96x64xf32, #tpu.memory_space<vmem>>
      tpu.enqueue_dma source(%dma_start3A_510 : memref<96x64xf32, #tpu.memory_space<vmem>>) target(%dma_start3A_507 : memref<96x64xf32, #tpu.memory_space<hbm>>) target_semaphore(%arg20 : memref<!tpu.dma_semaphore, #tpu.memory_space<semaphore_mem>>)
      %add3A_511 = arith.constant 4 : i32
      %add3A_512 = arith.addi %add3A_451, %add3A_511 : i32
      %jit3A_513 = arith.constant 2 : i32
      %div3A_514 = arith.divsi %add3A_512, %jit3A_513 : i32
      %sign3A_515 = arith.constant 0 : i32
      %sign3A_516 = arith.cmpi sgt, %add3A_512, %sign3A_515 : i32
      %sign3A_517 = arith.extui %sign3A_516 : i1 to i32
      %sign3A_518 = arith.constant 0 : i32
      %sign3A_519 = arith.cmpi slt, %add3A_512, %sign3A_518 : i32
      %sign3A_520 = arith.extui %sign3A_519 : i1 to i32
      %sign3A_521 = arith.subi %sign3A_517, %sign3A_520 : i32
      %sign3A_522 = arith.constant 0 : i32
      %sign3A_523 = arith.cmpi sgt, %jit3A_513, %sign3A_522 : i32
      %sign3A_524 = arith.extui %sign3A_523 : i1 to i32
      %sign3A_525 = arith.constant 0 : i32
      %sign3A_526 = arith.cmpi slt, %jit3A_513, %sign3A_525 : i32
      %sign3A_527 = arith.extui %sign3A_526 : i1 to i32
      %sign3A_528 = arith.subi %sign3A_524, %sign3A_527 : i32
      %ne3A_529 = arith.cmpi ne, %sign3A_521, %sign3A_528 : i32
      %rem3A_530 = arith.remsi %add3A_512, %jit3A_513 : i32
      %ne3A_531 = arith.constant 0 : i32
      %ne3A_532 = arith.cmpi ne, %rem3A_530, %ne3A_531 : i32
      %and3A_533 = arith.andi %ne3A_529, %ne3A_532 : i1
      %sub3A_534 = arith.constant 1 : i32
      %sub3A_535 = arith.subi %div3A_514, %sub3A_534 : i32
      %select_n3A_536 = arith.select %and3A_533, %sub3A_535, %div3A_514 : i32
      %dma_start3A_537 = arith.constant 0 : i32
      %dma_start3A_538 = arith.constant 0 : i32
      %dma_start3A_539 = tpu.memref_slice %arg8[%dma_start3A_537, %dma_start3A_538] : memref<104x64xf32, #tpu.memory_space<vmem>> -> memref<96x64xf32, #tpu.memory_space<vmem>>
      %dma_start3A_540 = arith.constant 0 : i32
      %dma_start3A_541 = tpu.memref_slice %arg5[%select_n3A_536, %dma_start3A_540] : memref<128x200xi32, #tpu.memory_space<vmem>> -> memref<1x96xi32, #tpu.memory_space<vmem>>
      %dma_start3A_542 = tpu.memref_squeeze %dma_start3A_541 : memref<1x96xi32, #tpu.memory_space<vmem>> -> memref<96xi32, #tpu.memory_space<vmem>>
      %dma_start3A_543 = arith.constant 0 : i32
      %dma_start3A_544 = arith.constant 0 : i32
      %dma_start3A_545 = tpu.memref_slice %arg3[%dma_start3A_543, %dma_start3A_544] : memref<2000000x64xf32, #tpu.memory_space<hbm>> -> memref<2000000x64xf32, #tpu.memory_space<hbm>>
      tpu.enqueue_indirect_dma source(%dma_start3A_545 : memref<2000000x64xf32, #tpu.memory_space<hbm>>) target(%dma_start3A_539 : memref<96x64xf32, #tpu.memory_space<vmem>>) offsets(%dma_start3A_542 : memref<96xi32, #tpu.memory_space<vmem>>) semaphore(%arg16 : memref<!tpu.dma_semaphore, #tpu.memory_space<semaphore_mem>>)
      %add3A_546 = arith.constant 3 : i32
      %add3A_547 = arith.addi %add3A_268, %add3A_546 : i32
      %dma_wait3A_548 = arith.constant 0 : i32
      %dma_wait3A_549 = arith.constant 0 : i32
      %dma_wait3A_550 = tpu.memref_slice %arg9[%dma_wait3A_548, %dma_wait3A_549] : memref<104x64xf32, #tpu.memory_space<vmem>> -> memref<104x64xf32, #tpu.memory_space<vmem>>
      %dma_wait3A_551 = arith.constant 0 : i32
      %dma_wait3A_552 = arith.constant 0 : i32
      %dma_wait3A_553 = tpu.memref_slice %arg3[%dma_wait3A_551, %dma_wait3A_552] : memref<2000000x64xf32, #tpu.memory_space<hbm>> -> memref<104x64xf32, #tpu.memory_space<hbm>>
      %dma_wait3A_554 = arith.constant 0 : i32
      %dma_wait3A_555 = arith.constant 0 : i32
      %dma_wait3A_556 = tpu.memref_slice %arg9[%dma_wait3A_554, %dma_wait3A_555] : memref<104x64xf32, #tpu.memory_space<vmem>> -> memref<104x64xf32, #tpu.memory_space<vmem>>
      %dma_wait3A_557 = arith.constant 0 : i32
      %dma_wait3A_558 = arith.constant 0 : i32
      %dma_wait3A_559 = tpu.memref_slice %arg3[%dma_wait3A_557, %dma_wait3A_558] : memref<2000000x64xf32, #tpu.memory_space<hbm>> -> memref<104x64xf32, #tpu.memory_space<hbm>>
      tpu.wait_dma2 semaphore(%arg17 : memref<!tpu.dma_semaphore, #tpu.memory_space<semaphore_mem>>) src(%dma_wait3A_559 : memref<104x64xf32, #tpu.memory_space<hbm>>) dst(%dma_wait3A_556 : memref<104x64xf32, #tpu.memory_space<vmem>>)
      %gt3A_560 = arith.constant 0 : i32
      %gt3A_561 = arith.cmpi sgt, %add3A_268, %gt3A_560 : i32
      %convert_element_type3A_562 = arith.extui %gt3A_561 : i1 to i32
      %cond3A_563 = arith.constant 0 : i32
      %cond3A_564 = arith.cmpi ne, %convert_element_type3A_562, %cond3A_563 : i32
      scf.if %cond3A_564 {
        %dma_wait3A_642 = arith.constant 0 : i32
        %dma_wait3A_643 = arith.constant 0 : i32
        %dma_wait3A_644 = tpu.memref_slice %arg13[%dma_wait3A_642, %dma_wait3A_643] : memref<104x64xf32, #tpu.memory_space<vmem>> -> memref<104x64xf32, #tpu.memory_space<vmem>>
        %dma_wait3A_645 = arith.constant 0 : i32
        %dma_wait3A_646 = arith.constant 0 : i32
        %dma_wait3A_647 = tpu.memref_slice %arg4[%dma_wait3A_645, %dma_wait3A_646] : memref<819200x128xf32, #tpu.memory_space<hbm>> -> memref<104x64xf32, #tpu.memory_space<hbm>>
        %dma_wait3A_648 = arith.constant 0 : i32
        %dma_wait3A_649 = arith.constant 0 : i32
        %dma_wait3A_650 = tpu.memref_slice %arg4[%dma_wait3A_648, %dma_wait3A_649] : memref<819200x128xf32, #tpu.memory_space<hbm>> -> memref<104x64xf32, #tpu.memory_space<hbm>>
        %dma_wait3A_651 = arith.constant 0 : i32
        %dma_wait3A_652 = arith.constant 0 : i32
        %dma_wait3A_653 = tpu.memref_slice %arg13[%dma_wait3A_651, %dma_wait3A_652] : memref<104x64xf32, #tpu.memory_space<vmem>> -> memref<104x64xf32, #tpu.memory_space<vmem>>
        tpu.wait_dma2 semaphore(%arg21 : memref<!tpu.dma_semaphore, #tpu.memory_space<semaphore_mem>>) src(%dma_wait3A_653 : memref<104x64xf32, #tpu.memory_space<vmem>>) dst(%dma_wait3A_650 : memref<104x64xf32, #tpu.memory_space<hbm>>)
      } else {
      }
      %parallel_loop3A_565 = arith.constant 0 : i32
      %parallel_loop3A_566 = arith.constant 104 : i32
      %parallel_loop3A_567 = arith.constant 1 : i32
      scf.for %parallel_loop3A_642 = %parallel_loop3A_565 to %parallel_loop3A_566 step %parallel_loop3A_567  : i32 {
        %parallel_loop3A_643 = arith.index_cast %parallel_loop3A_642 : i32 to index
        %parallel_loop3A_644 = arith.constant 0 : index
        %parallel_loop3A_645 = tpu.vector_load %arg9[%parallel_loop3A_643, %parallel_loop3A_644] {strides = array<i32>} : memref<104x64xf32, #tpu.memory_space<vmem>>, vector<1x16xf32>,
        %parallel_loop3A_646 = vector.shape_cast %parallel_loop3A_645 : vector<1x16xf32> to vector<16xf32>
        %parallel_loop3A_647 = arith.constant 8.000000e+00 : f32
        %parallel_loop3A_648 = vector.broadcast %parallel_loop3A_647 : f32 to vector<16xf32>
        %parallel_loop3A_649 = arith.mulf %parallel_loop3A_646, %parallel_loop3A_648 : vector<16xf32>
        %parallel_loop3A_650 = arith.index_cast %parallel_loop3A_642 : i32 to index
        %parallel_loop3A_651 = arith.constant 0 : index
        %parallel_loop3A_652 = tpu.vector_load %arg13[%parallel_loop3A_650, %parallel_loop3A_651] {strides = array<i32>} : memref<104x64xf32, #tpu.memory_space<vmem>>, vector<1x16xf32>,
        %parallel_loop3A_653 = vector.shape_cast %parallel_loop3A_652 : vector<1x16xf32> to vector<16xf32>
        %parallel_loop3A_654 = vector.shape_cast %parallel_loop3A_649 : vector<16xf32> to vector<1x16xf32>
        tpu.vector_store %arg13[%parallel_loop3A_650, %parallel_loop3A_651], %parallel_loop3A_654 {strides = array<i32>} : memref<104x64xf32, #tpu.memory_space<vmem>>, vector<1x16xf32>,
        %parallel_loop3A_655 = arith.index_cast %parallel_loop3A_642 : i32 to index
        %parallel_loop3A_656 = arith.constant 16 : index
        %parallel_loop3A_657 = tpu.vector_load %arg9[%parallel_loop3A_655, %parallel_loop3A_656] {strides = array<i32>} : memref<104x64xf32, #tpu.memory_space<vmem>>, vector<1x16xf32>,
        %parallel_loop3A_658 = vector.shape_cast %parallel_loop3A_657 : vector<1x16xf32> to vector<16xf32>
        %parallel_loop3A_659 = arith.constant 8.000000e+00 : f32
        %parallel_loop3A_660 = vector.broadcast %parallel_loop3A_659 : f32 to vector<16xf32>
        %parallel_loop3A_661 = arith.mulf %parallel_loop3A_658, %parallel_loop3A_660 : vector<16xf32>
        %parallel_loop3A_662 = arith.index_cast %parallel_loop3A_642 : i32 to index
        %parallel_loop3A_663 = arith.constant 16 : index
        %parallel_loop3A_664 = tpu.vector_load %arg13[%parallel_loop3A_662, %parallel_loop3A_663] {strides = array<i32>} : memref<104x64xf32, #tpu.memory_space<vmem>>, vector<1x16xf32>,
        %parallel_loop3A_665 = vector.shape_cast %parallel_loop3A_664 : vector<1x16xf32> to vector<16xf32>
        %parallel_loop3A_666 = vector.shape_cast %parallel_loop3A_661 : vector<16xf32> to vector<1x16xf32>
        tpu.vector_store %arg13[%parallel_loop3A_662, %parallel_loop3A_663], %parallel_loop3A_666 {strides = array<i32>} : memref<104x64xf32, #tpu.memory_space<vmem>>, vector<1x16xf32>,
        %parallel_loop3A_667 = arith.index_cast %parallel_loop3A_642 : i32 to index
        %parallel_loop3A_668 = arith.constant 32 : index
        %parallel_loop3A_669 = tpu.vector_load %arg9[%parallel_loop3A_667, %parallel_loop3A_668] {strides = array<i32>} : memref<104x64xf32, #tpu.memory_space<vmem>>, vector<1x16xf32>,
        %parallel_loop3A_670 = vector.shape_cast %parallel_loop3A_669 : vector<1x16xf32> to vector<16xf32>
        %parallel_loop3A_671 = arith.constant 8.000000e+00 : f32
        %parallel_loop3A_672 = vector.broadcast %parallel_loop3A_671 : f32 to vector<16xf32>
        %parallel_loop3A_673 = arith.mulf %parallel_loop3A_670, %parallel_loop3A_672 : vector<16xf32>
        %parallel_loop3A_674 = arith.index_cast %parallel_loop3A_642 : i32 to index
        %parallel_loop3A_675 = arith.constant 32 : index
        %parallel_loop3A_676 = tpu.vector_load %arg13[%parallel_loop3A_674, %parallel_loop3A_675] {strides = array<i32>} : memref<104x64xf32, #tpu.memory_space<vmem>>, vector<1x16xf32>,
        %parallel_loop3A_677 = vector.shape_cast %parallel_loop3A_676 : vector<1x16xf32> to vector<16xf32>
        %parallel_loop3A_678 = vector.shape_cast %parallel_loop3A_673 : vector<16xf32> to vector<1x16xf32>
        tpu.vector_store %arg13[%parallel_loop3A_674, %parallel_loop3A_675], %parallel_loop3A_678 {strides = array<i32>} : memref<104x64xf32, #tpu.memory_space<vmem>>, vector<1x16xf32>,
        %parallel_loop3A_679 = arith.index_cast %parallel_loop3A_642 : i32 to index
        %parallel_loop3A_680 = arith.constant 48 : index
        %parallel_loop3A_681 = tpu.vector_load %arg9[%parallel_loop3A_679, %parallel_loop3A_680] {strides = array<i32>} : memref<104x64xf32, #tpu.memory_space<vmem>>, vector<1x16xf32>,
        %parallel_loop3A_682 = vector.shape_cast %parallel_loop3A_681 : vector<1x16xf32> to vector<16xf32>
        %parallel_loop3A_683 = arith.constant 8.000000e+00 : f32
        %parallel_loop3A_684 = vector.broadcast %parallel_loop3A_683 : f32 to vector<16xf32>
        %parallel_loop3A_685 = arith.mulf %parallel_loop3A_682, %parallel_loop3A_684 : vector<16xf32>
        %parallel_loop3A_686 = arith.index_cast %parallel_loop3A_642 : i32 to index
        %parallel_loop3A_687 = arith.constant 48 : index
        %parallel_loop3A_688 = tpu.vector_load %arg13[%parallel_loop3A_686, %parallel_loop3A_687] {strides = array<i32>} : memref<104x64xf32, #tpu.memory_space<vmem>>, vector<1x16xf32>,
        %parallel_loop3A_689 = vector.shape_cast %parallel_loop3A_688 : vector<1x16xf32> to vector<16xf32>
        %parallel_loop3A_690 = vector.shape_cast %parallel_loop3A_685 : vector<16xf32> to vector<1x16xf32>
        tpu.vector_store %arg13[%parallel_loop3A_686, %parallel_loop3A_687], %parallel_loop3A_690 {strides = array<i32>} : memref<104x64xf32, #tpu.memory_space<vmem>>, vector<1x16xf32>,
      } {sc.loop_unroll_factor = 4 : i64, sc.parallel_access}
      %jit3A_568 = arith.constant 2 : i32
      %div3A_569 = arith.divsi %add3A_547, %jit3A_568 : i32
      %sign3A_570 = arith.constant 0 : i32
      %sign3A_571 = arith.cmpi sgt, %add3A_547, %sign3A_570 : i32
      %sign3A_572 = arith.extui %sign3A_571 : i1 to i32
      %sign3A_573 = arith.constant 0 : i32
      %sign3A_574 = arith.cmpi slt, %add3A_547, %sign3A_573 : i32
      %sign3A_575 = arith.extui %sign3A_574 : i1 to i32
      %sign3A_576 = arith.subi %sign3A_572, %sign3A_575 : i32
      %sign3A_577 = arith.constant 0 : i32
      %sign3A_578 = arith.cmpi sgt, %jit3A_568, %sign3A_577 : i32
      %sign3A_579 = arith.extui %sign3A_578 : i1 to i32
      %sign3A_580 = arith.constant 0 : i32
      %sign3A_581 = arith.cmpi slt, %jit3A_568, %sign3A_580 : i32
      %sign3A_582 = arith.extui %sign3A_581 : i1 to i32
      %sign3A_583 = arith.subi %sign3A_579, %sign3A_582 : i32
      %ne3A_584 = arith.cmpi ne, %sign3A_576, %sign3A_583 : i32
      %rem3A_585 = arith.remsi %add3A_547, %jit3A_568 : i32
      %ne3A_586 = arith.constant 0 : i32
      %ne3A_587 = arith.cmpi ne, %rem3A_585, %ne3A_586 : i32
      %and3A_588 = arith.andi %ne3A_584, %ne3A_587 : i1
      %sub3A_589 = arith.constant 1 : i32
      %sub3A_590 = arith.subi %div3A_569, %sub3A_589 : i32
      %select_n3A_591 = arith.select %and3A_588, %sub3A_590, %div3A_569 : i32
      %add3A_592 = arith.addi %mul3A_2, %select_n3A_591 : i32
      %mul3A_593 = arith.constant 200 : i32
      %mul3A_594 = arith.muli %add3A_592, %mul3A_593 : i32
      %add3A_595 = arith.constant 96 : i32
      %add3A_596 = arith.addi %mul3A_594, %add3A_595 : i32
      %dma_start3A_597 = arith.constant 0 : i32
      %dma_start3A_598 = arith.constant 0 : i32
      %dma_start3A_599 = tpu.memref_slice %arg13[%dma_start3A_597, %dma_start3A_598] : memref<104x64xf32, #tpu.memory_space<vmem>> -> memref<104x64xf32, #tpu.memory_space<vmem>>
      %dma_start3A_600 = arith.constant 0 : i32
      %dma_start3A_601 = tpu.memref_slice %arg4[%add3A_596, %dma_start3A_600] : memref<819200x128xf32, #tpu.memory_space<hbm>> -> memref<104x64xf32, #tpu.memory_space<hbm>>
      %dma_start3A_602 = arith.constant 0 : i32
      %dma_start3A_603 = tpu.memref_slice %arg4[%add3A_596, %dma_start3A_602] : memref<819200x128xf32, #tpu.memory_space<hbm>> -> memref<104x64xf32, #tpu.memory_space<hbm>>
      %dma_start3A_604 = arith.constant 0 : i32
      %dma_start3A_605 = arith.constant 0 : i32
      %dma_start3A_606 = tpu.memref_slice %arg13[%dma_start3A_604, %dma_start3A_605] : memref<104x64xf32, #tpu.memory_space<vmem>> -> memref<104x64xf32, #tpu.memory_space<vmem>>
      tpu.enqueue_dma source(%dma_start3A_606 : memref<104x64xf32, #tpu.memory_space<vmem>>) target(%dma_start3A_603 : memref<104x64xf32, #tpu.memory_space<hbm>>) target_semaphore(%arg21 : memref<!tpu.dma_semaphore, #tpu.memory_space<semaphore_mem>>)
      %add3A_607 = arith.constant 4 : i32
      %add3A_608 = arith.addi %add3A_547, %add3A_607 : i32
      %jit3A_609 = arith.constant 2 : i32
      %div3A_610 = arith.divsi %add3A_608, %jit3A_609 : i32
      %sign3A_611 = arith.constant 0 : i32
      %sign3A_612 = arith.cmpi sgt, %add3A_608, %sign3A_611 : i32
      %sign3A_613 = arith.extui %sign3A_612 : i1 to i32
      %sign3A_614 = arith.constant 0 : i32
      %sign3A_615 = arith.cmpi slt, %add3A_608, %sign3A_614 : i32
      %sign3A_616 = arith.extui %sign3A_615 : i1 to i32
      %sign3A_617 = arith.subi %sign3A_613, %sign3A_616 : i32
      %sign3A_618 = arith.constant 0 : i32
      %sign3A_619 = arith.cmpi sgt, %jit3A_609, %sign3A_618 : i32
      %sign3A_620 = arith.extui %sign3A_619 : i1 to i32
      %sign3A_621 = arith.constant 0 : i32
      %sign3A_622 = arith.cmpi slt, %jit3A_609, %sign3A_621 : i32
      %sign3A_623 = arith.extui %sign3A_622 : i1 to i32
      %sign3A_624 = arith.subi %sign3A_620, %sign3A_623 : i32
      %ne3A_625 = arith.cmpi ne, %sign3A_617, %sign3A_624 : i32
      %rem3A_626 = arith.remsi %add3A_608, %jit3A_609 : i32
      %ne3A_627 = arith.constant 0 : i32
      %ne3A_628 = arith.cmpi ne, %rem3A_626, %ne3A_627 : i32
      %and3A_629 = arith.andi %ne3A_625, %ne3A_628 : i1
      %sub3A_630 = arith.constant 1 : i32
      %sub3A_631 = arith.subi %div3A_610, %sub3A_630 : i32
      %select_n3A_632 = arith.select %and3A_629, %sub3A_631, %div3A_610 : i32
      %dma_start3A_633 = arith.constant 0 : i32
      %dma_start3A_634 = arith.constant 0 : i32
      %dma_start3A_635 = tpu.memref_slice %arg9[%dma_start3A_633, %dma_start3A_634] : memref<104x64xf32, #tpu.memory_space<vmem>> -> memref<104x64xf32, #tpu.memory_space<vmem>>
      %dma_start3A_636 = arith.constant 96 : i32
      %dma_start3A_637 = tpu.memref_slice %arg5[%select_n3A_632, %dma_start3A_636] : memref<128x200xi32, #tpu.memory_space<vmem>> -> memref<1x104xi32, #tpu.memory_space<vmem>>
      %dma_start3A_638 = tpu.memref_squeeze %dma_start3A_637 : memref<1x104xi32, #tpu.memory_space<vmem>> -> memref<104xi32, #tpu.memory_space<vmem>>
      %dma_start3A_639 = arith.constant 0 : i32
      %dma_start3A_640 = arith.constant 0 : i32
      %dma_start3A_641 = tpu.memref_slice %arg3[%dma_start3A_639, %dma_start3A_640] : memref<2000000x64xf32, #tpu.memory_space<hbm>> -> memref<2000000x64xf32, #tpu.memory_space<hbm>>
      tpu.enqueue_indirect_dma source(%dma_start3A_641 : memref<2000000x64xf32, #tpu.memory_space<hbm>>) target(%dma_start3A_635 : memref<104x64xf32, #tpu.memory_space<vmem>>) offsets(%dma_start3A_638 : memref<104xi32, #tpu.memory_space<vmem>>) semaphore(%arg17 : memref<!tpu.dma_semaphore, #tpu.memory_space<semaphore_mem>>)
    }
    %scan3A_45 = arith.constant 63 : i32
    %dma_wait3A = arith.constant 0 : i32
    %dma_wait3A_46 = arith.constant 0 : i32
    %dma_wait3A_47 = tpu.memref_slice %arg6[%dma_wait3A, %dma_wait3A_46] : memref<104x64xf32, #tpu.memory_space<vmem>> -> memref<96x64xf32, #tpu.memory_space<vmem>>
    %dma_wait3A_48 = arith.constant 0 : i32
    %dma_wait3A_49 = arith.constant 0 : i32
    %dma_wait3A_50 = tpu.memref_slice %arg3[%dma_wait3A_48, %dma_wait3A_49] : memref<2000000x64xf32, #tpu.memory_space<hbm>> -> memref<96x64xf32, #tpu.memory_space<hbm>>
    %dma_wait3A_51 = arith.constant 0 : i32
    %dma_wait3A_52 = arith.constant 0 : i32
    %dma_wait3A_53 = tpu.memref_slice %arg6[%dma_wait3A_51, %dma_wait3A_52] : memref<104x64xf32, #tpu.memory_space<vmem>> -> memref<96x64xf32, #tpu.memory_space<vmem>>
    %dma_wait3A_54 = arith.constant 0 : i32
    %dma_wait3A_55 = arith.constant 0 : i32
    %dma_wait3A_56 = tpu.memref_slice %arg3[%dma_wait3A_54, %dma_wait3A_55] : memref<2000000x64xf32, #tpu.memory_space<hbm>> -> memref<96x64xf32, #tpu.memory_space<hbm>>
    tpu.wait_dma2 semaphore(%arg14 : memref<!tpu.dma_semaphore, #tpu.memory_space<semaphore_mem>>) src(%dma_wait3A_56 : memref<96x64xf32, #tpu.memory_space<hbm>>) dst(%dma_wait3A_53 : memref<96x64xf32, #tpu.memory_space<vmem>>)
    %dma_wait3A_57 = arith.constant 0 : i32
    %dma_wait3A_58 = arith.constant 0 : i32
    %dma_wait3A_59 = tpu.memref_slice %arg10[%dma_wait3A_57, %dma_wait3A_58] : memref<104x64xf32, #tpu.memory_space<vmem>> -> memref<96x64xf32, #tpu.memory_space<vmem>>
    %dma_wait3A_60 = arith.constant 0 : i32
    %dma_wait3A_61 = arith.constant 0 : i32
    %dma_wait3A_62 = tpu.memref_slice %arg4[%dma_wait3A_60, %dma_wait3A_61] : memref<819200x128xf32, #tpu.memory_space<hbm>> -> memref<96x64xf32, #tpu.memory_space<hbm>>
    %dma_wait3A_63 = arith.constant 0 : i32
    %dma_wait3A_64 = arith.constant 0 : i32
    %dma_wait3A_65 = tpu.memref_slice %arg4[%dma_wait3A_63, %dma_wait3A_64] : memref<819200x128xf32, #tpu.memory_space<hbm>> -> memref<96x64xf32, #tpu.memory_space<hbm>>
    %dma_wait3A_66 = arith.constant 0 : i32
    %dma_wait3A_67 = arith.constant 0 : i32
    %dma_wait3A_68 = tpu.memref_slice %arg10[%dma_wait3A_66, %dma_wait3A_67] : memref<104x64xf32, #tpu.memory_space<vmem>> -> memref<96x64xf32, #tpu.memory_space<vmem>>
    tpu.wait_dma2 semaphore(%arg18 : memref<!tpu.dma_semaphore, #tpu.memory_space<semaphore_mem>>) src(%dma_wait3A_68 : memref<96x64xf32, #tpu.memory_space<vmem>>) dst(%dma_wait3A_65 : memref<96x64xf32, #tpu.memory_space<hbm>>)
    %parallel_loop3A = arith.constant 0 : i32
    %parallel_loop3A_69 = arith.constant 96 : i32
    %parallel_loop3A_70 = arith.constant 1 : i32
    scf.for %parallel_loop3A_264 = %parallel_loop3A to %parallel_loop3A_69 step %parallel_loop3A_70  : i32 {
      %parallel_loop3A_265 = arith.index_cast %parallel_loop3A_264 : i32 to index
      %parallel_loop3A_266 = arith.constant 0 : index
      %parallel_loop3A_267 = tpu.vector_load %arg6[%parallel_loop3A_265, %parallel_loop3A_266] {strides = array<i32>} : memref<104x64xf32, #tpu.memory_space<vmem>>, vector<1x16xf32>,
      %parallel_loop3A_268 = vector.shape_cast %parallel_loop3A_267 : vector<1x16xf32> to vector<16xf32>
      %parallel_loop3A_269 = arith.constant 8.000000e+00 : f32
      %parallel_loop3A_270 = vector.broadcast %parallel_loop3A_269 : f32 to vector<16xf32>
      %parallel_loop3A_271 = arith.mulf %parallel_loop3A_268, %parallel_loop3A_270 : vector<16xf32>
      %parallel_loop3A_272 = arith.index_cast %parallel_loop3A_264 : i32 to index
      %parallel_loop3A_273 = arith.constant 0 : index
      %parallel_loop3A_274 = tpu.vector_load %arg10[%parallel_loop3A_272, %parallel_loop3A_273] {strides = array<i32>} : memref<104x64xf32, #tpu.memory_space<vmem>>, vector<1x16xf32>,
      %parallel_loop3A_275 = vector.shape_cast %parallel_loop3A_274 : vector<1x16xf32> to vector<16xf32>
      %parallel_loop3A_276 = vector.shape_cast %parallel_loop3A_271 : vector<16xf32> to vector<1x16xf32>
      tpu.vector_store %arg10[%parallel_loop3A_272, %parallel_loop3A_273], %parallel_loop3A_276 {strides = array<i32>} : memref<104x64xf32, #tpu.memory_space<vmem>>, vector<1x16xf32>,
      %parallel_loop3A_277 = arith.index_cast %parallel_loop3A_264 : i32 to index
      %parallel_loop3A_278 = arith.constant 16 : index
      %parallel_loop3A_279 = tpu.vector_load %arg6[%parallel_loop3A_277, %parallel_loop3A_278] {strides = array<i32>} : memref<104x64xf32, #tpu.memory_space<vmem>>, vector<1x16xf32>,
      %parallel_loop3A_280 = vector.shape_cast %parallel_loop3A_279 : vector<1x16xf32> to vector<16xf32>
      %parallel_loop3A_281 = arith.constant 8.000000e+00 : f32
      %parallel_loop3A_282 = vector.broadcast %parallel_loop3A_281 : f32 to vector<16xf32>
      %parallel_loop3A_283 = arith.mulf %parallel_loop3A_280, %parallel_loop3A_282 : vector<16xf32>
      %parallel_loop3A_284 = arith.index_cast %parallel_loop3A_264 : i32 to index
      %parallel_loop3A_285 = arith.constant 16 : index
      %parallel_loop3A_286 = tpu.vector_load %arg10[%parallel_loop3A_284, %parallel_loop3A_285] {strides = array<i32>} : memref<104x64xf32, #tpu.memory_space<vmem>>, vector<1x16xf32>,
      %parallel_loop3A_287 = vector.shape_cast %parallel_loop3A_286 : vector<1x16xf32> to vector<16xf32>
      %parallel_loop3A_288 = vector.shape_cast %parallel_loop3A_283 : vector<16xf32> to vector<1x16xf32>
      tpu.vector_store %arg10[%parallel_loop3A_284, %parallel_loop3A_285], %parallel_loop3A_288 {strides = array<i32>} : memref<104x64xf32, #tpu.memory_space<vmem>>, vector<1x16xf32>,
      %parallel_loop3A_289 = arith.index_cast %parallel_loop3A_264 : i32 to index
      %parallel_loop3A_290 = arith.constant 32 : index
      %parallel_loop3A_291 = tpu.vector_load %arg6[%parallel_loop3A_289, %parallel_loop3A_290] {strides = array<i32>} : memref<104x64xf32, #tpu.memory_space<vmem>>, vector<1x16xf32>,
      %parallel_loop3A_292 = vector.shape_cast %parallel_loop3A_291 : vector<1x16xf32> to vector<16xf32>
      %parallel_loop3A_293 = arith.constant 8.000000e+00 : f32
      %parallel_loop3A_294 = vector.broadcast %parallel_loop3A_293 : f32 to vector<16xf32>
      %parallel_loop3A_295 = arith.mulf %parallel_loop3A_292, %parallel_loop3A_294 : vector<16xf32>
      %parallel_loop3A_296 = arith.index_cast %parallel_loop3A_264 : i32 to index
      %parallel_loop3A_297 = arith.constant 32 : index
      %parallel_loop3A_298 = tpu.vector_load %arg10[%parallel_loop3A_296, %parallel_loop3A_297] {strides = array<i32>} : memref<104x64xf32, #tpu.memory_space<vmem>>, vector<1x16xf32>,
      %parallel_loop3A_299 = vector.shape_cast %parallel_loop3A_298 : vector<1x16xf32> to vector<16xf32>
      %parallel_loop3A_300 = vector.shape_cast %parallel_loop3A_295 : vector<16xf32> to vector<1x16xf32>
      tpu.vector_store %arg10[%parallel_loop3A_296, %parallel_loop3A_297], %parallel_loop3A_300 {strides = array<i32>} : memref<104x64xf32, #tpu.memory_space<vmem>>, vector<1x16xf32>,
      %parallel_loop3A_301 = arith.index_cast %parallel_loop3A_264 : i32 to index
      %parallel_loop3A_302 = arith.constant 48 : index
      %parallel_loop3A_303 = tpu.vector_load %arg6[%parallel_loop3A_301, %parallel_loop3A_302] {strides = array<i32>} : memref<104x64xf32, #tpu.memory_space<vmem>>, vector<1x16xf32>,
      %parallel_loop3A_304 = vector.shape_cast %parallel_loop3A_303 : vector<1x16xf32> to vector<16xf32>
      %parallel_loop3A_305 = arith.constant 8.000000e+00 : f32
      %parallel_loop3A_306 = vector.broadcast %parallel_loop3A_305 : f32 to vector<16xf32>
      %parallel_loop3A_307 = arith.mulf %parallel_loop3A_304, %parallel_loop3A_306 : vector<16xf32>
      %parallel_loop3A_308 = arith.index_cast %parallel_loop3A_264 : i32 to index
      %parallel_loop3A_309 = arith.constant 48 : index
      %parallel_loop3A_310 = tpu.vector_load %arg10[%parallel_loop3A_308, %parallel_loop3A_309] {strides = array<i32>} : memref<104x64xf32, #tpu.memory_space<vmem>>, vector<1x16xf32>,
      %parallel_loop3A_311 = vector.shape_cast %parallel_loop3A_310 : vector<1x16xf32> to vector<16xf32>
      %parallel_loop3A_312 = vector.shape_cast %parallel_loop3A_307 : vector<16xf32> to vector<1x16xf32>
      tpu.vector_store %arg10[%parallel_loop3A_308, %parallel_loop3A_309], %parallel_loop3A_312 {strides = array<i32>} : memref<104x64xf32, #tpu.memory_space<vmem>>, vector<1x16xf32>,
    } {sc.loop_unroll_factor = 4 : i64, sc.parallel_access}
    %add3A_71 = arith.constant 126 : i32
    %add3A_72 = arith.addi %mul3A_2, %add3A_71 : i32
    %mul3A_73 = arith.constant 200 : i32
    %mul3A_74 = arith.muli %add3A_72, %mul3A_73 : i32
    %add3A_75 = arith.constant 0 : i32
    %add3A_76 = arith.addi %mul3A_74, %add3A_75 : i32
    %dma_start3A_77 = arith.constant 0 : i32
    %dma_start3A_78 = arith.constant 0 : i32
    %dma_start3A_79 = tpu.memref_slice %arg10[%dma_start3A_77, %dma_start3A_78] : memref<104x64xf32, #tpu.memory_space<vmem>> -> memref<96x64xf32, #tpu.memory_space<vmem>>
    %dma_start3A_80 = arith.constant 0 : i32
    %dma_start3A_81 = tpu.memref_slice %arg4[%add3A_76, %dma_start3A_80] : memref<819200x128xf32, #tpu.memory_space<hbm>> -> memref<96x64xf32, #tpu.memory_space<hbm>>
    %dma_start3A_82 = arith.constant 0 : i32
    %dma_start3A_83 = tpu.memref_slice %arg4[%add3A_76, %dma_start3A_82] : memref<819200x128xf32, #tpu.memory_space<hbm>> -> memref<96x64xf32, #tpu.memory_space<hbm>>
    %dma_start3A_84 = arith.constant 0 : i32
    %dma_start3A_85 = arith.constant 0 : i32
    %dma_start3A_86 = tpu.memref_slice %arg10[%dma_start3A_84, %dma_start3A_85] : memref<104x64xf32, #tpu.memory_space<vmem>> -> memref<96x64xf32, #tpu.memory_space<vmem>>
    tpu.enqueue_dma source(%dma_start3A_86 : memref<96x64xf32, #tpu.memory_space<vmem>>) target(%dma_start3A_83 : memref<96x64xf32, #tpu.memory_space<hbm>>) target_semaphore(%arg18 : memref<!tpu.dma_semaphore, #tpu.memory_space<semaphore_mem>>)
    %dma_wait3A_87 = arith.constant 0 : i32
    %dma_wait3A_88 = arith.constant 0 : i32
    %dma_wait3A_89 = tpu.memref_slice %arg7[%dma_wait3A_87, %dma_wait3A_88] : memref<104x64xf32, #tpu.memory_space<vmem>> -> memref<104x64xf32, #tpu.memory_space<vmem>>
    %dma_wait3A_90 = arith.constant 0 : i32
    %dma_wait3A_91 = arith.constant 0 : i32
    %dma_wait3A_92 = tpu.memref_slice %arg3[%dma_wait3A_90, %dma_wait3A_91] : memref<2000000x64xf32, #tpu.memory_space<hbm>> -> memref<104x64xf32, #tpu.memory_space<hbm>>
    %dma_wait3A_93 = arith.constant 0 : i32
    %dma_wait3A_94 = arith.constant 0 : i32
    %dma_wait3A_95 = tpu.memref_slice %arg7[%dma_wait3A_93, %dma_wait3A_94] : memref<104x64xf32, #tpu.memory_space<vmem>> -> memref<104x64xf32, #tpu.memory_space<vmem>>
    %dma_wait3A_96 = arith.constant 0 : i32
    %dma_wait3A_97 = arith.constant 0 : i32
    %dma_wait3A_98 = tpu.memref_slice %arg3[%dma_wait3A_96, %dma_wait3A_97] : memref<2000000x64xf32, #tpu.memory_space<hbm>> -> memref<104x64xf32, #tpu.memory_space<hbm>>
    tpu.wait_dma2 semaphore(%arg15 : memref<!tpu.dma_semaphore, #tpu.memory_space<semaphore_mem>>) src(%dma_wait3A_98 : memref<104x64xf32, #tpu.memory_space<hbm>>) dst(%dma_wait3A_95 : memref<104x64xf32, #tpu.memory_space<vmem>>)
    %dma_wait3A_99 = arith.constant 0 : i32
    %dma_wait3A_100 = arith.constant 0 : i32
    %dma_wait3A_101 = tpu.memref_slice %arg11[%dma_wait3A_99, %dma_wait3A_100] : memref<104x64xf32, #tpu.memory_space<vmem>> -> memref<104x64xf32, #tpu.memory_space<vmem>>
    %dma_wait3A_102 = arith.constant 0 : i32
    %dma_wait3A_103 = arith.constant 0 : i32
    %dma_wait3A_104 = tpu.memref_slice %arg4[%dma_wait3A_102, %dma_wait3A_103] : memref<819200x128xf32, #tpu.memory_space<hbm>> -> memref<104x64xf32, #tpu.memory_space<hbm>>
    %dma_wait3A_105 = arith.constant 0 : i32
    %dma_wait3A_106 = arith.constant 0 : i32
    %dma_wait3A_107 = tpu.memref_slice %arg4[%dma_wait3A_105, %dma_wait3A_106] : memref<819200x128xf32, #tpu.memory_space<hbm>> -> memref<104x64xf32, #tpu.memory_space<hbm>>
    %dma_wait3A_108 = arith.constant 0 : i32
    %dma_wait3A_109 = arith.constant 0 : i32
    %dma_wait3A_110 = tpu.memref_slice %arg11[%dma_wait3A_108, %dma_wait3A_109] : memref<104x64xf32, #tpu.memory_space<vmem>> -> memref<104x64xf32, #tpu.memory_space<vmem>>
    tpu.wait_dma2 semaphore(%arg19 : memref<!tpu.dma_semaphore, #tpu.memory_space<semaphore_mem>>) src(%dma_wait3A_110 : memref<104x64xf32, #tpu.memory_space<vmem>>) dst(%dma_wait3A_107 : memref<104x64xf32, #tpu.memory_space<hbm>>)
    %parallel_loop3A_111 = arith.constant 0 : i32
    %parallel_loop3A_112 = arith.constant 104 : i32
    %parallel_loop3A_113 = arith.constant 1 : i32
    scf.for %parallel_loop3A_264 = %parallel_loop3A_111 to %parallel_loop3A_112 step %parallel_loop3A_113  : i32 {
      %parallel_loop3A_265 = arith.index_cast %parallel_loop3A_264 : i32 to index
      %parallel_loop3A_266 = arith.constant 0 : index
      %parallel_loop3A_267 = tpu.vector_load %arg7[%parallel_loop3A_265, %parallel_loop3A_266] {strides = array<i32>} : memref<104x64xf32, #tpu.memory_space<vmem>>, vector<1x16xf32>,
      %parallel_loop3A_268 = vector.shape_cast %parallel_loop3A_267 : vector<1x16xf32> to vector<16xf32>
      %parallel_loop3A_269 = arith.constant 8.000000e+00 : f32
      %parallel_loop3A_270 = vector.broadcast %parallel_loop3A_269 : f32 to vector<16xf32>
      %parallel_loop3A_271 = arith.mulf %parallel_loop3A_268, %parallel_loop3A_270 : vector<16xf32>
      %parallel_loop3A_272 = arith.index_cast %parallel_loop3A_264 : i32 to index
      %parallel_loop3A_273 = arith.constant 0 : index
      %parallel_loop3A_274 = tpu.vector_load %arg11[%parallel_loop3A_272, %parallel_loop3A_273] {strides = array<i32>} : memref<104x64xf32, #tpu.memory_space<vmem>>, vector<1x16xf32>,
      %parallel_loop3A_275 = vector.shape_cast %parallel_loop3A_274 : vector<1x16xf32> to vector<16xf32>
      %parallel_loop3A_276 = vector.shape_cast %parallel_loop3A_271 : vector<16xf32> to vector<1x16xf32>
      tpu.vector_store %arg11[%parallel_loop3A_272, %parallel_loop3A_273], %parallel_loop3A_276 {strides = array<i32>} : memref<104x64xf32, #tpu.memory_space<vmem>>, vector<1x16xf32>,
      %parallel_loop3A_277 = arith.index_cast %parallel_loop3A_264 : i32 to index
      %parallel_loop3A_278 = arith.constant 16 : index
      %parallel_loop3A_279 = tpu.vector_load %arg7[%parallel_loop3A_277, %parallel_loop3A_278] {strides = array<i32>} : memref<104x64xf32, #tpu.memory_space<vmem>>, vector<1x16xf32>,
      %parallel_loop3A_280 = vector.shape_cast %parallel_loop3A_279 : vector<1x16xf32> to vector<16xf32>
      %parallel_loop3A_281 = arith.constant 8.000000e+00 : f32
      %parallel_loop3A_282 = vector.broadcast %parallel_loop3A_281 : f32 to vector<16xf32>
      %parallel_loop3A_283 = arith.mulf %parallel_loop3A_280, %parallel_loop3A_282 : vector<16xf32>
      %parallel_loop3A_284 = arith.index_cast %parallel_loop3A_264 : i32 to index
      %parallel_loop3A_285 = arith.constant 16 : index
      %parallel_loop3A_286 = tpu.vector_load %arg11[%parallel_loop3A_284, %parallel_loop3A_285] {strides = array<i32>} : memref<104x64xf32, #tpu.memory_space<vmem>>, vector<1x16xf32>,
      %parallel_loop3A_287 = vector.shape_cast %parallel_loop3A_286 : vector<1x16xf32> to vector<16xf32>
      %parallel_loop3A_288 = vector.shape_cast %parallel_loop3A_283 : vector<16xf32> to vector<1x16xf32>
      tpu.vector_store %arg11[%parallel_loop3A_284, %parallel_loop3A_285], %parallel_loop3A_288 {strides = array<i32>} : memref<104x64xf32, #tpu.memory_space<vmem>>, vector<1x16xf32>,
      %parallel_loop3A_289 = arith.index_cast %parallel_loop3A_264 : i32 to index
      %parallel_loop3A_290 = arith.constant 32 : index
      %parallel_loop3A_291 = tpu.vector_load %arg7[%parallel_loop3A_289, %parallel_loop3A_290] {strides = array<i32>} : memref<104x64xf32, #tpu.memory_space<vmem>>, vector<1x16xf32>,
      %parallel_loop3A_292 = vector.shape_cast %parallel_loop3A_291 : vector<1x16xf32> to vector<16xf32>
      %parallel_loop3A_293 = arith.constant 8.000000e+00 : f32
      %parallel_loop3A_294 = vector.broadcast %parallel_loop3A_293 : f32 to vector<16xf32>
      %parallel_loop3A_295 = arith.mulf %parallel_loop3A_292, %parallel_loop3A_294 : vector<16xf32>
      %parallel_loop3A_296 = arith.index_cast %parallel_loop3A_264 : i32 to index
      %parallel_loop3A_297 = arith.constant 32 : index
      %parallel_loop3A_298 = tpu.vector_load %arg11[%parallel_loop3A_296, %parallel_loop3A_297] {strides = array<i32>} : memref<104x64xf32, #tpu.memory_space<vmem>>, vector<1x16xf32>,
      %parallel_loop3A_299 = vector.shape_cast %parallel_loop3A_298 : vector<1x16xf32> to vector<16xf32>
      %parallel_loop3A_300 = vector.shape_cast %parallel_loop3A_295 : vector<16xf32> to vector<1x16xf32>
      tpu.vector_store %arg11[%parallel_loop3A_296, %parallel_loop3A_297], %parallel_loop3A_300 {strides = array<i32>} : memref<104x64xf32, #tpu.memory_space<vmem>>, vector<1x16xf32>,
      %parallel_loop3A_301 = arith.index_cast %parallel_loop3A_264 : i32 to index
      %parallel_loop3A_302 = arith.constant 48 : index
      %parallel_loop3A_303 = tpu.vector_load %arg7[%parallel_loop3A_301, %parallel_loop3A_302] {strides = array<i32>} : memref<104x64xf32, #tpu.memory_space<vmem>>, vector<1x16xf32>,
      %parallel_loop3A_304 = vector.shape_cast %parallel_loop3A_303 : vector<1x16xf32> to vector<16xf32>
      %parallel_loop3A_305 = arith.constant 8.000000e+00 : f32
      %parallel_loop3A_306 = vector.broadcast %parallel_loop3A_305 : f32 to vector<16xf32>
      %parallel_loop3A_307 = arith.mulf %parallel_loop3A_304, %parallel_loop3A_306 : vector<16xf32>
      %parallel_loop3A_308 = arith.index_cast %parallel_loop3A_264 : i32 to index
      %parallel_loop3A_309 = arith.constant 48 : index
      %parallel_loop3A_310 = tpu.vector_load %arg11[%parallel_loop3A_308, %parallel_loop3A_309] {strides = array<i32>} : memref<104x64xf32, #tpu.memory_space<vmem>>, vector<1x16xf32>,
      %parallel_loop3A_311 = vector.shape_cast %parallel_loop3A_310 : vector<1x16xf32> to vector<16xf32>
      %parallel_loop3A_312 = vector.shape_cast %parallel_loop3A_307 : vector<16xf32> to vector<1x16xf32>
      tpu.vector_store %arg11[%parallel_loop3A_308, %parallel_loop3A_309], %parallel_loop3A_312 {strides = array<i32>} : memref<104x64xf32, #tpu.memory_space<vmem>>, vector<1x16xf32>,
    } {sc.loop_unroll_factor = 4 : i64, sc.parallel_access}
    %add3A_114 = arith.constant 126 : i32
    %add3A_115 = arith.addi %mul3A_2, %add3A_114 : i32
    %mul3A_116 = arith.constant 200 : i32
    %mul3A_117 = arith.muli %add3A_115, %mul3A_116 : i32
    %add3A_118 = arith.constant 96 : i32
    %add3A_119 = arith.addi %mul3A_117, %add3A_118 : i32
    %dma_start3A_120 = arith.constant 0 : i32
    %dma_start3A_121 = arith.constant 0 : i32
    %dma_start3A_122 = tpu.memref_slice %arg11[%dma_start3A_120, %dma_start3A_121] : memref<104x64xf32, #tpu.memory_space<vmem>> -> memref<104x64xf32, #tpu.memory_space<vmem>>
    %dma_start3A_123 = arith.constant 0 : i32
    %dma_start3A_124 = tpu.memref_slice %arg4[%add3A_119, %dma_start3A_123] : memref<819200x128xf32, #tpu.memory_space<hbm>> -> memref<104x64xf32, #tpu.memory_space<hbm>>
    %dma_start3A_125 = arith.constant 0 : i32
    %dma_start3A_126 = tpu.memref_slice %arg4[%add3A_119, %dma_start3A_125] : memref<819200x128xf32, #tpu.memory_space<hbm>> -> memref<104x64xf32, #tpu.memory_space<hbm>>
    %dma_start3A_127 = arith.constant 0 : i32
    %dma_start3A_128 = arith.constant 0 : i32
    %dma_start3A_129 = tpu.memref_slice %arg11[%dma_start3A_127, %dma_start3A_128] : memref<104x64xf32, #tpu.memory_space<vmem>> -> memref<104x64xf32, #tpu.memory_space<vmem>>
    tpu.enqueue_dma source(%dma_start3A_129 : memref<104x64xf32, #tpu.memory_space<vmem>>) target(%dma_start3A_126 : memref<104x64xf32, #tpu.memory_space<hbm>>) target_semaphore(%arg19 : memref<!tpu.dma_semaphore, #tpu.memory_space<semaphore_mem>>)
    %dma_wait3A_130 = arith.constant 0 : i32
    %dma_wait3A_131 = arith.constant 0 : i32
    %dma_wait3A_132 = tpu.memref_slice %arg8[%dma_wait3A_130, %dma_wait3A_131] : memref<104x64xf32, #tpu.memory_space<vmem>> -> memref<96x64xf32, #tpu.memory_space<vmem>>
    %dma_wait3A_133 = arith.constant 0 : i32
    %dma_wait3A_134 = arith.constant 0 : i32
    %dma_wait3A_135 = tpu.memref_slice %arg3[%dma_wait3A_133, %dma_wait3A_134] : memref<2000000x64xf32, #tpu.memory_space<hbm>> -> memref<96x64xf32, #tpu.memory_space<hbm>>
    %dma_wait3A_136 = arith.constant 0 : i32
    %dma_wait3A_137 = arith.constant 0 : i32
    %dma_wait3A_138 = tpu.memref_slice %arg8[%dma_wait3A_136, %dma_wait3A_137] : memref<104x64xf32, #tpu.memory_space<vmem>> -> memref<96x64xf32, #tpu.memory_space<vmem>>
    %dma_wait3A_139 = arith.constant 0 : i32
    %dma_wait3A_140 = arith.constant 0 : i32
    %dma_wait3A_141 = tpu.memref_slice %arg3[%dma_wait3A_139, %dma_wait3A_140] : memref<2000000x64xf32, #tpu.memory_space<hbm>> -> memref<96x64xf32, #tpu.memory_space<hbm>>
    tpu.wait_dma2 semaphore(%arg16 : memref<!tpu.dma_semaphore, #tpu.memory_space<semaphore_mem>>) src(%dma_wait3A_141 : memref<96x64xf32, #tpu.memory_space<hbm>>) dst(%dma_wait3A_138 : memref<96x64xf32, #tpu.memory_space<vmem>>)
    %dma_wait3A_142 = arith.constant 0 : i32
    %dma_wait3A_143 = arith.constant 0 : i32
    %dma_wait3A_144 = tpu.memref_slice %arg12[%dma_wait3A_142, %dma_wait3A_143] : memref<104x64xf32, #tpu.memory_space<vmem>> -> memref<96x64xf32, #tpu.memory_space<vmem>>
    %dma_wait3A_145 = arith.constant 0 : i32
    %dma_wait3A_146 = arith.constant 0 : i32
    %dma_wait3A_147 = tpu.memref_slice %arg4[%dma_wait3A_145, %dma_wait3A_146] : memref<819200x128xf32, #tpu.memory_space<hbm>> -> memref<96x64xf32, #tpu.memory_space<hbm>>
    %dma_wait3A_148 = arith.constant 0 : i32
    %dma_wait3A_149 = arith.constant 0 : i32
    %dma_wait3A_150 = tpu.memref_slice %arg4[%dma_wait3A_148, %dma_wait3A_149] : memref<819200x128xf32, #tpu.memory_space<hbm>> -> memref<96x64xf32, #tpu.memory_space<hbm>>
    %dma_wait3A_151 = arith.constant 0 : i32
    %dma_wait3A_152 = arith.constant 0 : i32
    %dma_wait3A_153 = tpu.memref_slice %arg12[%dma_wait3A_151, %dma_wait3A_152] : memref<104x64xf32, #tpu.memory_space<vmem>> -> memref<96x64xf32, #tpu.memory_space<vmem>>
    tpu.wait_dma2 semaphore(%arg20 : memref<!tpu.dma_semaphore, #tpu.memory_space<semaphore_mem>>) src(%dma_wait3A_153 : memref<96x64xf32, #tpu.memory_space<vmem>>) dst(%dma_wait3A_150 : memref<96x64xf32, #tpu.memory_space<hbm>>)
    %parallel_loop3A_154 = arith.constant 0 : i32
    %parallel_loop3A_155 = arith.constant 96 : i32
    %parallel_loop3A_156 = arith.constant 1 : i32
    scf.for %parallel_loop3A_264 = %parallel_loop3A_154 to %parallel_loop3A_155 step %parallel_loop3A_156  : i32 {
      %parallel_loop3A_265 = arith.index_cast %parallel_loop3A_264 : i32 to index
      %parallel_loop3A_266 = arith.constant 0 : index
      %parallel_loop3A_267 = tpu.vector_load %arg8[%parallel_loop3A_265, %parallel_loop3A_266] {strides = array<i32>} : memref<104x64xf32, #tpu.memory_space<vmem>>, vector<1x16xf32>,
      %parallel_loop3A_268 = vector.shape_cast %parallel_loop3A_267 : vector<1x16xf32> to vector<16xf32>
      %parallel_loop3A_269 = arith.constant 8.000000e+00 : f32
      %parallel_loop3A_270 = vector.broadcast %parallel_loop3A_269 : f32 to vector<16xf32>
      %parallel_loop3A_271 = arith.mulf %parallel_loop3A_268, %parallel_loop3A_270 : vector<16xf32>
      %parallel_loop3A_272 = arith.index_cast %parallel_loop3A_264 : i32 to index
      %parallel_loop3A_273 = arith.constant 0 : index
      %parallel_loop3A_274 = tpu.vector_load %arg12[%parallel_loop3A_272, %parallel_loop3A_273] {strides = array<i32>} : memref<104x64xf32, #tpu.memory_space<vmem>>, vector<1x16xf32>,
      %parallel_loop3A_275 = vector.shape_cast %parallel_loop3A_274 : vector<1x16xf32> to vector<16xf32>
      %parallel_loop3A_276 = vector.shape_cast %parallel_loop3A_271 : vector<16xf32> to vector<1x16xf32>
      tpu.vector_store %arg12[%parallel_loop3A_272, %parallel_loop3A_273], %parallel_loop3A_276 {strides = array<i32>} : memref<104x64xf32, #tpu.memory_space<vmem>>, vector<1x16xf32>,
      %parallel_loop3A_277 = arith.index_cast %parallel_loop3A_264 : i32 to index
      %parallel_loop3A_278 = arith.constant 16 : index
      %parallel_loop3A_279 = tpu.vector_load %arg8[%parallel_loop3A_277, %parallel_loop3A_278] {strides = array<i32>} : memref<104x64xf32, #tpu.memory_space<vmem>>, vector<1x16xf32>,
      %parallel_loop3A_280 = vector.shape_cast %parallel_loop3A_279 : vector<1x16xf32> to vector<16xf32>
      %parallel_loop3A_281 = arith.constant 8.000000e+00 : f32
      %parallel_loop3A_282 = vector.broadcast %parallel_loop3A_281 : f32 to vector<16xf32>
      %parallel_loop3A_283 = arith.mulf %parallel_loop3A_280, %parallel_loop3A_282 : vector<16xf32>
      %parallel_loop3A_284 = arith.index_cast %parallel_loop3A_264 : i32 to index
      %parallel_loop3A_285 = arith.constant 16 : index
      %parallel_loop3A_286 = tpu.vector_load %arg12[%parallel_loop3A_284, %parallel_loop3A_285] {strides = array<i32>} : memref<104x64xf32, #tpu.memory_space<vmem>>, vector<1x16xf32>,
      %parallel_loop3A_287 = vector.shape_cast %parallel_loop3A_286 : vector<1x16xf32> to vector<16xf32>
      %parallel_loop3A_288 = vector.shape_cast %parallel_loop3A_283 : vector<16xf32> to vector<1x16xf32>
      tpu.vector_store %arg12[%parallel_loop3A_284, %parallel_loop3A_285], %parallel_loop3A_288 {strides = array<i32>} : memref<104x64xf32, #tpu.memory_space<vmem>>, vector<1x16xf32>,
      %parallel_loop3A_289 = arith.index_cast %parallel_loop3A_264 : i32 to index
      %parallel_loop3A_290 = arith.constant 32 : index
      %parallel_loop3A_291 = tpu.vector_load %arg8[%parallel_loop3A_289, %parallel_loop3A_290] {strides = array<i32>} : memref<104x64xf32, #tpu.memory_space<vmem>>, vector<1x16xf32>,
      %parallel_loop3A_292 = vector.shape_cast %parallel_loop3A_291 : vector<1x16xf32> to vector<16xf32>
      %parallel_loop3A_293 = arith.constant 8.000000e+00 : f32
      %parallel_loop3A_294 = vector.broadcast %parallel_loop3A_293 : f32 to vector<16xf32>
      %parallel_loop3A_295 = arith.mulf %parallel_loop3A_292, %parallel_loop3A_294 : vector<16xf32>
      %parallel_loop3A_296 = arith.index_cast %parallel_loop3A_264 : i32 to index
      %parallel_loop3A_297 = arith.constant 32 : index
      %parallel_loop3A_298 = tpu.vector_load %arg12[%parallel_loop3A_296, %parallel_loop3A_297] {strides = array<i32>} : memref<104x64xf32, #tpu.memory_space<vmem>>, vector<1x16xf32>,
      %parallel_loop3A_299 = vector.shape_cast %parallel_loop3A_298 : vector<1x16xf32> to vector<16xf32>
      %parallel_loop3A_300 = vector.shape_cast %parallel_loop3A_295 : vector<16xf32> to vector<1x16xf32>
      tpu.vector_store %arg12[%parallel_loop3A_296, %parallel_loop3A_297], %parallel_loop3A_300 {strides = array<i32>} : memref<104x64xf32, #tpu.memory_space<vmem>>, vector<1x16xf32>,
      %parallel_loop3A_301 = arith.index_cast %parallel_loop3A_264 : i32 to index
      %parallel_loop3A_302 = arith.constant 48 : index
      %parallel_loop3A_303 = tpu.vector_load %arg8[%parallel_loop3A_301, %parallel_loop3A_302] {strides = array<i32>} : memref<104x64xf32, #tpu.memory_space<vmem>>, vector<1x16xf32>,
      %parallel_loop3A_304 = vector.shape_cast %parallel_loop3A_303 : vector<1x16xf32> to vector<16xf32>
      %parallel_loop3A_305 = arith.constant 8.000000e+00 : f32
      %parallel_loop3A_306 = vector.broadcast %parallel_loop3A_305 : f32 to vector<16xf32>
      %parallel_loop3A_307 = arith.mulf %parallel_loop3A_304, %parallel_loop3A_306 : vector<16xf32>
      %parallel_loop3A_308 = arith.index_cast %parallel_loop3A_264 : i32 to index
      %parallel_loop3A_309 = arith.constant 48 : index
      %parallel_loop3A_310 = tpu.vector_load %arg12[%parallel_loop3A_308, %parallel_loop3A_309] {strides = array<i32>} : memref<104x64xf32, #tpu.memory_space<vmem>>, vector<1x16xf32>,
      %parallel_loop3A_311 = vector.shape_cast %parallel_loop3A_310 : vector<1x16xf32> to vector<16xf32>
      %parallel_loop3A_312 = vector.shape_cast %parallel_loop3A_307 : vector<16xf32> to vector<1x16xf32>
      tpu.vector_store %arg12[%parallel_loop3A_308, %parallel_loop3A_309], %parallel_loop3A_312 {strides = array<i32>} : memref<104x64xf32, #tpu.memory_space<vmem>>, vector<1x16xf32>,
    } {sc.loop_unroll_factor = 4 : i64, sc.parallel_access}
    %add3A_157 = arith.constant 127 : i32
    %add3A_158 = arith.addi %mul3A_2, %add3A_157 : i32
    %mul3A_159 = arith.constant 200 : i32
    %mul3A_160 = arith.muli %add3A_158, %mul3A_159 : i32
    %add3A_161 = arith.constant 0 : i32
    %add3A_162 = arith.addi %mul3A_160, %add3A_161 : i32
    %dma_start3A_163 = arith.constant 0 : i32
    %dma_start3A_164 = arith.constant 0 : i32
    %dma_start3A_165 = tpu.memref_slice %arg12[%dma_start3A_163, %dma_start3A_164] : memref<104x64xf32, #tpu.memory_space<vmem>> -> memref<96x64xf32, #tpu.memory_space<vmem>>
    %dma_start3A_166 = arith.constant 0 : i32
    %dma_start3A_167 = tpu.memref_slice %arg4[%add3A_162, %dma_start3A_166] : memref<819200x128xf32, #tpu.memory_space<hbm>> -> memref<96x64xf32, #tpu.memory_space<hbm>>
    %dma_start3A_168 = arith.constant 0 : i32
    %dma_start3A_169 = tpu.memref_slice %arg4[%add3A_162, %dma_start3A_168] : memref<819200x128xf32, #tpu.memory_space<hbm>> -> memref<96x64xf32, #tpu.memory_space<hbm>>
    %dma_start3A_170 = arith.constant 0 : i32
    %dma_start3A_171 = arith.constant 0 : i32
    %dma_start3A_172 = tpu.memref_slice %arg12[%dma_start3A_170, %dma_start3A_171] : memref<104x64xf32, #tpu.memory_space<vmem>> -> memref<96x64xf32, #tpu.memory_space<vmem>>
    tpu.enqueue_dma source(%dma_start3A_172 : memref<96x64xf32, #tpu.memory_space<vmem>>) target(%dma_start3A_169 : memref<96x64xf32, #tpu.memory_space<hbm>>) target_semaphore(%arg20 : memref<!tpu.dma_semaphore, #tpu.memory_space<semaphore_mem>>)
    %dma_wait3A_173 = arith.constant 0 : i32
    %dma_wait3A_174 = arith.constant 0 : i32
    %dma_wait3A_175 = tpu.memref_slice %arg9[%dma_wait3A_173, %dma_wait3A_174] : memref<104x64xf32, #tpu.memory_space<vmem>> -> memref<104x64xf32, #tpu.memory_space<vmem>>
    %dma_wait3A_176 = arith.constant 0 : i32
    %dma_wait3A_177 = arith.constant 0 : i32
    %dma_wait3A_178 = tpu.memref_slice %arg3[%dma_wait3A_176, %dma_wait3A_177] : memref<2000000x64xf32, #tpu.memory_space<hbm>> -> memref<104x64xf32, #tpu.memory_space<hbm>>
    %dma_wait3A_179 = arith.constant 0 : i32
    %dma_wait3A_180 = arith.constant 0 : i32
    %dma_wait3A_181 = tpu.memref_slice %arg9[%dma_wait3A_179, %dma_wait3A_180] : memref<104x64xf32, #tpu.memory_space<vmem>> -> memref<104x64xf32, #tpu.memory_space<vmem>>
    %dma_wait3A_182 = arith.constant 0 : i32
    %dma_wait3A_183 = arith.constant 0 : i32
    %dma_wait3A_184 = tpu.memref_slice %arg3[%dma_wait3A_182, %dma_wait3A_183] : memref<2000000x64xf32, #tpu.memory_space<hbm>> -> memref<104x64xf32, #tpu.memory_space<hbm>>
    tpu.wait_dma2 semaphore(%arg17 : memref<!tpu.dma_semaphore, #tpu.memory_space<semaphore_mem>>) src(%dma_wait3A_184 : memref<104x64xf32, #tpu.memory_space<hbm>>) dst(%dma_wait3A_181 : memref<104x64xf32, #tpu.memory_space<vmem>>)
    %dma_wait3A_185 = arith.constant 0 : i32
    %dma_wait3A_186 = arith.constant 0 : i32
    %dma_wait3A_187 = tpu.memref_slice %arg13[%dma_wait3A_185, %dma_wait3A_186] : memref<104x64xf32, #tpu.memory_space<vmem>> -> memref<104x64xf32, #tpu.memory_space<vmem>>
    %dma_wait3A_188 = arith.constant 0 : i32
    %dma_wait3A_189 = arith.constant 0 : i32
    %dma_wait3A_190 = tpu.memref_slice %arg4[%dma_wait3A_188, %dma_wait3A_189] : memref<819200x128xf32, #tpu.memory_space<hbm>> -> memref<104x64xf32, #tpu.memory_space<hbm>>
    %dma_wait3A_191 = arith.constant 0 : i32
    %dma_wait3A_192 = arith.constant 0 : i32
    %dma_wait3A_193 = tpu.memref_slice %arg4[%dma_wait3A_191, %dma_wait3A_192] : memref<819200x128xf32, #tpu.memory_space<hbm>> -> memref<104x64xf32, #tpu.memory_space<hbm>>
    %dma_wait3A_194 = arith.constant 0 : i32
    %dma_wait3A_195 = arith.constant 0 : i32
    %dma_wait3A_196 = tpu.memref_slice %arg13[%dma_wait3A_194, %dma_wait3A_195] : memref<104x64xf32, #tpu.memory_space<vmem>> -> memref<104x64xf32, #tpu.memory_space<vmem>>
    tpu.wait_dma2 semaphore(%arg21 : memref<!tpu.dma_semaphore, #tpu.memory_space<semaphore_mem>>) src(%dma_wait3A_196 : memref<104x64xf32, #tpu.memory_space<vmem>>) dst(%dma_wait3A_193 : memref<104x64xf32, #tpu.memory_space<hbm>>)
    %parallel_loop3A_197 = arith.constant 0 : i32
    %parallel_loop3A_198 = arith.constant 104 : i32
    %parallel_loop3A_199 = arith.constant 1 : i32
    scf.for %parallel_loop3A_264 = %parallel_loop3A_197 to %parallel_loop3A_198 step %parallel_loop3A_199  : i32 {
      %parallel_loop3A_265 = arith.index_cast %parallel_loop3A_264 : i32 to index
      %parallel_loop3A_266 = arith.constant 0 : index
      %parallel_loop3A_267 = tpu.vector_load %arg9[%parallel_loop3A_265, %parallel_loop3A_266] {strides = array<i32>} : memref<104x64xf32, #tpu.memory_space<vmem>>, vector<1x16xf32>,
      %parallel_loop3A_268 = vector.shape_cast %parallel_loop3A_267 : vector<1x16xf32> to vector<16xf32>
      %parallel_loop3A_269 = arith.constant 8.000000e+00 : f32
      %parallel_loop3A_270 = vector.broadcast %parallel_loop3A_269 : f32 to vector<16xf32>
      %parallel_loop3A_271 = arith.mulf %parallel_loop3A_268, %parallel_loop3A_270 : vector<16xf32>
      %parallel_loop3A_272 = arith.index_cast %parallel_loop3A_264 : i32 to index
      %parallel_loop3A_273 = arith.constant 0 : index
      %parallel_loop3A_274 = tpu.vector_load %arg13[%parallel_loop3A_272, %parallel_loop3A_273] {strides = array<i32>} : memref<104x64xf32, #tpu.memory_space<vmem>>, vector<1x16xf32>,
      %parallel_loop3A_275 = vector.shape_cast %parallel_loop3A_274 : vector<1x16xf32> to vector<16xf32>
      %parallel_loop3A_276 = vector.shape_cast %parallel_loop3A_271 : vector<16xf32> to vector<1x16xf32>
      tpu.vector_store %arg13[%parallel_loop3A_272, %parallel_loop3A_273], %parallel_loop3A_276 {strides = array<i32>} : memref<104x64xf32, #tpu.memory_space<vmem>>, vector<1x16xf32>,
      %parallel_loop3A_277 = arith.index_cast %parallel_loop3A_264 : i32 to index
      %parallel_loop3A_278 = arith.constant 16 : index
      %parallel_loop3A_279 = tpu.vector_load %arg9[%parallel_loop3A_277, %parallel_loop3A_278] {strides = array<i32>} : memref<104x64xf32, #tpu.memory_space<vmem>>, vector<1x16xf32>,
      %parallel_loop3A_280 = vector.shape_cast %parallel_loop3A_279 : vector<1x16xf32> to vector<16xf32>
      %parallel_loop3A_281 = arith.constant 8.000000e+00 : f32
      %parallel_loop3A_282 = vector.broadcast %parallel_loop3A_281 : f32 to vector<16xf32>
      %parallel_loop3A_283 = arith.mulf %parallel_loop3A_280, %parallel_loop3A_282 : vector<16xf32>
      %parallel_loop3A_284 = arith.index_cast %parallel_loop3A_264 : i32 to index
      %parallel_loop3A_285 = arith.constant 16 : index
      %parallel_loop3A_286 = tpu.vector_load %arg13[%parallel_loop3A_284, %parallel_loop3A_285] {strides = array<i32>} : memref<104x64xf32, #tpu.memory_space<vmem>>, vector<1x16xf32>,
      %parallel_loop3A_287 = vector.shape_cast %parallel_loop3A_286 : vector<1x16xf32> to vector<16xf32>
      %parallel_loop3A_288 = vector.shape_cast %parallel_loop3A_283 : vector<16xf32> to vector<1x16xf32>
      tpu.vector_store %arg13[%parallel_loop3A_284, %parallel_loop3A_285], %parallel_loop3A_288 {strides = array<i32>} : memref<104x64xf32, #tpu.memory_space<vmem>>, vector<1x16xf32>,
      %parallel_loop3A_289 = arith.index_cast %parallel_loop3A_264 : i32 to index
      %parallel_loop3A_290 = arith.constant 32 : index
      %parallel_loop3A_291 = tpu.vector_load %arg9[%parallel_loop3A_289, %parallel_loop3A_290] {strides = array<i32>} : memref<104x64xf32, #tpu.memory_space<vmem>>, vector<1x16xf32>,
      %parallel_loop3A_292 = vector.shape_cast %parallel_loop3A_291 : vector<1x16xf32> to vector<16xf32>
      %parallel_loop3A_293 = arith.constant 8.000000e+00 : f32
      %parallel_loop3A_294 = vector.broadcast %parallel_loop3A_293 : f32 to vector<16xf32>
      %parallel_loop3A_295 = arith.mulf %parallel_loop3A_292, %parallel_loop3A_294 : vector<16xf32>
      %parallel_loop3A_296 = arith.index_cast %parallel_loop3A_264 : i32 to index
      %parallel_loop3A_297 = arith.constant 32 : index
      %parallel_loop3A_298 = tpu.vector_load %arg13[%parallel_loop3A_296, %parallel_loop3A_297] {strides = array<i32>} : memref<104x64xf32, #tpu.memory_space<vmem>>, vector<1x16xf32>,
      %parallel_loop3A_299 = vector.shape_cast %parallel_loop3A_298 : vector<1x16xf32> to vector<16xf32>
      %parallel_loop3A_300 = vector.shape_cast %parallel_loop3A_295 : vector<16xf32> to vector<1x16xf32>
      tpu.vector_store %arg13[%parallel_loop3A_296, %parallel_loop3A_297], %parallel_loop3A_300 {strides = array<i32>} : memref<104x64xf32, #tpu.memory_space<vmem>>, vector<1x16xf32>,
      %parallel_loop3A_301 = arith.index_cast %parallel_loop3A_264 : i32 to index
      %parallel_loop3A_302 = arith.constant 48 : index
      %parallel_loop3A_303 = tpu.vector_load %arg9[%parallel_loop3A_301, %parallel_loop3A_302] {strides = array<i32>} : memref<104x64xf32, #tpu.memory_space<vmem>>, vector<1x16xf32>,
      %parallel_loop3A_304 = vector.shape_cast %parallel_loop3A_303 : vector<1x16xf32> to vector<16xf32>
      %parallel_loop3A_305 = arith.constant 8.000000e+00 : f32
      %parallel_loop3A_306 = vector.broadcast %parallel_loop3A_305 : f32 to vector<16xf32>
      %parallel_loop3A_307 = arith.mulf %parallel_loop3A_304, %parallel_loop3A_306 : vector<16xf32>
      %parallel_loop3A_308 = arith.index_cast %parallel_loop3A_264 : i32 to index
      %parallel_loop3A_309 = arith.constant 48 : index
      %parallel_loop3A_310 = tpu.vector_load %arg13[%parallel_loop3A_308, %parallel_loop3A_309] {strides = array<i32>} : memref<104x64xf32, #tpu.memory_space<vmem>>, vector<1x16xf32>,
      %parallel_loop3A_311 = vector.shape_cast %parallel_loop3A_310 : vector<1x16xf32> to vector<16xf32>
      %parallel_loop3A_312 = vector.shape_cast %parallel_loop3A_307 : vector<16xf32> to vector<1x16xf32>
      tpu.vector_store %arg13[%parallel_loop3A_308, %parallel_loop3A_309], %parallel_loop3A_312 {strides = array<i32>} : memref<104x64xf32, #tpu.memory_space<vmem>>, vector<1x16xf32>,
    } {sc.loop_unroll_factor = 4 : i64, sc.parallel_access}
    %add3A_200 = arith.constant 127 : i32
    %add3A_201 = arith.addi %mul3A_2, %add3A_200 : i32
    %mul3A_202 = arith.constant 200 : i32
    %mul3A_203 = arith.muli %add3A_201, %mul3A_202 : i32
    %add3A_204 = arith.constant 96 : i32
    %add3A_205 = arith.addi %mul3A_203, %add3A_204 : i32
    %dma_start3A_206 = arith.constant 0 : i32
    %dma_start3A_207 = arith.constant 0 : i32
    %dma_start3A_208 = tpu.memref_slice %arg13[%dma_start3A_206, %dma_start3A_207] : memref<104x64xf32, #tpu.memory_space<vmem>> -> memref<104x64xf32, #tpu.memory_space<vmem>>
    %dma_start3A_209 = arith.constant 0 : i32
    %dma_start3A_210 = tpu.memref_slice %arg4[%add3A_205, %dma_start3A_209] : memref<819200x128xf32, #tpu.memory_space<hbm>> -> memref<104x64xf32, #tpu.memory_space<hbm>>
    %dma_start3A_211 = arith.constant 0 : i32
    %dma_start3A_212 = tpu.memref_slice %arg4[%add3A_205, %dma_start3A_211] : memref<819200x128xf32, #tpu.memory_space<hbm>> -> memref<104x64xf32, #tpu.memory_space<hbm>>
    %dma_start3A_213 = arith.constant 0 : i32
    %dma_start3A_214 = arith.constant 0 : i32
    %dma_start3A_215 = tpu.memref_slice %arg13[%dma_start3A_213, %dma_start3A_214] : memref<104x64xf32, #tpu.memory_space<vmem>> -> memref<104x64xf32, #tpu.memory_space<vmem>>
    tpu.enqueue_dma source(%dma_start3A_215 : memref<104x64xf32, #tpu.memory_space<vmem>>) target(%dma_start3A_212 : memref<104x64xf32, #tpu.memory_space<hbm>>) target_semaphore(%arg21 : memref<!tpu.dma_semaphore, #tpu.memory_space<semaphore_mem>>)
    %dma_wait3A_216 = arith.constant 0 : i32
    %dma_wait3A_217 = arith.constant 0 : i32
    %dma_wait3A_218 = tpu.memref_slice %arg10[%dma_wait3A_216, %dma_wait3A_217] : memref<104x64xf32, #tpu.memory_space<vmem>> -> memref<96x64xf32, #tpu.memory_space<vmem>>
    %dma_wait3A_219 = arith.constant 0 : i32
    %dma_wait3A_220 = arith.constant 0 : i32
    %dma_wait3A_221 = tpu.memref_slice %arg4[%dma_wait3A_219, %dma_wait3A_220] : memref<819200x128xf32, #tpu.memory_space<hbm>> -> memref<96x64xf32, #tpu.memory_space<hbm>>
    %dma_wait3A_222 = arith.constant 0 : i32
    %dma_wait3A_223 = arith.constant 0 : i32
    %dma_wait3A_224 = tpu.memref_slice %arg4[%dma_wait3A_222, %dma_wait3A_223] : memref<819200x128xf32, #tpu.memory_space<hbm>> -> memref<96x64xf32, #tpu.memory_space<hbm>>
    %dma_wait3A_225 = arith.constant 0 : i32
    %dma_wait3A_226 = arith.constant 0 : i32
    %dma_wait3A_227 = tpu.memref_slice %arg10[%dma_wait3A_225, %dma_wait3A_226] : memref<104x64xf32, #tpu.memory_space<vmem>> -> memref<96x64xf32, #tpu.memory_space<vmem>>
    tpu.wait_dma2 semaphore(%arg18 : memref<!tpu.dma_semaphore, #tpu.memory_space<semaphore_mem>>) src(%dma_wait3A_227 : memref<96x64xf32, #tpu.memory_space<vmem>>) dst(%dma_wait3A_224 : memref<96x64xf32, #tpu.memory_space<hbm>>)
    %dma_wait3A_228 = arith.constant 0 : i32
    %dma_wait3A_229 = arith.constant 0 : i32
    %dma_wait3A_230 = tpu.memref_slice %arg11[%dma_wait3A_228, %dma_wait3A_229] : memref<104x64xf32, #tpu.memory_space<vmem>> -> memref<104x64xf32, #tpu.memory_space<vmem>>
    %dma_wait3A_231 = arith.constant 0 : i32
    %dma_wait3A_232 = arith.constant 0 : i32
    %dma_wait3A_233 = tpu.memref_slice %arg4[%dma_wait3A_231, %dma_wait3A_232] : memref<819200x128xf32, #tpu.memory_space<hbm>> -> memref<104x64xf32, #tpu.memory_space<hbm>>
    %dma_wait3A_234 = arith.constant 0 : i32
    %dma_wait3A_235 = arith.constant 0 : i32
    %dma_wait3A_236 = tpu.memref_slice %arg4[%dma_wait3A_234, %dma_wait3A_235] : memref<819200x128xf32, #tpu.memory_space<hbm>> -> memref<104x64xf32, #tpu.memory_space<hbm>>
    %dma_wait3A_237 = arith.constant 0 : i32
    %dma_wait3A_238 = arith.constant 0 : i32
    %dma_wait3A_239 = tpu.memref_slice %arg11[%dma_wait3A_237, %dma_wait3A_238] : memref<104x64xf32, #tpu.memory_space<vmem>> -> memref<104x64xf32, #tpu.memory_space<vmem>>
    tpu.wait_dma2 semaphore(%arg19 : memref<!tpu.dma_semaphore, #tpu.memory_space<semaphore_mem>>) src(%dma_wait3A_239 : memref<104x64xf32, #tpu.memory_space<vmem>>) dst(%dma_wait3A_236 : memref<104x64xf32, #tpu.memory_space<hbm>>)
    %dma_wait3A_240 = arith.constant 0 : i32
    %dma_wait3A_241 = arith.constant 0 : i32
    %dma_wait3A_242 = tpu.memref_slice %arg12[%dma_wait3A_240, %dma_wait3A_241] : memref<104x64xf32, #tpu.memory_space<vmem>> -> memref<96x64xf32, #tpu.memory_space<vmem>>
    %dma_wait3A_243 = arith.constant 0 : i32
    %dma_wait3A_244 = arith.constant 0 : i32
    %dma_wait3A_245 = tpu.memref_slice %arg4[%dma_wait3A_243, %dma_wait3A_244] : memref<819200x128xf32, #tpu.memory_space<hbm>> -> memref<96x64xf32, #tpu.memory_space<hbm>>
    %dma_wait3A_246 = arith.constant 0 : i32
    %dma_wait3A_247 = arith.constant 0 : i32
    %dma_wait3A_248 = tpu.memref_slice %arg4[%dma_wait3A_246, %dma_wait3A_247] : memref<819200x128xf32, #tpu.memory_space<hbm>> -> memref<96x64xf32, #tpu.memory_space<hbm>>
    %dma_wait3A_249 = arith.constant 0 : i32
    %dma_wait3A_250 = arith.constant 0 : i32
    %dma_wait3A_251 = tpu.memref_slice %arg12[%dma_wait3A_249, %dma_wait3A_250] : memref<104x64xf32, #tpu.memory_space<vmem>> -> memref<96x64xf32, #tpu.memory_space<vmem>>
    tpu.wait_dma2 semaphore(%arg20 : memref<!tpu.dma_semaphore, #tpu.memory_space<semaphore_mem>>) src(%dma_wait3A_251 : memref<96x64xf32, #tpu.memory_space<vmem>>) dst(%dma_wait3A_248 : memref<96x64xf32, #tpu.memory_space<hbm>>)
    %dma_wait3A_252 = arith.constant 0 : i32
    %dma_wait3A_253 = arith.constant 0 : i32
    %dma_wait3A_254 = tpu.memref_slice %arg13[%dma_wait3A_252, %dma_wait3A_253] : memref<104x64xf32, #tpu.memory_space<vmem>> -> memref<104x64xf32, #tpu.memory_space<vmem>>
    %dma_wait3A_255 = arith.constant 0 : i32
    %dma_wait3A_256 = arith.constant 0 : i32
    %dma_wait3A_257 = tpu.memref_slice %arg4[%dma_wait3A_255, %dma_wait3A_256] : memref<819200x128xf32, #tpu.memory_space<hbm>> -> memref<104x64xf32, #tpu.memory_space<hbm>>
    %dma_wait3A_258 = arith.constant 0 : i32
    %dma_wait3A_259 = arith.constant 0 : i32
    %dma_wait3A_260 = tpu.memref_slice %arg4[%dma_wait3A_258, %dma_wait3A_259] : memref<819200x128xf32, #tpu.memory_space<hbm>> -> memref<104x64xf32, #tpu.memory_space<hbm>>
    %dma_wait3A_261 = arith.constant 0 : i32
    %dma_wait3A_262 = arith.constant 0 : i32
    %dma_wait3A_263 = tpu.memref_slice %arg13[%dma_wait3A_261, %dma_wait3A_262] : memref<104x64xf32, #tpu.memory_space<vmem>> -> memref<104x64xf32, #tpu.memory_space<vmem>>
    tpu.wait_dma2 semaphore(%arg21 : memref<!tpu.dma_semaphore, #tpu.memory_space<semaphore_mem>>) src(%dma_wait3A_263 : memref<104x64xf32, #tpu.memory_space<vmem>>) dst(%dma_wait3A_260 : memref<104x64xf32, #tpu.memory_space<hbm>>)
    return
  }
}

</mosaic_0001>

<sc_bundles>
// kernel: kernel.3.cloned.1.call-start
scs
__scs_entry_jumppad:
0x0: {  	(pc) =	sbr.rel $0x88, $3  }
0x1: {  	(tag) =	ssettag $0x0;
	lr =	simm.s32 $0x1  }
0x2: {  	[smem:$0x3F9F] =	sst lr;
	_ =	strace $0xD0000000  }
0x3: {  	_ = 	snop  }
0x4: {  	_ = 	snop  }
0x5: {  	_ = 	snop  }
0x6: {  	_ = 	snop  }
0x7: {  	_ = 	snop  }
__scs_overlays_trampoline_lowered:
0x8: {  	[smem:$0x3FAE] =	sst s0  }
0x9: {  	[smem:$0x3FAF] =	sst s1  }
0xa: {  	[smem:$0x3FB0] =	sst s2  }
0xb: {  	[smem:$0x3FB1] =	sst s3  }
0xc: {  	[smem:$0x3FB2] =	sst s4  }
0xd: {  	[smem:$0x3FB3] =	sst s5  }
0xe: {  	[smem:$0x3FB4] =	sst s6  }
0xf: {  	[smem:$0x3FB5] =	sst s7  }
0x10: {  	[smem:$0x3FB6] =	sst s8  }
0x11: {  	[smem:$0x3FB7] =	sst s9;
	s0 =	simm.s32 @!p0 $0x0  }
0x12: {  	s1 =	sld [smem:$0x3F9D];
	s0 =	simm.s32 @p0 $0x1  }
0x13: {  	[smem:$0x3FB8] =	sst s0;
	s0 =	simm.s32 @!p1 $0x0  }
0x14: {  	s2 =	sld [smem:$0x3F9C];
	s0 =	simm.s32 @p1 $0x1  }
0x15: {  	[smem:$0x3FB9] =	sst s0;
	s0 =	simm.s32 @!p2 $0x0  }
0x16: {  	s3 =	sld [smem:$0x3FDB];
	s0 =	simm.s32 @p2 $0x1  }
0x17: {  	s4 =	simm.s32 $0x1BF5;
	[smem:$0x3FBB] =	sst s0  }
0x18: {  	s0 =	sld [smem:$0x3F9E];
	_ =	swait.ge [sflag:s4], $0x0  }
0x19: {  	s7 =	sld [smem:$0x3F9F]  }
0x1a: {  	s8 =	sadd.s32 $0xFFFFE003, lr  }
0x1b: {  	s9 =	sadd.s32 $0xFFFFFEF7, lr;
	s5 =	simm.s32 $0xFFFFFFFF;
	p2 =	slt.u32 s8, $0xFFFFF086  }
0x1c: {  	p1 =	slt.u32 s9, $0xF7A;
	s5 =	simm.s32 @!p2 $0x0  }
0x1d: {  	s5 =	simm.s32 @p1 $0x1;
	p0 =	seq.s32 s7, s2  }
0x1e: {  	s7 =	smul.u32 @!p0 $0xF7A, s2;
	p2 =	seq.s32 @!p0 s5, $0x0  }
0x1f: {  	s9 =	smul.u32 $0xF7A, s1;
	s8 =	simm.s32 @!p0 $0x1BF5;
	p2 =	por !p2, p0  }
0x20: {  	[sflag:s8] =	ssyncset.s32 @!p0 $0xFFFFF086;
	s6 =	sadd.s32 @!p0 s3, s7;
	s7 =	simm.s32 @!p0 $0x108  }
0x21: {  	s3 =	sadd.s32 s3, s9;
	s6 =	sadd.s32 @!p0 $0x88, s6;
	s7 =	simm.s32 @p2 $0x1082  }
0x22: {  	[simem:s7], [sflag:s8] =	dma.local @!p0 [hbm:s6], $0xF7A  }
0x23: {  	s9 =	sor.u32 $0xD0000000, s2;
	s6 =	simm.s32 $0x108;
	_ =	swait.ge @!p0 [sflag:s8], $0x0  }
0x24: {  	s3 =	sadd.s32 $0x88, s3;
	s6 =	simm.s32 @!p1 $0x1082;
	[sflag:s4] =	ssyncset.s32 $0xFFFFF086  }
0x25: {  	[simem:s6], [sflag:s4] =	dma.local [hbm:s3], $0xF7A  }
0x26: {  	[smem:$0x3F9F] =	sst s1;
	(tag) =	ssettag s2;
	_ =	strace s9  }
0x27: {  	s1 =	sld [smem:$0x3FAF]  }
0x28: {  	s2 =	sld [smem:$0x3FB0]  }
0x29: {  	s4 =	sld [smem:$0x3FB2]  }
0x2a: {  	p0 =	seq.s32 s5, $0x0;
	s5 =	sld [smem:$0x3FB3]  }
0x2b: {  	s6 =	sld [smem:$0x3FB4]  }
0x2c: {  	s7 =	sld [smem:$0x3FB5]  }
0x2d: {  	s3 =	simm.s32 $0x108;
	s8 =	sld [smem:$0x3FB6]  }
0x2e: {  	s3 =	simm.s32 @!p0 $0x1082;
	s9 =	sld [smem:$0x3FB7]  }
0x2f: {  	lr =	sadd.s32 s0, s3;
	s0 =	sld [smem:$0x3FAE]  }
0x30: {  	s3 =	sld [smem:$0x3FB1]  }
0x31: {  	[smem:$0x3FBA] =	sst s10  }
0x32: {  	s10 =	sld [smem:$0x3FB8];
	_ =	sdelay $0x3  }
0x33: {  	p0 =	seq.s32 s10, $0x1;
	s10 =	sld [smem:$0x3FBA];
	_ =	sdelay $0x3  }
0x34: {  	[smem:$0x3FBA] =	sst s10  }
0x35: {  	s10 =	sld [smem:$0x3FB9];
	_ =	sdelay $0x3  }
0x36: {  	p1 =	seq.s32 s10, $0x1;
	s10 =	sld [smem:$0x3FBA];
	_ =	sdelay $0x3  }
0x37: {  	[smem:$0x3FBA] =	sst s10  }
0x38: {  	s10 =	sld [smem:$0x3FBB]  }
0x39: {  	_ = 	snop;
	(pc) =	sbr.ind lr, $3  }
0x3a: {  	_ = 	snop  }
0x3b: {  	_ = 	snop  }
0x3c: {  	p2 =	seq.s32 s10, $0x1;
	s10 =	sld [smem:$0x3FBA]  }
0x3d: {  	_ =	shalt  }
0x3e: {  	_ =	shalt  }
0x3f: {  	_ =	shalt  }
0x40: {  	_ =	shalt  }
0x41: {  	_ =	shalt  }
0x42: {  	_ =	shalt  }
0x43: {  	_ =	shalt  }
0x44: {  	_ =	shalt  }
0x45: {  	_ =	shalt  }
0x46: {  	_ =	shalt  }
0x47: {  	_ =	shalt  }
0x48: {  	_ =	shalt  }
0x49: {  	_ =	shalt  }
0x4a: {  	_ =	shalt  }
0x4b: {  	_ =	shalt  }
0x4c: {  	_ =	shalt  }
0x4d: {  	_ =	shalt  }
0x4e: {  	_ =	shalt  }
0x4f: {  	_ =	shalt  }
0x50: {  	_ =	shalt  }
0x51: {  	_ =	shalt  }
0x52: {  	_ =	shalt  }
0x53: {  	_ =	shalt  }
0x54: {  	_ =	shalt  }
0x55: {  	_ =	shalt  }
0x56: {  	_ =	shalt  }
0x57: {  	_ =	shalt  }
0x58: {  	_ =	shalt  }
0x59: {  	_ =	shalt  }
0x5a: {  	_ =	shalt  }
0x5b: {  	_ =	shalt  }
0x5c: {  	_ =	shalt  }
0x5d: {  	_ =	shalt  }
0x5e: {  	_ =	shalt  }
0x5f: {  	_ =	shalt  }
0x60: {  	_ =	shalt  }
0x61: {  	_ =	shalt  }
0x62: {  	_ =	shalt  }
0x63: {  	_ =	shalt  }
0x64: {  	_ =	shalt  }
0x65: {  	_ =	shalt  }
0x66: {  	_ =	shalt  }
0x67: {  	_ =	shalt  }
0x68: {  	_ =	shalt  }
0x69: {  	_ =	shalt  }
0x6a: {  	_ =	shalt  }
0x6b: {  	_ =	shalt  }
0x6c: {  	_ =	shalt  }
0x6d: {  	_ =	shalt  }
0x6e: {  	_ =	shalt  }
0x6f: {  	_ =	shalt  }
0x70: {  	_ =	shalt  }
0x71: {  	_ =	shalt  }
0x72: {  	_ =	shalt  }
0x73: {  	_ =	shalt  }
0x74: {  	_ =	shalt  }
0x75: {  	_ =	shalt  }
0x76: {  	_ =	shalt  }
0x77: {  	_ =	shalt  }
0x78: {  	_ =	shalt  }
0x79: {  	_ =	shalt  }
0x7a: {  	_ =	shalt  }
0x7b: {  	_ =	shalt  }
0x7c: {  	_ =	shalt  }
0x7d: {  	_ =	shalt  }
0x7e: {  	_ =	shalt  }
0x7f: {  	_ =	shalt  }
0x80: {  	_ =	shalt  }
0x81: {  	_ =	shalt  }
0x82: {  	_ =	shalt  }
0x83: {  	_ =	shalt  }
0x84: {  	_ =	shalt  }
0x85: {  	_ =	shalt  }
0x86: {  	_ =	shalt  }
0x87: {  	_ =	shalt  }
.Lfunc_end0:
.L_simem_size_0:
called_computation.2_lowered:
.L_overlay_start_0:
0x88: {  	s2 =	sld [smem:$0x3FD9]  }
0x89: {  	s3 =	sld [smem:$0x3FFE];
	_ =	sdelay $0x1  }
0x8a: {  	s1 =	srdreg.scid  }
0x8b: {  	s0 =	sand.u32 $0x1, s1  }
0x8c: {  	s17 =	sshll.u32 s0, $0xA;
	s2 =	sadd.s32 s3, s2  }
0x8d: {  	s2 =	sadd.s32 s2, s17  }
0x8e: {  	[smem:$0x3FC6] =	sst s2  }
0x8f: {  	_ = 	snop  }
0x90: {  	s2 =	sld [smem:$0x3FD0];
	(tm) =	ssettm $0x1  }
0x91: {  	s18 =	sld [smem:$0x3FFB];
	_ =	sdelay $0x3  }
0x92: {  	_ =	strace s18  }
0x93: {  	s3 =	sld [smem:$0x3FFC];
	_ =	sdelay $0x3  }
0x94: {  	_ =	strace s3  }
0x95: {  	s3 =	sld [smem:$0x3FFD];
	_ =	sdelay $0x3  }
0x96: {  	_ =	strace s3  }
0x97: {  	_ =	strace $0x8FFFFFFF  }
0x98: {  	s19 =	sld [smem:$0x3FDB];
	_ =	sdelay $0x1  }
0x99: {  	s4 =	simm.s32 $_scs_section_size  }
0x9a: {  	s5 =	simm.s32 $_size__tile_overlayer_lowered;
	s6 =	simm.s32 $_tile_overlayer_lowered  }
0x9b: {  	s22 =	simm.s32 $0x1BFF;
	s21 =	sshll.u32 s6, $0x1;
	s3 =	sadd.s32 s4, s19  }
0x9c: {  	s7 =	simm.s32 $0x0;
	s20 =	sshll.u32 s5, $0x1;
	s5 =	sadd.s32 s21, s3  }
0x9d: {  	[timem:s7], [sflag:s22] =	dma.local [hbm:s5], s20  }
0x9e: {  	_ =	swait.ge [sflag:s22], s20  }
0x9f: {  	s4 =	ssub.s32 $0x0, s20;
	[sflag:s22] =	ssyncset.done $0x0  }
0xa0: {  	[sflag:s22] =	ssyncadd.s32 s4;
	_ =	sdelay $0x1  }
0xa1: {  	s23 =	simm.s32 $0x1B8B  }
0xa2: {  	_ =	swait.ge [sflag:s23], $0x1  }
0xa3: {  	[sflag:s23] =	ssyncset.done $0x0  }
0xa4: {  	s25 =	simm.s32 $0x1B8E;
	s24 =	sld [smem:$0x3FFE];
	[sflag:s23] =	ssyncadd.s32 $0xFFFFFFFF  }
0xa5: {  	s26 =	simm.s32 $execute0_lowered;
	[smem:$0x3FD2] =	sst s25  }
0xa6: {  	s5 =	sshll.u32 s26, $0x1;
	_ =	strace $0x80000049;
	[dreg:$0x1] =	wrdreg $0xFFFFFFFF  }
0xa7: {  	s28 =	simm.s32 $_size_execute0_lowered;
	s3 =	sadd.s32 s3, s5;
	[dreg:$0x0] =	wrdreg $0x0  }
0xa8: {  	s5 =	sshll.u32 s28, $0x1;
	[dreg:$0x2] =	wrdreg s3  }
0xa9: {  	[dreg:$0x3] =	wrdreg s5  }
0xaa: {  	[dreg:$0x4] =	wrdreg $0xC0  }
0xab: {  	_ =	task [dreg:s7], $0x5FFFF  }
0xac: {  	[dreg:$0x1] =	wrdreg $0xFFFFFFFF  }
0xad: {  	[dreg:$0x0] =	wrdreg $0x60  }
0xae: {  	[dreg:$0x2] =	wrdreg s2  }
0xaf: {  	[dreg:$0x3] =	wrdreg s24  }
0xb0: {  	[dreg:$0x4] =	wrdreg $0x9  }
0xb1: {  	_ =	task.clear_ibuf [dreg:s7], $0x5FFFF;
	_ =	strace $0x90000049  }
0xb2: {  	s29 =	simm.s32 $0x9;
	_ =	strace $0x8000004B  }
0xb3: {  	_ =	swait.ge [sflag:s29], $0x1  }
0xb4: {  	[sflag:s29] =	ssyncadd.s32 $0xFFFFFFFF  }
0xb5: {  	_ =	strace $0x9000004B  }
0xb6: {  	_ =	sfence  }
0xb7: {  	s30 =	sld [smem:$0x0];
	_ =	sdelay $0x2  }
0xb8: {  	s31 =	sshll.u32 s1, $0xD;
	s1 =	sshrl.u32 s1, $0x2  }
0xb9: {  	s3 =	sand.u32 $0x4000, s31;
	s1 =	sadd.s32 s1, s30  }
0xba: {  	s0 =	sor.u32 s3, s0;
	s1 =	sshll.u32 s1, $0x11  }
0xbb: {  	s0 =	sor.u32 s1, s0  }
0xbc: {  	s0 =	sadd.s32 $0x8F2B, s0  }
0xbd: {  	[sflag:s0] =	ssyncadd.remote.s32 $0x1  }
0xbe: {  	_ =	sfence.sel $0xFFFF  }
0xbf: {  	[dreg:$0x0] =	wrdreg $0xFFFFFFFF;
	(pc) =	sbr.abs _section_cstart, $3  }
0xc0: {  	[dreg:$0x1] =	wrdreg $0xFFFFFFFF  }
0xc1: {  	_ =	task.clear_ibuf [dreg:s7], $0x2FFFF;
	_ =	strace $0x9FFFFFFF  }
0xc2: {  	(tm) =	ssettm $0x7FFFFFFF  }
0xc3: {  	_ =	shalt  }
tec
execute0_lowered:
.L_overlay_start_1:
0x0: {  	(tag) =	ssettag $0x1  }
0x1: {  	s0 =	rddreg [dreg:$0x0]  }
0x2: {  	s1 =	rddreg [dreg:$0x1]  }
0x3: {  	s2 =	srdreg.scid;
	s4 =	simm.s32 $0x0;
	s3 =	stileid.u32  }
0x4: {  	s13 =	simm.s32 $0x60;
	s14 =	simm.s32 $0x6400;
	s15 =	simm.s32 $0x68  }
0x5: {  	s16 =	simm.s32 $0x7E00;
	s18 =	simm.s32 $0x9800;
	s28 =	simm.s32 $0x3  }
0x6: {  	s29 =	simm.s32 $0x10000;
	s30 =	simm.s32 $0x4;
	s2 =	sand.u32 $0x1, s2  }
0x7: {  	s31 =	simm.s32 $0x11A00;
	s3 =	sshll.u32 s3, $0x8;
	s19 =	sshll.u32 s2, $0x7  }
0x8: {  	s17 =	simm.s32 $0x7E80;
	[smem:$0x7FF] =	sst s4;
	s3 =	sor.u32 s19, s3  }
0x9: {  	s4 =	sadd.s32 $0xF43200, s1;
	s20 =	ssub.s32 $0x2, s2;
	s6 =	smul.u32 $0x6400, s3  }
0xa: {  	s5 =	sadd.s32 $0xE00, s1;
	s7 =	sshrl.u32 s20, $0x1;
	s21 =	smul.u32 $0xC80, s3  }
0xb: {  	_ =	strace $0x8000004A;
	s8 =	smul.u32 $0x19, s3;
	s1 =	ssub.s32 s20, s7  }
0xc: {  	s19 =	simm.s32 $0x8;
	s20 =	simm.s32 $0xB200;
	s26 =	smax.u32 s1, $0x1  }
0xd: {  	s6 =	sshrl.u32 s6, $0x3;
	s2 =	sadd.s32 s21, s5;
	s0 =	sadd.s32 s0, s8  }
0xe: {  	[dreg:$0x8] =	wrdreg s26;
	s21 =	simm.s32 $0x1;
	s26 =	simm.s32 $0xE600  }
0xf: {  	s6 =	sadd.s32 s5, s6;
	[dreg:$0x3] =	wrdreg s0;
	s22 =	sadd.s32 $0x62700, s2  }
0x10: {  	s24 =	sadd.s32 $0x63380, s2;
	s2 =	simm.s32 $0x0;
	[dreg:$0x4] =	wrdreg s22  }
0x11: {  	s23 =	sadd.s32 $0x62D00, s6;
	[dreg:$0x6] =	wrdreg s24;
	s25 =	sadd.s32 $0x63980, s6  }
0x12: {  	s22 =	simm.s32 $0x40;
	s24 =	simm.s32 $0xCC00;
	[dreg:$0x5] =	wrdreg s23  }
0x13: {  	[dreg:$0x7] =	wrdreg s25;
	s23 =	simm.s32 $0x80;
	s25 =	simm.s32 $0x2  }
.LBB2_1:
0x14: {  	s0 =	simm.s32 $0x0;
	s1 =	rddreg [dreg:$0x3];
	s10 =	simm.s32 $0x9  }
0x15: {  	[tilespmem:s0], [sflag:$0x9] =	stream.linear.gather [hbm4b:s1+s0], $0x6400, $0x38;
	[tilespmem:$0x13400] =	vst v63  }
0x16: {  	_ =	swait.ge [sflag:s10], $0x6400  }
0x17: {  	[sflag:s10] =	ssyncset.done $0x0  }
0x18: {  	[sflag:s10] =	ssyncadd.s32 $0xFFFF9C00  }
0x19: {  	[tilespmem:s14], [sflag:$0x1] =	stream.indirect.gather [hbm4b:s4+s13], $0x40, s0, s13, $0xb8;
	[tilespmem:$0x13400] =	vst v63  }
0x1a: {  	_ = 	snop  }
0x1b: {  	[tilespmem:s16], [sflag:$0x2] =	stream.indirect.gather [hbm4b:s4+s15], $0x40, s13, s15, $0xb8;
	[tilespmem:$0x13400] =	vst v63  }
0x1c: {  	s11 =	simm.s32 $0xC8  }
0x1d: {  	[tilespmem:s18], [sflag:$0x3] =	stream.indirect.gather [hbm4b:s4+s13], $0x40, s11, s13, $0xb8;
	[tilespmem:$0x13400] =	vst v63  }
0x1e: {  	s12 =	simm.s32 $0x128;
	s6 =	simm.s32 $0x0  }
0x1f: {  	[tilespmem:s20], [sflag:$0x4] =	stream.indirect.gather [hbm4b:s4+s15], $0x40, s12, s15, $0xb8;
	[tilespmem:$0x13400] =	vst v63  }
.LBB2_2:
0x20: {  	_ =	swait.ge [sflag:s21], $0x1800  }
0x21: {  	p0 =	seq.s32 s6, $0x0;
	[sflag:s21] =	ssyncset.done $0x0  }
0x22: {  	s0 =	simm.s32 @!p0 $0x5;
	[sflag:s21] =	ssyncadd.s32 $0xFFFFE800  }
0x23: {  	_ =	swait.ge @!p0 [sflag:s0], $0x1800  }
0x24: {  	[sflag:s0] =	ssyncset.done @!p0 $0x0  }
0x25: {  	s1 =	simm.s32 $0x6480;
	[sflag:s0] =	ssyncadd.s32 @!p0 $0xFFFFE800  }
0x26: {  	v0 =	vld [tilespmem:s1+$0x40];
	_ =	sdelay $0x3  }
0x27: {  	v1 =	vld [tilespmem:s1+$0xFFFFFF80]  }
0x28: {  	v2 =	vld [tilespmem:s1+$0xFFFFFFC0];
	v0 =	vmul.f32 $8.000000000e+00, v0  }
0x29: {  	s8 =	simm.s32 $0xCC80;
	v3 =	vld [tilespmem:s1+$0x0]  }
0x2a: {  	[tilespmem:s8+$0x40] =	vst v0  }
0x2b: {  	v0 =	vld [tilespmem:s1+$0x50]  }
0x2c: {  	v1 =	vmul.f32 $8.000000000e+00, v1  }
0x2d: {  	v2 =	vmul.f32 $8.000000000e+00, v2  }
0x2e: {  	v3 =	vmul.f32 $8.000000000e+00, v3;
	[tilespmem:s8+$0xFFFFFF80] =	vst v1  }
0x2f: {  	[tilespmem:s8+$0xFFFFFFC0] =	vst v2;
	v1 =	vld [tilespmem:s1+$0xFFFFFF90]  }
0x30: {  	[tilespmem:s8+$0x0] =	vst v3;
	v2 =	vld [tilespmem:s1+$0xFFFFFFD0];
	v0 =	vmul.f32 $8.000000000e+00, v0  }
0x31: {  	s9 =	simm.s32 $0x6580;
	v3 =	vld [tilespmem:s1+$0x10]  }
0x32: {  	[tilespmem:s8+$0x50] =	vst v0;
	v0 =	vld [tilespmem:s9+$0x40]  }
0x33: {  	v4 =	vld [tilespmem:s1+$0x60]  }
0x34: {  	v5 =	vld [tilespmem:s9+$0xFFFFFFC0];
	v1 =	vmul.f32 $8.000000000e+00, v1  }
0x35: {  	v6 =	vld [tilespmem:s9+$0x0];
	v2 =	vmul.f32 $8.000000000e+00, v2  }
0x36: {  	v3 =	vmul.f32 $8.000000000e+00, v3;
	[tilespmem:s8+$0xFFFFFF90] =	vst v1;
	v1 =	vld [tilespmem:s9+$0xFFFFFF80]  }
0x37: {  	[tilespmem:s8+$0xFFFFFFD0] =	vst v2;
	v2 =	vld [tilespmem:s1+$0xFFFFFFA0];
	v0 =	vmul.f32 $8.000000000e+00, v0  }
0x38: {  	s10 =	simm.s32 $0xCD80;
	[tilespmem:s8+$0x10] =	vst v3;
	v7 =	vld [tilespmem:s1+$0xFFFFFFE0];
	v3 =	vmul.f32 $8.000000000e+00, v4  }
0x39: {  	v4 =	vmul.f32 $8.000000000e+00, v5;
	[tilespmem:s10+$0x40] =	vst v0;
	v0 =	vld [tilespmem:s1+$0x20]  }
0x3a: {  	v5 =	vmul.f32 $8.000000000e+00, v6;
	v6 =	vld [tilespmem:s9+$0x50];
	[tilespmem:s8+$0x60] =	vst v3  }
0x3b: {  	v1 =	vmul.f32 $8.000000000e+00, v1;
	[tilespmem:s10+$0xFFFFFFC0] =	vst v4;
	v8 =	vld [tilespmem:s1+$0x70]  }
0x3c: {  	v2 =	vmul.f32 $8.000000000e+00, v2;
	[tilespmem:s10+$0x0] =	vst v5;
	v9 =	vld [tilespmem:s9+$0xFFFFFFD0]  }
0x3d: {  	[tilespmem:s10+$0xFFFFFF80] =	vst v1;
	v5 =	vmul.f32 $8.000000000e+00, v7;
	v3 =	vld [tilespmem:s9+$0x10]  }
0x3e: {  	v4 =	vld [tilespmem:s9+$0xFFFFFF90];
	[tilespmem:s8+$0xFFFFFFA0] =	vst v2;
	v2 =	vmul.f32 $8.000000000e+00, v0  }
0x3f: {  	v1 =	vld [tilespmem:s1+$0xFFFFFFB0];
	[tilespmem:s8+$0xFFFFFFE0] =	vst v5;
	v7 =	vmul.f32 $8.000000000e+00, v6  }
0x40: {  	v0 =	vld [tilespmem:s1+$0xFFFFFFF0];
	[tilespmem:s8+$0x20] =	vst v2;
	v5 =	vmul.f32 $8.000000000e+00, v8  }
0x41: {  	s7 =	sshll.u32 s6, $0x2;
	s11 =	simm.s32 $0x4;
	s0 =	simm.s32 $0x6680;
	v6 =	vmul.f32 $8.000000000e+00, v9;
	[tilespmem:s10+$0x50] =	vst v7;
	v2 =	vld [tilespmem:s1+$0x30]  }
.LBB2_3:
0x42: {  	v7 =	vld [tilespmem:s0+$0x40];
	v3 =	vmul.f32 $8.000000000e+00, v3;
	[tilespmem:s8+$0x70] =	vst v5  }
0x43: {  	s11 =	sadd.s32 $0x4, s11;
	v4 =	vmul.f32 $8.000000000e+00, v4;
	[tilespmem:s10+$0xFFFFFFD0] =	vst v6;
	v5 =	vld [tilespmem:s9+$0x60]  }
0x44: {  	p1 =	slt.u32 s11, $0x5C;
	v6 =	vld [tilespmem:s0+$0xFFFFFFC0];
	[tilespmem:s10+$0x10] =	vst v3;
	v1 =	vmul.f32 $8.000000000e+00, v1  }
0x45: {  	v3 =	vld [tilespmem:s0+$0x0];
	[tilespmem:s10+$0xFFFFFF90] =	vst v4;
	v0 =	vmul.f32 $8.000000000e+00, v0  }
0x46: {  	v4 =	vld [tilespmem:s0+$0xFFFFFF80];
	[tilespmem:s8+$0xFFFFFFB0] =	vst v1;
	v1 =	vmul.f32 $8.000000000e+00, v2  }
0x47: {  	v2 =	vmul.f32 $8.000000000e+00, v7;
	v7 =	vld [tilespmem:s9+$0xFFFFFFA0];
	[tilespmem:s8+$0xFFFFFFF0] =	vst v0  }
0x48: {  	v0 =	vld [tilespmem:s9+$0xFFFFFFE0];
	v5 =	vmul.f32 $8.000000000e+00, v5;
	[tilespmem:s8+$0x30] =	vst v1;
	s8 =	smov.u32 s10;
	s10 =	sadd.s32 $0x100, s10  }
0x49: {  	v1 =	vmul.f32 $8.000000000e+00, v6;
	[tilespmem:s10+$0x40] =	vst v2;
	v2 =	vld [tilespmem:s9+$0x20]  }
0x4a: {  	v3 =	vmul.f32 $8.000000000e+00, v3;
	v6 =	vld [tilespmem:s0+$0x50];
	[tilespmem:s8+$0x60] =	vst v5  }
0x4b: {  	v4 =	vmul.f32 $8.000000000e+00, v4;
	[tilespmem:s10+$0xFFFFFFC0] =	vst v1;
	v5 =	vld [tilespmem:s9+$0x70]  }
0x4c: {  	v8 =	vld [tilespmem:s0+$0xFFFFFFD0];
	[tilespmem:s10+$0x0] =	vst v3;
	v1 =	vmul.f32 $8.000000000e+00, v7  }
.Ltmp0:
0x4d: {  	[tilespmem:s10+$0xFFFFFF80] =	vst v4;
	v3 =	vld [tilespmem:s0+$0x10];
	v0 =	vmul.f32 $8.000000000e+00, v0;
	(pc) =	sbr.rel @p1 .LBB2_3-.Ltmp0, $4  }
0x4e: {  	v4 =	vld [tilespmem:s0+$0xFFFFFF90];
	[tilespmem:s8+$0xFFFFFFA0] =	vst v1;
	v2 =	vmul.f32 $8.000000000e+00, v2  }
0x4f: {  	v7 =	vmul.f32 $8.000000000e+00, v6;
	v1 =	vld [tilespmem:s9+$0xFFFFFFB0];
	[tilespmem:s8+$0xFFFFFFE0] =	vst v0  }
0x50: {  	v0 =	vld [tilespmem:s9+$0xFFFFFFF0];
	[tilespmem:s8+$0x20] =	vst v2;
	v5 =	vmul.f32 $8.000000000e+00, v5  }
0x51: {  	v6 =	vmul.f32 $8.000000000e+00, v8;
	[tilespmem:s10+$0x50] =	vst v7;
	v2 =	vld [tilespmem:s9+$0x30];
	s9 =	smov.u32 s0;
	s0 =	sadd.s32 $0x100, s0  }
0x52: {  	_ = 	snop  }
0x53: {  	v4 =	vmul.f32 $8.000000000e+00, v4;
	_ =	sdelay $0x1  }
0x54: {  	v3 =	vmul.f32 $8.000000000e+00, v3;
	v7 =	vld [tilespmem:s9+$0x60];
	[tilespmem:s10+$0xFFFFFF90] =	vst v4  }
0x55: {  	[tilespmem:s10+$0xFFFFFFD0] =	vst v6;
	v4 =	vld [tilespmem:s9+$0xFFFFFFA0]  }
0x56: {  	[tilespmem:s10+$0x10] =	vst v3;
	v3 =	vld [tilespmem:s9+$0xFFFFFFE0]  }
0x57: {  	v6 =	vld [tilespmem:s9+$0x20];
	_ =	sdelay $0x1  }
0x58: {  	v7 =	vmul.f32 $8.000000000e+00, v7  }
0x59: {  	v4 =	vmul.f32 $8.000000000e+00, v4  }
0x5a: {  	[tilespmem:s10+$0x60] =	vst v7;
	v3 =	vmul.f32 $8.000000000e+00, v3  }
0x5b: {  	v7 =	vld [tilespmem:s9+$0x70];
	[tilespmem:s10+$0xFFFFFFA0] =	vst v4;
	v4 =	vmul.f32 $8.000000000e+00, v6  }
0x5c: {  	[tilespmem:s10+$0xFFFFFFE0] =	vst v3;
	v6 =	vld [tilespmem:s9+$0xFFFFFFB0]  }
0x5d: {  	v1 =	vmul.f32 $8.000000000e+00, v1;
	v3 =	vld [tilespmem:s9+$0xFFFFFFF0];
	[tilespmem:s10+$0x20] =	vst v4  }
0x5e: {  	[tilespmem:s8+$0x70] =	vst v5;
	v0 =	vmul.f32 $8.000000000e+00, v0;
	v4 =	vld [tilespmem:s9+$0x30]  }
0x5f: {  	[tilespmem:s8+$0xFFFFFFB0] =	vst v1;
	v1 =	vmul.f32 $8.000000000e+00, v2  }
0x60: {  	[tilespmem:s8+$0xFFFFFFF0] =	vst v0;
	v0 =	vmul.f32 $8.000000000e+00, v7  }
0x61: {  	s0 =	sshll.u32 s6, $0x1;
	s1 =	sshrl.u32 s7, $0x1;
	[tilespmem:s8+$0x30] =	vst v1;
	v1 =	vmul.f32 $8.000000000e+00, v6  }
0x62: {  	s1 =	smul.u32 $0x320, s1;
	s8 =	sor.u32 s3, s0;
	[tilespmem:s10+$0x70] =	vst v0;
	v0 =	vmul.f32 $8.000000000e+00, v3  }
0x63: {  	s0 =	smul.u32 $0xC80, s8;
	[tilespmem:s10+$0xFFFFFFB0] =	vst v1;
	v1 =	vmul.f32 $8.000000000e+00, v4  }
0x64: {  	[tilespmem:s10+$0xFFFFFFF0] =	vst v0  }
0x65: {  	s12 =	sadd.s32 $0x640, s1;
	s0 =	sadd.s32 s5, s0;
	[tilespmem:s10+$0x30] =	vst v1  }
0x66: {  	[hbm4b:s0+s22] =	stream.strided.scatter [tilespmem:s24], [sflag:$0x5], $0x1800, s23, s22, $0x38;
	[tilespmem:$0x13400] =	vst v63  }
0x67: {  	s9 =	sshra.s32 s12, $0x2  }
0x68: {  	[tilespmem:s14], [sflag:$0x1] =	stream.indirect.gather [hbm4b:s4+s13], $0x40, s9, s13, $0xb8;
	[tilespmem:$0x13400] =	vst v63  }
0x69: {  	_ =	swait.ge [sflag:s25], $0x1A00  }
0x6a: {  	[sflag:s25] =	ssyncset.done $0x0  }
0x6b: {  	s0 =	simm.s32 @!p0 $0x6;
	[sflag:s25] =	ssyncadd.s32 $0xFFFFE600  }
0x6c: {  	_ =	swait.ge @!p0 [sflag:s0], $0x1A00  }
0x6d: {  	[sflag:s0] =	ssyncset.done @!p0 $0x0  }
0x6e: {  	[sflag:s0] =	ssyncadd.s32 @!p0 $0xFFFFE600  }
0x6f: {  	v0 =	vld [tilespmem:s17+$0x40];
	_ =	sdelay $0x3  }
0x70: {  	v1 =	vld [tilespmem:s17+$0xFFFFFF80]  }
0x71: {  	v2 =	vld [tilespmem:s17+$0xFFFFFFC0];
	v0 =	vmul.f32 $8.000000000e+00, v0  }
0x72: {  	s10 =	simm.s32 $0xE680;
	v3 =	vld [tilespmem:s17+$0x0]  }
0x73: {  	[tilespmem:s10+$0x40] =	vst v0  }
0x74: {  	v0 =	vld [tilespmem:s17+$0x50]  }
0x75: {  	v1 =	vmul.f32 $8.000000000e+00, v1  }
0x76: {  	v2 =	vmul.f32 $8.000000000e+00, v2  }
0x77: {  	v3 =	vmul.f32 $8.000000000e+00, v3;
	[tilespmem:s10+$0xFFFFFF80] =	vst v1  }
0x78: {  	[tilespmem:s10+$0xFFFFFFC0] =	vst v2;
	v1 =	vld [tilespmem:s17+$0xFFFFFF90]  }
0x79: {  	[tilespmem:s10+$0x0] =	vst v3;
	v2 =	vld [tilespmem:s17+$0xFFFFFFD0];
	v0 =	vmul.f32 $8.000000000e+00, v0  }
0x7a: {  	s11 =	simm.s32 $0x7F80;
	v3 =	vld [tilespmem:s17+$0x10]  }
0x7b: {  	[tilespmem:s10+$0x50] =	vst v0;
	v0 =	vld [tilespmem:s11+$0x40]  }
0x7c: {  	v4 =	vld [tilespmem:s17+$0x60]  }
0x7d: {  	v5 =	vld [tilespmem:s11+$0xFFFFFFC0];
	v1 =	vmul.f32 $8.000000000e+00, v1  }
0x7e: {  	v6 =	vld [tilespmem:s11+$0x0];
	v2 =	vmul.f32 $8.000000000e+00, v2  }
0x7f: {  	v3 =	vmul.f32 $8.000000000e+00, v3;
	[tilespmem:s10+$0xFFFFFF90] =	vst v1;
	v1 =	vld [tilespmem:s11+$0xFFFFFF80]  }
0x80: {  	[tilespmem:s10+$0xFFFFFFD0] =	vst v2;
	v2 =	vld [tilespmem:s17+$0xFFFFFFA0];
	v0 =	vmul.f32 $8.000000000e+00, v0  }
0x81: {  	s12 =	simm.s32 $0xE780;
	[tilespmem:s10+$0x10] =	vst v3;
	v7 =	vld [tilespmem:s17+$0xFFFFFFE0];
	v3 =	vmul.f32 $8.000000000e+00, v4  }
0x82: {  	v4 =	vmul.f32 $8.000000000e+00, v5;
	[tilespmem:s12+$0x40] =	vst v0;
	v0 =	vld [tilespmem:s17+$0x20]  }
0x83: {  	v5 =	vmul.f32 $8.000000000e+00, v6;
	v6 =	vld [tilespmem:s11+$0x50];
	[tilespmem:s10+$0x60] =	vst v3  }
0x84: {  	v1 =	vmul.f32 $8.000000000e+00, v1;
	[tilespmem:s12+$0xFFFFFFC0] =	vst v4;
	v8 =	vld [tilespmem:s17+$0x70]  }
0x85: {  	v2 =	vmul.f32 $8.000000000e+00, v2;
	[tilespmem:s12+$0x0] =	vst v5;
	v9 =	vld [tilespmem:s11+$0xFFFFFFD0]  }
0x86: {  	[tilespmem:s12+$0xFFFFFF80] =	vst v1;
	v5 =	vmul.f32 $8.000000000e+00, v7;
	v3 =	vld [tilespmem:s11+$0x10]  }
0x87: {  	v4 =	vld [tilespmem:s11+$0xFFFFFF90];
	[tilespmem:s10+$0xFFFFFFA0] =	vst v2;
	v2 =	vmul.f32 $8.000000000e+00, v0  }
0x88: {  	v1 =	vld [tilespmem:s17+$0xFFFFFFB0];
	[tilespmem:s10+$0xFFFFFFE0] =	vst v5;
	v7 =	vmul.f32 $8.000000000e+00, v6  }
0x89: {  	v0 =	vld [tilespmem:s17+$0xFFFFFFF0];
	[tilespmem:s10+$0x20] =	vst v2;
	v5 =	vmul.f32 $8.000000000e+00, v8  }
0x8a: {  	s1 =	simm.s32 $0x8080;
	s0 =	simm.s32 $0x4;
	v6 =	vmul.f32 $8.000000000e+00, v9;
	[tilespmem:s12+$0x50] =	vst v7;
	v2 =	vld [tilespmem:s17+$0x30]  }
.LBB2_5:
0x8b: {  	v7 =	vld [tilespmem:s1+$0x40];
	v3 =	vmul.f32 $8.000000000e+00, v3;
	[tilespmem:s10+$0x70] =	vst v5  }
0x8c: {  	s0 =	sadd.s32 $0x4, s0;
	v4 =	vmul.f32 $8.000000000e+00, v4;
	[tilespmem:s12+$0xFFFFFFD0] =	vst v6;
	v5 =	vld [tilespmem:s11+$0x60]  }
0x8d: {  	p1 =	slt.u32 s0, $0x64;
	v6 =	vld [tilespmem:s1+$0xFFFFFFC0];
	[tilespmem:s12+$0x10] =	vst v3;
	v1 =	vmul.f32 $8.000000000e+00, v1  }
0x8e: {  	v3 =	vld [tilespmem:s1+$0x0];
	[tilespmem:s12+$0xFFFFFF90] =	vst v4;
	v0 =	vmul.f32 $8.000000000e+00, v0  }
0x8f: {  	v4 =	vld [tilespmem:s1+$0xFFFFFF80];
	[tilespmem:s10+$0xFFFFFFB0] =	vst v1;
	v1 =	vmul.f32 $8.000000000e+00, v2  }
0x90: {  	v2 =	vmul.f32 $8.000000000e+00, v7;
	v7 =	vld [tilespmem:s11+$0xFFFFFFA0];
	[tilespmem:s10+$0xFFFFFFF0] =	vst v0  }
0x91: {  	v0 =	vld [tilespmem:s11+$0xFFFFFFE0];
	v5 =	vmul.f32 $8.000000000e+00, v5;
	[tilespmem:s10+$0x30] =	vst v1;
	s10 =	smov.u32 s12;
	s12 =	sadd.s32 $0x100, s12  }
0x92: {  	v1 =	vmul.f32 $8.000000000e+00, v6;
	[tilespmem:s12+$0x40] =	vst v2;
	v2 =	vld [tilespmem:s11+$0x20]  }
0x93: {  	v3 =	vmul.f32 $8.000000000e+00, v3;
	v6 =	vld [tilespmem:s1+$0x50];
	[tilespmem:s10+$0x60] =	vst v5  }
0x94: {  	v4 =	vmul.f32 $8.000000000e+00, v4;
	[tilespmem:s12+$0xFFFFFFC0] =	vst v1;
	v5 =	vld [tilespmem:s11+$0x70]  }
0x95: {  	v8 =	vld [tilespmem:s1+$0xFFFFFFD0];
	[tilespmem:s12+$0x0] =	vst v3;
	v1 =	vmul.f32 $8.000000000e+00, v7  }
.Ltmp1:
0x96: {  	[tilespmem:s12+$0xFFFFFF80] =	vst v4;
	v3 =	vld [tilespmem:s1+$0x10];
	v0 =	vmul.f32 $8.000000000e+00, v0;
	(pc) =	sbr.rel @p1 .LBB2_5-.Ltmp1, $4  }
0x97: {  	v4 =	vld [tilespmem:s1+$0xFFFFFF90];
	[tilespmem:s10+$0xFFFFFFA0] =	vst v1;
	v2 =	vmul.f32 $8.000000000e+00, v2  }
0x98: {  	v7 =	vmul.f32 $8.000000000e+00, v6;
	v1 =	vld [tilespmem:s11+$0xFFFFFFB0];
	[tilespmem:s10+$0xFFFFFFE0] =	vst v0  }
0x99: {  	v0 =	vld [tilespmem:s11+$0xFFFFFFF0];
	[tilespmem:s10+$0x20] =	vst v2;
	v5 =	vmul.f32 $8.000000000e+00, v5  }
0x9a: {  	v6 =	vmul.f32 $8.000000000e+00, v8;
	[tilespmem:s12+$0x50] =	vst v7;
	v2 =	vld [tilespmem:s11+$0x30];
	s11 =	smov.u32 s1;
	s1 =	sadd.s32 $0x100, s1  }
0x9b: {  	_ = 	snop  }
0x9c: {  	v4 =	vmul.f32 $8.000000000e+00, v4;
	_ =	sdelay $0x1  }
0x9d: {  	v3 =	vmul.f32 $8.000000000e+00, v3;
	v7 =	vld [tilespmem:s11+$0x60];
	[tilespmem:s12+$0xFFFFFF90] =	vst v4  }
0x9e: {  	[tilespmem:s12+$0xFFFFFFD0] =	vst v6;
	v4 =	vld [tilespmem:s11+$0xFFFFFFA0]  }
0x9f: {  	[tilespmem:s12+$0x10] =	vst v3;
	v3 =	vld [tilespmem:s11+$0xFFFFFFE0]  }
0xa0: {  	v6 =	vld [tilespmem:s11+$0x20];
	_ =	sdelay $0x1  }
0xa1: {  	v7 =	vmul.f32 $8.000000000e+00, v7  }
0xa2: {  	v4 =	vmul.f32 $8.000000000e+00, v4  }
0xa3: {  	[tilespmem:s12+$0x60] =	vst v7;
	v3 =	vmul.f32 $8.000000000e+00, v3  }
0xa4: {  	v7 =	vld [tilespmem:s11+$0x70];
	[tilespmem:s12+$0xFFFFFFA0] =	vst v4;
	v4 =	vmul.f32 $8.000000000e+00, v6  }
0xa5: {  	[tilespmem:s12+$0xFFFFFFE0] =	vst v3;
	v6 =	vld [tilespmem:s11+$0xFFFFFFB0]  }
0xa6: {  	v1 =	vmul.f32 $8.000000000e+00, v1;
	v3 =	vld [tilespmem:s11+$0xFFFFFFF0];
	[tilespmem:s12+$0x20] =	vst v4  }
0xa7: {  	[tilespmem:s10+$0x70] =	vst v5;
	v0 =	vmul.f32 $8.000000000e+00, v0;
	v4 =	vld [tilespmem:s11+$0x30]  }
0xa8: {  	[tilespmem:s10+$0xFFFFFFB0] =	vst v1;
	v1 =	vmul.f32 $8.000000000e+00, v2  }
0xa9: {  	[tilespmem:s10+$0xFFFFFFF0] =	vst v0;
	v0 =	vmul.f32 $8.000000000e+00, v7  }
0xaa: {  	s0 =	smul.u32 $0x6400, s8;
	[tilespmem:s10+$0x30] =	vst v1;
	v1 =	vmul.f32 $8.000000000e+00, v6  }
0xab: {  	[tilespmem:s12+$0x70] =	vst v0;
	v0 =	vmul.f32 $8.000000000e+00, v3  }
0xac: {  	s0 =	sshrl.u32 s0, $0x3;
	[tilespmem:s12+$0xFFFFFFB0] =	vst v1;
	v1 =	vmul.f32 $8.000000000e+00, v4  }
0xad: {  	s0 =	sadd.s32 s5, s0;
	[tilespmem:s12+$0xFFFFFFF0] =	vst v0  }
0xae: {  	s0 =	sadd.s32 $0x600, s0;
	[tilespmem:s12+$0x30] =	vst v1  }
0xaf: {  	[hbm4b:s0+s22] =	stream.strided.scatter [tilespmem:s26], [sflag:$0x6], $0x1A00, s23, s22, $0x38;
	[tilespmem:$0x13400] =	vst v63  }
0xb0: {  	s12 =	sadd.s32 $0x60, s9  }
0xb1: {  	[tilespmem:s16], [sflag:$0x2] =	stream.indirect.gather [hbm4b:s4+s15], $0x40, s12, s15, $0xb8;
	[tilespmem:$0x13400] =	vst v63  }
0xb2: {  	_ =	swait.ge [sflag:s28], $0x1800  }
0xb3: {  	[sflag:s28] =	ssyncset.done $0x0  }
0xb4: {  	s0 =	simm.s32 @!p0 $0x7;
	[sflag:s28] =	ssyncadd.s32 $0xFFFFE800  }
0xb5: {  	_ =	swait.ge @!p0 [sflag:s0], $0x1800  }
0xb6: {  	[sflag:s0] =	ssyncset.done @!p0 $0x0  }
0xb7: {  	s12 =	simm.s32 $0x9880;
	[sflag:s0] =	ssyncadd.s32 @!p0 $0xFFFFE800  }
0xb8: {  	v0 =	vld [tilespmem:s12+$0x40];
	_ =	sdelay $0x3  }
0xb9: {  	v1 =	vld [tilespmem:s12+$0xFFFFFF80]  }
0xba: {  	v2 =	vld [tilespmem:s12+$0xFFFFFFC0];
	v0 =	vmul.f32 $8.000000000e+00, v0  }
0xbb: {  	s9 =	simm.s32 $0x10080;
	v3 =	vld [tilespmem:s12+$0x0]  }
0xbc: {  	[tilespmem:s9+$0x40] =	vst v0  }
0xbd: {  	v0 =	vld [tilespmem:s12+$0x50]  }
0xbe: {  	v1 =	vmul.f32 $8.000000000e+00, v1  }
0xbf: {  	v2 =	vmul.f32 $8.000000000e+00, v2  }
0xc0: {  	v3 =	vmul.f32 $8.000000000e+00, v3;
	[tilespmem:s9+$0xFFFFFF80] =	vst v1  }
0xc1: {  	[tilespmem:s9+$0xFFFFFFC0] =	vst v2;
	v1 =	vld [tilespmem:s12+$0xFFFFFF90]  }
0xc2: {  	[tilespmem:s9+$0x0] =	vst v3;
	v2 =	vld [tilespmem:s12+$0xFFFFFFD0];
	v0 =	vmul.f32 $8.000000000e+00, v0  }
0xc3: {  	s10 =	simm.s32 $0x9980;
	v3 =	vld [tilespmem:s12+$0x10]  }
0xc4: {  	[tilespmem:s9+$0x50] =	vst v0;
	v0 =	vld [tilespmem:s10+$0x40]  }
0xc5: {  	v4 =	vld [tilespmem:s12+$0x60]  }
0xc6: {  	v5 =	vld [tilespmem:s10+$0xFFFFFFC0];
	v1 =	vmul.f32 $8.000000000e+00, v1  }
0xc7: {  	v6 =	vld [tilespmem:s10+$0x0];
	v2 =	vmul.f32 $8.000000000e+00, v2  }
0xc8: {  	v3 =	vmul.f32 $8.000000000e+00, v3;
	[tilespmem:s9+$0xFFFFFF90] =	vst v1;
	v1 =	vld [tilespmem:s10+$0xFFFFFF80]  }
0xc9: {  	[tilespmem:s9+$0xFFFFFFD0] =	vst v2;
	v2 =	vld [tilespmem:s12+$0xFFFFFFA0];
	v0 =	vmul.f32 $8.000000000e+00, v0  }
0xca: {  	s11 =	simm.s32 $0x10180;
	[tilespmem:s9+$0x10] =	vst v3;
	v7 =	vld [tilespmem:s12+$0xFFFFFFE0];
	v3 =	vmul.f32 $8.000000000e+00, v4  }
0xcb: {  	v4 =	vmul.f32 $8.000000000e+00, v5;
	[tilespmem:s11+$0x40] =	vst v0;
	v0 =	vld [tilespmem:s12+$0x20]  }
0xcc: {  	v5 =	vmul.f32 $8.000000000e+00, v6;
	v6 =	vld [tilespmem:s10+$0x50];
	[tilespmem:s9+$0x60] =	vst v3  }
0xcd: {  	v1 =	vmul.f32 $8.000000000e+00, v1;
	[tilespmem:s11+$0xFFFFFFC0] =	vst v4;
	v8 =	vld [tilespmem:s12+$0x70]  }
0xce: {  	v2 =	vmul.f32 $8.000000000e+00, v2;
	[tilespmem:s11+$0x0] =	vst v5;
	v9 =	vld [tilespmem:s10+$0xFFFFFFD0]  }
0xcf: {  	[tilespmem:s11+$0xFFFFFF80] =	vst v1;
	v5 =	vmul.f32 $8.000000000e+00, v7;
	v3 =	vld [tilespmem:s10+$0x10]  }
0xd0: {  	v4 =	vld [tilespmem:s10+$0xFFFFFF90];
	[tilespmem:s9+$0xFFFFFFA0] =	vst v2;
	v2 =	vmul.f32 $8.000000000e+00, v0  }
0xd1: {  	v1 =	vld [tilespmem:s12+$0xFFFFFFB0];
	[tilespmem:s9+$0xFFFFFFE0] =	vst v5;
	v7 =	vmul.f32 $8.000000000e+00, v6  }
0xd2: {  	v0 =	vld [tilespmem:s12+$0xFFFFFFF0];
	[tilespmem:s9+$0x20] =	vst v2;
	v5 =	vmul.f32 $8.000000000e+00, v8  }
0xd3: {  	s1 =	simm.s32 $0x9A80;
	s0 =	simm.s32 $0x4;
	v6 =	vmul.f32 $8.000000000e+00, v9;
	[tilespmem:s11+$0x50] =	vst v7;
	v2 =	vld [tilespmem:s12+$0x30]  }
.LBB2_7:
0xd4: {  	v7 =	vld [tilespmem:s1+$0x40];
	v3 =	vmul.f32 $8.000000000e+00, v3;
	[tilespmem:s9+$0x70] =	vst v5  }
0xd5: {  	s0 =	sadd.s32 $0x4, s0;
	v4 =	vmul.f32 $8.000000000e+00, v4;
	[tilespmem:s11+$0xFFFFFFD0] =	vst v6;
	v5 =	vld [tilespmem:s10+$0x60]  }
0xd6: {  	p1 =	slt.u32 s0, $0x5C;
	v6 =	vld [tilespmem:s1+$0xFFFFFFC0];
	[tilespmem:s11+$0x10] =	vst v3;
	v1 =	vmul.f32 $8.000000000e+00, v1  }
0xd7: {  	v3 =	vld [tilespmem:s1+$0x0];
	[tilespmem:s11+$0xFFFFFF90] =	vst v4;
	v0 =	vmul.f32 $8.000000000e+00, v0  }
0xd8: {  	v4 =	vld [tilespmem:s1+$0xFFFFFF80];
	[tilespmem:s9+$0xFFFFFFB0] =	vst v1;
	v1 =	vmul.f32 $8.000000000e+00, v2  }
0xd9: {  	v2 =	vmul.f32 $8.000000000e+00, v7;
	v7 =	vld [tilespmem:s10+$0xFFFFFFA0];
	[tilespmem:s9+$0xFFFFFFF0] =	vst v0  }
0xda: {  	v0 =	vld [tilespmem:s10+$0xFFFFFFE0];
	v5 =	vmul.f32 $8.000000000e+00, v5;
	[tilespmem:s9+$0x30] =	vst v1;
	s9 =	smov.u32 s11;
	s11 =	sadd.s32 $0x100, s11  }
0xdb: {  	v1 =	vmul.f32 $8.000000000e+00, v6;
	[tilespmem:s11+$0x40] =	vst v2;
	v2 =	vld [tilespmem:s10+$0x20]  }
0xdc: {  	v3 =	vmul.f32 $8.000000000e+00, v3;
	v6 =	vld [tilespmem:s1+$0x50];
	[tilespmem:s9+$0x60] =	vst v5  }
0xdd: {  	v4 =	vmul.f32 $8.000000000e+00, v4;
	[tilespmem:s11+$0xFFFFFFC0] =	vst v1;
	v5 =	vld [tilespmem:s10+$0x70]  }
0xde: {  	v8 =	vld [tilespmem:s1+$0xFFFFFFD0];
	[tilespmem:s11+$0x0] =	vst v3;
	v1 =	vmul.f32 $8.000000000e+00, v7  }
.Ltmp2:
0xdf: {  	[tilespmem:s11+$0xFFFFFF80] =	vst v4;
	v3 =	vld [tilespmem:s1+$0x10];
	v0 =	vmul.f32 $8.000000000e+00, v0;
	(pc) =	sbr.rel @p1 .LBB2_7-.Ltmp2, $4  }
0xe0: {  	v4 =	vld [tilespmem:s1+$0xFFFFFF90];
	[tilespmem:s9+$0xFFFFFFA0] =	vst v1;
	v2 =	vmul.f32 $8.000000000e+00, v2  }
0xe1: {  	v7 =	vmul.f32 $8.000000000e+00, v6;
	v1 =	vld [tilespmem:s10+$0xFFFFFFB0];
	[tilespmem:s9+$0xFFFFFFE0] =	vst v0  }
0xe2: {  	v0 =	vld [tilespmem:s10+$0xFFFFFFF0];
	[tilespmem:s9+$0x20] =	vst v2;
	v5 =	vmul.f32 $8.000000000e+00, v5  }
0xe3: {  	v6 =	vmul.f32 $8.000000000e+00, v8;
	[tilespmem:s11+$0x50] =	vst v7;
	v2 =	vld [tilespmem:s10+$0x30];
	s10 =	smov.u32 s1;
	s1 =	sadd.s32 $0x100, s1  }
0xe4: {  	_ = 	snop  }
0xe5: {  	v4 =	vmul.f32 $8.000000000e+00, v4;
	_ =	sdelay $0x1  }
0xe6: {  	v3 =	vmul.f32 $8.000000000e+00, v3;
	v7 =	vld [tilespmem:s10+$0x60];
	[tilespmem:s11+$0xFFFFFF90] =	vst v4  }
0xe7: {  	[tilespmem:s11+$0xFFFFFFD0] =	vst v6;
	v4 =	vld [tilespmem:s10+$0xFFFFFFA0]  }
0xe8: {  	[tilespmem:s11+$0x10] =	vst v3;
	v3 =	vld [tilespmem:s10+$0xFFFFFFE0]  }
0xe9: {  	v6 =	vld [tilespmem:s10+$0x20];
	_ =	sdelay $0x1  }
0xea: {  	v7 =	vmul.f32 $8.000000000e+00, v7  }
0xeb: {  	v4 =	vmul.f32 $8.000000000e+00, v4  }
0xec: {  	[tilespmem:s11+$0x60] =	vst v7;
	v3 =	vmul.f32 $8.000000000e+00, v3  }
0xed: {  	v7 =	vld [tilespmem:s10+$0x70];
	[tilespmem:s11+$0xFFFFFFA0] =	vst v4;
	v4 =	vmul.f32 $8.000000000e+00, v6  }
0xee: {  	[tilespmem:s11+$0xFFFFFFE0] =	vst v3;
	v6 =	vld [tilespmem:s10+$0xFFFFFFB0]  }
0xef: {  	v1 =	vmul.f32 $8.000000000e+00, v1;
	v3 =	vld [tilespmem:s10+$0xFFFFFFF0];
	[tilespmem:s11+$0x20] =	vst v4  }
0xf0: {  	[tilespmem:s9+$0x70] =	vst v5;
	v0 =	vmul.f32 $8.000000000e+00, v0;
	v4 =	vld [tilespmem:s10+$0x30]  }
0xf1: {  	[tilespmem:s9+$0xFFFFFFB0] =	vst v1;
	v1 =	vmul.f32 $8.000000000e+00, v2  }
0xf2: {  	[tilespmem:s9+$0xFFFFFFF0] =	vst v0;
	v0 =	vmul.f32 $8.000000000e+00, v7  }
0xf3: {  	[tilespmem:s9+$0x30] =	vst v1;
	v1 =	vmul.f32 $8.000000000e+00, v6  }
0xf4: {  	s8 =	sor.u32 $0x1, s8;
	[tilespmem:s11+$0x70] =	vst v0;
	v0 =	vmul.f32 $8.000000000e+00, v3  }
0xf5: {  	s1 =	sadd.s32 $0x6, s7;
	s0 =	smul.u32 $0xC80, s8;
	[tilespmem:s11+$0xFFFFFFB0] =	vst v1;
	v1 =	vmul.f32 $8.000000000e+00, v4  }
0xf6: {  	s1 =	sshrl.u32 s1, $0x1;
	[tilespmem:s11+$0xFFFFFFF0] =	vst v0  }
0xf7: {  	s1 =	smul.u32 $0x320, s1;
	s0 =	sadd.s32 s5, s0;
	[tilespmem:s11+$0x30] =	vst v1  }
0xf8: {  	[hbm4b:s0+s22] =	stream.strided.scatter [tilespmem:s29], [sflag:$0x7], $0x1800, s23, s22, $0x38;
	[tilespmem:$0x13400] =	vst v63  }
0xf9: {  	s7 =	sshra.s32 s1, $0x2  }
0xfa: {  	[tilespmem:s18], [sflag:$0x3] =	stream.indirect.gather [hbm4b:s4+s13], $0x40, s7, s13, $0xb8;
	[tilespmem:$0x13400] =	vst v63  }
0xfb: {  	_ =	swait.ge [sflag:s30], $0x1A00  }
0xfc: {  	[sflag:s30] =	ssyncset.done $0x0  }
0xfd: {  	s0 =	simm.s32 @!p0 $0x8;
	[sflag:s30] =	ssyncadd.s32 $0xFFFFE600  }
0xfe: {  	_ =	swait.ge @!p0 [sflag:s0], $0x1A00  }
0xff: {  	[sflag:s0] =	ssyncset.done @!p0 $0x0  }
0x100: {  	s12 =	simm.s32 $0xB280;
	[sflag:s0] =	ssyncadd.s32 @!p0 $0xFFFFE600  }
0x101: {  	v0 =	vld [tilespmem:s12+$0x40];
	_ =	sdelay $0x3  }
0x102: {  	v1 =	vld [tilespmem:s12+$0xFFFFFF80]  }
0x103: {  	v2 =	vld [tilespmem:s12+$0xFFFFFFC0];
	v0 =	vmul.f32 $8.000000000e+00, v0  }
0x104: {  	s9 =	simm.s32 $0x11A80;
	v3 =	vld [tilespmem:s12+$0x0]  }
0x105: {  	[tilespmem:s9+$0x40] =	vst v0  }
0x106: {  	v0 =	vld [tilespmem:s12+$0x50]  }
0x107: {  	v1 =	vmul.f32 $8.000000000e+00, v1  }
0x108: {  	v2 =	vmul.f32 $8.000000000e+00, v2  }
0x109: {  	v3 =	vmul.f32 $8.000000000e+00, v3;
	[tilespmem:s9+$0xFFFFFF80] =	vst v1  }
0x10a: {  	[tilespmem:s9+$0xFFFFFFC0] =	vst v2;
	v1 =	vld [tilespmem:s12+$0xFFFFFF90]  }
0x10b: {  	[tilespmem:s9+$0x0] =	vst v3;
	v2 =	vld [tilespmem:s12+$0xFFFFFFD0];
	v0 =	vmul.f32 $8.000000000e+00, v0  }
0x10c: {  	s10 =	simm.s32 $0xB380;
	v3 =	vld [tilespmem:s12+$0x10]  }
0x10d: {  	[tilespmem:s9+$0x50] =	vst v0;
	v0 =	vld [tilespmem:s10+$0x40]  }
0x10e: {  	v4 =	vld [tilespmem:s12+$0x60]  }
0x10f: {  	v5 =	vld [tilespmem:s10+$0xFFFFFFC0];
	v1 =	vmul.f32 $8.000000000e+00, v1  }
0x110: {  	v6 =	vld [tilespmem:s10+$0x0];
	v2 =	vmul.f32 $8.000000000e+00, v2  }
0x111: {  	v3 =	vmul.f32 $8.000000000e+00, v3;
	[tilespmem:s9+$0xFFFFFF90] =	vst v1;
	v1 =	vld [tilespmem:s10+$0xFFFFFF80]  }
0x112: {  	[tilespmem:s9+$0xFFFFFFD0] =	vst v2;
	v2 =	vld [tilespmem:s12+$0xFFFFFFA0];
	v0 =	vmul.f32 $8.000000000e+00, v0  }
0x113: {  	s11 =	simm.s32 $0x11B80;
	[tilespmem:s9+$0x10] =	vst v3;
	v7 =	vld [tilespmem:s12+$0xFFFFFFE0];
	v3 =	vmul.f32 $8.000000000e+00, v4  }
0x114: {  	v4 =	vmul.f32 $8.000000000e+00, v5;
	[tilespmem:s11+$0x40] =	vst v0;
	v0 =	vld [tilespmem:s12+$0x20]  }
0x115: {  	v5 =	vmul.f32 $8.000000000e+00, v6;
	v6 =	vld [tilespmem:s10+$0x50];
	[tilespmem:s9+$0x60] =	vst v3  }
0x116: {  	v1 =	vmul.f32 $8.000000000e+00, v1;
	[tilespmem:s11+$0xFFFFFFC0] =	vst v4;
	v8 =	vld [tilespmem:s12+$0x70]  }
0x117: {  	v2 =	vmul.f32 $8.000000000e+00, v2;
	[tilespmem:s11+$0x0] =	vst v5;
	v9 =	vld [tilespmem:s10+$0xFFFFFFD0]  }
0x118: {  	[tilespmem:s11+$0xFFFFFF80] =	vst v1;
	v5 =	vmul.f32 $8.000000000e+00, v7;
	v3 =	vld [tilespmem:s10+$0x10]  }
0x119: {  	v4 =	vld [tilespmem:s10+$0xFFFFFF90];
	[tilespmem:s9+$0xFFFFFFA0] =	vst v2;
	v2 =	vmul.f32 $8.000000000e+00, v0  }
0x11a: {  	v1 =	vld [tilespmem:s12+$0xFFFFFFB0];
	[tilespmem:s9+$0xFFFFFFE0] =	vst v5;
	v7 =	vmul.f32 $8.000000000e+00, v6  }
0x11b: {  	v0 =	vld [tilespmem:s12+$0xFFFFFFF0];
	[tilespmem:s9+$0x20] =	vst v2;
	v5 =	vmul.f32 $8.000000000e+00, v8  }
0x11c: {  	s1 =	simm.s32 $0xB480;
	s0 =	simm.s32 $0x4;
	v6 =	vmul.f32 $8.000000000e+00, v9;
	[tilespmem:s11+$0x50] =	vst v7;
	v2 =	vld [tilespmem:s12+$0x30]  }
.LBB2_9:
0x11d: {  	v7 =	vld [tilespmem:s1+$0x40];
	v3 =	vmul.f32 $8.000000000e+00, v3;
	[tilespmem:s9+$0x70] =	vst v5  }
0x11e: {  	s0 =	sadd.s32 $0x4, s0;
	v4 =	vmul.f32 $8.000000000e+00, v4;
	[tilespmem:s11+$0xFFFFFFD0] =	vst v6;
	v5 =	vld [tilespmem:s10+$0x60]  }
0x11f: {  	p0 =	slt.u32 s0, $0x64;
	v6 =	vld [tilespmem:s1+$0xFFFFFFC0];
	[tilespmem:s11+$0x10] =	vst v3;
	v1 =	vmul.f32 $8.000000000e+00, v1  }
0x120: {  	v3 =	vld [tilespmem:s1+$0x0];
	[tilespmem:s11+$0xFFFFFF90] =	vst v4;
	v0 =	vmul.f32 $8.000000000e+00, v0  }
0x121: {  	v4 =	vld [tilespmem:s1+$0xFFFFFF80];
	[tilespmem:s9+$0xFFFFFFB0] =	vst v1;
	v1 =	vmul.f32 $8.000000000e+00, v2  }
0x122: {  	v2 =	vmul.f32 $8.000000000e+00, v7;
	v7 =	vld [tilespmem:s10+$0xFFFFFFA0];
	[tilespmem:s9+$0xFFFFFFF0] =	vst v0  }
0x123: {  	v0 =	vld [tilespmem:s10+$0xFFFFFFE0];
	v5 =	vmul.f32 $8.000000000e+00, v5;
	[tilespmem:s9+$0x30] =	vst v1;
	s9 =	smov.u32 s11;
	s11 =	sadd.s32 $0x100, s11  }
0x124: {  	v1 =	vmul.f32 $8.000000000e+00, v6;
	[tilespmem:s11+$0x40] =	vst v2;
	v2 =	vld [tilespmem:s10+$0x20]  }
0x125: {  	v3 =	vmul.f32 $8.000000000e+00, v3;
	v6 =	vld [tilespmem:s1+$0x50];
	[tilespmem:s9+$0x60] =	vst v5  }
0x126: {  	v4 =	vmul.f32 $8.000000000e+00, v4;
	[tilespmem:s11+$0xFFFFFFC0] =	vst v1;
	v5 =	vld [tilespmem:s10+$0x70]  }
0x127: {  	v8 =	vld [tilespmem:s1+$0xFFFFFFD0];
	[tilespmem:s11+$0x0] =	vst v3;
	v1 =	vmul.f32 $8.000000000e+00, v7  }
.Ltmp3:
0x128: {  	[tilespmem:s11+$0xFFFFFF80] =	vst v4;
	v3 =	vld [tilespmem:s1+$0x10];
	v0 =	vmul.f32 $8.000000000e+00, v0;
	(pc) =	sbr.rel @p0 .LBB2_9-.Ltmp3, $4  }
0x129: {  	v4 =	vld [tilespmem:s1+$0xFFFFFF90];
	[tilespmem:s9+$0xFFFFFFA0] =	vst v1;
	v2 =	vmul.f32 $8.000000000e+00, v2  }
0x12a: {  	v7 =	vmul.f32 $8.000000000e+00, v6;
	v1 =	vld [tilespmem:s10+$0xFFFFFFB0];
	[tilespmem:s9+$0xFFFFFFE0] =	vst v0  }
0x12b: {  	v0 =	vld [tilespmem:s10+$0xFFFFFFF0];
	[tilespmem:s9+$0x20] =	vst v2;
	v5 =	vmul.f32 $8.000000000e+00, v5  }
0x12c: {  	v6 =	vmul.f32 $8.000000000e+00, v8;
	[tilespmem:s11+$0x50] =	vst v7;
	v2 =	vld [tilespmem:s10+$0x30];
	s10 =	smov.u32 s1;
	s1 =	sadd.s32 $0x100, s1  }
0x12d: {  	v3 =	vmul.f32 $8.000000000e+00, v3  }
0x12e: {  	v7 =	vld [tilespmem:s10+$0x60];
	v4 =	vmul.f32 $8.000000000e+00, v4;
	[tilespmem:s11+$0xFFFFFFD0] =	vst v6  }
0x12f: {  	[tilespmem:s11+$0x10] =	vst v3;
	v53 =	vld [tilespmem:s10+$0xFFFFFFE0]  }
0x130: {  	[tilespmem:s11+$0xFFFFFF90] =	vst v4;
	v54 =	vld [tilespmem:s10+$0x20]  }
0x131: {  	v4 =	vld [tilespmem:s10+$0xFFFFFFA0];
	_ =	sdelay $0x1  }
0x132: {  	v7 =	vmul.f32 $8.000000000e+00, v7  }
0x133: {  	v3 =	vmul.f32 $8.000000000e+00, v53  }
0x134: {  	[tilespmem:s11+$0x60] =	vst v7;
	v6 =	vmul.f32 $8.000000000e+00, v54  }
0x135: {  	v55 =	vld [tilespmem:s10+$0x70];
	v4 =	vmul.f32 $8.000000000e+00, v4;
	[tilespmem:s11+$0xFFFFFFE0] =	vst v3  }
0x136: {  	[tilespmem:s11+$0x20] =	vst v6;
	v57 =	vld [tilespmem:s10+$0xFFFFFFF0]  }
0x137: {  	v1 =	vmul.f32 $8.000000000e+00, v1;
	[tilespmem:s11+$0xFFFFFFA0] =	vst v4;
	v58 =	vld [tilespmem:s10+$0x30]  }
0x138: {  	[tilespmem:s9+$0x70] =	vst v5;
	v0 =	vmul.f32 $8.000000000e+00, v0;
	v56 =	vld [tilespmem:s10+$0xFFFFFFB0]  }
0x139: {  	[tilespmem:s9+$0xFFFFFFB0] =	vst v1;
	v59 =	vmul.f32 $8.000000000e+00, v2  }
0x13a: {  	[tilespmem:s9+$0xFFFFFFF0] =	vst v0;
	v60 =	vmul.f32 $8.000000000e+00, v55  }
0x13b: {  	s0 =	smul.u32 $0x6400, s8;
	[tilespmem:s9+$0x30] =	vst v59;
	v62 =	vmul.f32 $8.000000000e+00, v57  }
0x13c: {  	s6 =	sadd.s32 $0x1, s6;
	[tilespmem:s11+$0x70] =	vst v60;
	v63 =	vmul.f32 $8.000000000e+00, v58  }
0x13d: {  	p0 =	sne.s32 s6, $0x3F;
	s0 =	sshrl.u32 s0, $0x3;
	v61 =	vmul.f32 $8.000000000e+00, v56;
	[tilespmem:s11+$0xFFFFFFF0] =	vst v62  }
.Ltmp4:
0x13e: {  	s0 =	sadd.s32 s5, s0;
	[tilespmem:s11+$0x30] =	vst v63;
	(pc) =	sbr.rel @p0 .LBB2_2-.Ltmp4, $4  }
0x13f: {  	s0 =	sadd.s32 $0x600, s0;
	[tilespmem:s11+$0xFFFFFFB0] =	vst v61  }
0x140: {  	[hbm4b:s0+s22] =	stream.strided.scatter [tilespmem:s31], [sflag:$0x8], $0x1A00, s23, s22, $0x38;
	[tilespmem:$0x13400] =	vst v63  }
0x141: {  	s12 =	sadd.s32 $0x60, s7  }
0x142: {  	[tilespmem:s20], [sflag:$0x4] =	stream.indirect.gather [hbm4b:s4+s15], $0x40, s12, s15, $0xb8;
	[tilespmem:$0x13400] =	vst v63  }
0x143: {  	_ =	swait.ge [sflag:s21], $0x1800  }
0x144: {  	[sflag:s21] =	ssyncset.done $0x0  }
0x145: {  	s10 =	simm.s32 $0x5;
	[sflag:s21] =	ssyncadd.s32 $0xFFFFE800  }
0x146: {  	_ =	swait.ge [sflag:s10], $0x1800  }
0x147: {  	[sflag:s10] =	ssyncset.done $0x0  }
0x148: {  	s9 =	simm.s32 $0x6480;
	[sflag:s10] =	ssyncadd.s32 $0xFFFFE800  }
0x149: {  	v0 =	vld [tilespmem:s9+$0x40];
	_ =	sdelay $0x3  }
0x14a: {  	v1 =	vld [tilespmem:s9+$0xFFFFFF80]  }
0x14b: {  	v2 =	vld [tilespmem:s9+$0xFFFFFFC0];
	v0 =	vmul.f32 $8.000000000e+00, v0  }
0x14c: {  	s6 =	simm.s32 $0xCC80;
	v3 =	vld [tilespmem:s9+$0x0]  }
0x14d: {  	[tilespmem:s6+$0x40] =	vst v0  }
0x14e: {  	v0 =	vld [tilespmem:s9+$0x50]  }
0x14f: {  	v1 =	vmul.f32 $8.000000000e+00, v1  }
0x150: {  	v2 =	vmul.f32 $8.000000000e+00, v2  }
0x151: {  	v3 =	vmul.f32 $8.000000000e+00, v3;
	[tilespmem:s6+$0xFFFFFF80] =	vst v1  }
0x152: {  	[tilespmem:s6+$0xFFFFFFC0] =	vst v2;
	v1 =	vld [tilespmem:s9+$0xFFFFFF90]  }
0x153: {  	[tilespmem:s6+$0x0] =	vst v3;
	v2 =	vld [tilespmem:s9+$0xFFFFFFD0];
	v0 =	vmul.f32 $8.000000000e+00, v0  }
0x154: {  	s7 =	simm.s32 $0x6580;
	v3 =	vld [tilespmem:s9+$0x10]  }
0x155: {  	[tilespmem:s6+$0x50] =	vst v0;
	v0 =	vld [tilespmem:s7+$0x40]  }
0x156: {  	v4 =	vld [tilespmem:s9+$0x60]  }
0x157: {  	v5 =	vld [tilespmem:s7+$0xFFFFFFC0];
	v1 =	vmul.f32 $8.000000000e+00, v1  }
0x158: {  	v6 =	vld [tilespmem:s7+$0x0];
	v2 =	vmul.f32 $8.000000000e+00, v2  }
0x159: {  	v3 =	vmul.f32 $8.000000000e+00, v3;
	[tilespmem:s6+$0xFFFFFF90] =	vst v1;
	v1 =	vld [tilespmem:s7+$0xFFFFFF80]  }
0x15a: {  	[tilespmem:s6+$0xFFFFFFD0] =	vst v2;
	v2 =	vld [tilespmem:s9+$0xFFFFFFA0];
	v0 =	vmul.f32 $8.000000000e+00, v0  }
0x15b: {  	s8 =	simm.s32 $0xCD80;
	[tilespmem:s6+$0x10] =	vst v3;
	v7 =	vld [tilespmem:s9+$0xFFFFFFE0];
	v3 =	vmul.f32 $8.000000000e+00, v4  }
0x15c: {  	v4 =	vmul.f32 $8.000000000e+00, v5;
	[tilespmem:s8+$0x40] =	vst v0;
	v0 =	vld [tilespmem:s9+$0x20]  }
0x15d: {  	v5 =	vmul.f32 $8.000000000e+00, v6;
	v6 =	vld [tilespmem:s7+$0x50];
	[tilespmem:s6+$0x60] =	vst v3  }
0x15e: {  	v1 =	vmul.f32 $8.000000000e+00, v1;
	[tilespmem:s8+$0xFFFFFFC0] =	vst v4;
	v8 =	vld [tilespmem:s9+$0x70]  }
0x15f: {  	v2 =	vmul.f32 $8.000000000e+00, v2;
	[tilespmem:s8+$0x0] =	vst v5;
	v9 =	vld [tilespmem:s7+$0xFFFFFFD0]  }
0x160: {  	[tilespmem:s8+$0xFFFFFF80] =	vst v1;
	v5 =	vmul.f32 $8.000000000e+00, v7;
	v3 =	vld [tilespmem:s7+$0x10]  }
0x161: {  	v4 =	vld [tilespmem:s7+$0xFFFFFF90];
	[tilespmem:s6+$0xFFFFFFA0] =	vst v2;
	v2 =	vmul.f32 $8.000000000e+00, v0  }
0x162: {  	v1 =	vld [tilespmem:s9+$0xFFFFFFB0];
	[tilespmem:s6+$0xFFFFFFE0] =	vst v5;
	v7 =	vmul.f32 $8.000000000e+00, v6  }
0x163: {  	v0 =	vld [tilespmem:s9+$0xFFFFFFF0];
	[tilespmem:s6+$0x20] =	vst v2;
	v5 =	vmul.f32 $8.000000000e+00, v8  }
0x164: {  	s0 =	simm.s32 $0x4;
	s1 =	simm.s32 $0x6680;
	v6 =	vmul.f32 $8.000000000e+00, v9;
	[tilespmem:s8+$0x50] =	vst v7;
	v2 =	vld [tilespmem:s9+$0x30]  }
.LBB2_12:
0x165: {  	v7 =	vld [tilespmem:s1+$0x40];
	v3 =	vmul.f32 $8.000000000e+00, v3;
	[tilespmem:s6+$0x70] =	vst v5  }
0x166: {  	s0 =	sadd.s32 $0x4, s0;
	v4 =	vmul.f32 $8.000000000e+00, v4;
	[tilespmem:s8+$0xFFFFFFD0] =	vst v6;
	v5 =	vld [tilespmem:s7+$0x60]  }
0x167: {  	p0 =	slt.u32 s0, $0x5C;
	v6 =	vld [tilespmem:s1+$0xFFFFFFC0];
	[tilespmem:s8+$0x10] =	vst v3;
	v1 =	vmul.f32 $8.000000000e+00, v1  }
0x168: {  	v3 =	vld [tilespmem:s1+$0x0];
	[tilespmem:s8+$0xFFFFFF90] =	vst v4;
	v0 =	vmul.f32 $8.000000000e+00, v0  }
0x169: {  	v4 =	vld [tilespmem:s1+$0xFFFFFF80];
	[tilespmem:s6+$0xFFFFFFB0] =	vst v1;
	v1 =	vmul.f32 $8.000000000e+00, v2  }
0x16a: {  	v2 =	vmul.f32 $8.000000000e+00, v7;
	v7 =	vld [tilespmem:s7+$0xFFFFFFA0];
	[tilespmem:s6+$0xFFFFFFF0] =	vst v0  }
0x16b: {  	v0 =	vld [tilespmem:s7+$0xFFFFFFE0];
	v5 =	vmul.f32 $8.000000000e+00, v5;
	[tilespmem:s6+$0x30] =	vst v1;
	s6 =	smov.u32 s8;
	s8 =	sadd.s32 $0x100, s8  }
0x16c: {  	v1 =	vmul.f32 $8.000000000e+00, v6;
	[tilespmem:s8+$0x40] =	vst v2;
	v2 =	vld [tilespmem:s7+$0x20]  }
0x16d: {  	v3 =	vmul.f32 $8.000000000e+00, v3;
	v6 =	vld [tilespmem:s1+$0x50];
	[tilespmem:s6+$0x60] =	vst v5  }
0x16e: {  	v4 =	vmul.f32 $8.000000000e+00, v4;
	[tilespmem:s8+$0xFFFFFFC0] =	vst v1;
	v5 =	vld [tilespmem:s7+$0x70]  }
0x16f: {  	v8 =	vld [tilespmem:s1+$0xFFFFFFD0];
	[tilespmem:s8+$0x0] =	vst v3;
	v1 =	vmul.f32 $8.000000000e+00, v7  }
.Ltmp5:
0x170: {  	[tilespmem:s8+$0xFFFFFF80] =	vst v4;
	v3 =	vld [tilespmem:s1+$0x10];
	v0 =	vmul.f32 $8.000000000e+00, v0;
	(pc) =	sbr.rel @p0 .LBB2_12-.Ltmp5, $4  }
0x171: {  	v4 =	vld [tilespmem:s1+$0xFFFFFF90];
	[tilespmem:s6+$0xFFFFFFA0] =	vst v1;
	v2 =	vmul.f32 $8.000000000e+00, v2  }
0x172: {  	v7 =	vmul.f32 $8.000000000e+00, v6;
	v1 =	vld [tilespmem:s7+$0xFFFFFFB0];
	[tilespmem:s6+$0xFFFFFFE0] =	vst v0  }
0x173: {  	v0 =	vld [tilespmem:s7+$0xFFFFFFF0];
	[tilespmem:s6+$0x20] =	vst v2;
	v5 =	vmul.f32 $8.000000000e+00, v5  }
0x174: {  	v6 =	vmul.f32 $8.000000000e+00, v8;
	[tilespmem:s8+$0x50] =	vst v7;
	v2 =	vld [tilespmem:s7+$0x30];
	s7 =	smov.u32 s1;
	s1 =	sadd.s32 $0x100, s1  }
0x175: {  	_ = 	snop  }
0x176: {  	v4 =	vmul.f32 $8.000000000e+00, v4;
	_ =	sdelay $0x1  }
0x177: {  	v3 =	vmul.f32 $8.000000000e+00, v3;
	v7 =	vld [tilespmem:s7+$0x60];
	[tilespmem:s8+$0xFFFFFF90] =	vst v4  }
0x178: {  	[tilespmem:s8+$0xFFFFFFD0] =	vst v6;
	v4 =	vld [tilespmem:s7+$0xFFFFFFA0]  }
0x179: {  	[tilespmem:s8+$0x10] =	vst v3;
	v3 =	vld [tilespmem:s7+$0xFFFFFFE0]  }
0x17a: {  	v6 =	vld [tilespmem:s7+$0x20];
	_ =	sdelay $0x1  }
0x17b: {  	v7 =	vmul.f32 $8.000000000e+00, v7  }
0x17c: {  	v4 =	vmul.f32 $8.000000000e+00, v4  }
0x17d: {  	[tilespmem:s8+$0x60] =	vst v7;
	v3 =	vmul.f32 $8.000000000e+00, v3  }
0x17e: {  	v7 =	vld [tilespmem:s7+$0x70];
	[tilespmem:s8+$0xFFFFFFA0] =	vst v4;
	v4 =	vmul.f32 $8.000000000e+00, v6  }
0x17f: {  	[tilespmem:s8+$0xFFFFFFE0] =	vst v3;
	v6 =	vld [tilespmem:s7+$0xFFFFFFB0]  }
0x180: {  	v1 =	vmul.f32 $8.000000000e+00, v1;
	v3 =	vld [tilespmem:s7+$0xFFFFFFF0];
	[tilespmem:s8+$0x20] =	vst v4  }
0x181: {  	[tilespmem:s6+$0x70] =	vst v5;
	v0 =	vmul.f32 $8.000000000e+00, v0;
	v4 =	vld [tilespmem:s7+$0x30]  }
0x182: {  	[tilespmem:s6+$0xFFFFFFB0] =	vst v1;
	v1 =	vmul.f32 $8.000000000e+00, v2  }
0x183: {  	[tilespmem:s6+$0xFFFFFFF0] =	vst v0;
	v0 =	vmul.f32 $8.000000000e+00, v7  }
0x184: {  	[tilespmem:s6+$0x30] =	vst v1;
	v1 =	vmul.f32 $8.000000000e+00, v6  }
0x185: {  	[tilespmem:s8+$0x70] =	vst v0;
	v0 =	vmul.f32 $8.000000000e+00, v3  }
0x186: {  	[tilespmem:s8+$0xFFFFFFB0] =	vst v1;
	v1 =	vmul.f32 $8.000000000e+00, v4  }
0x187: {  	[tilespmem:s8+$0xFFFFFFF0] =	vst v0  }
0x188: {  	[tilespmem:s8+$0x30] =	vst v1  }
0x189: {  	s0 =	rddreg [dreg:$0x4]  }
0x18a: {  	[hbm4b:s0+s22] =	stream.strided.scatter [tilespmem:s24], [sflag:$0x5], $0x1800, s23, s22, $0x38;
	[tilespmem:$0x13400] =	vst v63  }
0x18b: {  	_ =	swait.ge [sflag:s25], $0x1A00  }
0x18c: {  	[sflag:s25] =	ssyncset.done $0x0  }
0x18d: {  	s11 =	simm.s32 $0x6;
	[sflag:s25] =	ssyncadd.s32 $0xFFFFE600  }
0x18e: {  	_ =	swait.ge [sflag:s11], $0x1A00  }
0x18f: {  	[sflag:s11] =	ssyncset.done $0x0  }
0x190: {  	s9 =	simm.s32 $0x7E80;
	[sflag:s11] =	ssyncadd.s32 $0xFFFFE600  }
0x191: {  	v0 =	vld [tilespmem:s9+$0x40];
	_ =	sdelay $0x3  }
0x192: {  	v1 =	vld [tilespmem:s9+$0xFFFFFF80]  }
0x193: {  	v2 =	vld [tilespmem:s9+$0xFFFFFFC0];
	v0 =	vmul.f32 $8.000000000e+00, v0  }
0x194: {  	s6 =	simm.s32 $0xE680;
	v3 =	vld [tilespmem:s9+$0x0]  }
0x195: {  	[tilespmem:s6+$0x40] =	vst v0  }
0x196: {  	v0 =	vld [tilespmem:s9+$0x50]  }
0x197: {  	v1 =	vmul.f32 $8.000000000e+00, v1  }
0x198: {  	v2 =	vmul.f32 $8.000000000e+00, v2  }
0x199: {  	v3 =	vmul.f32 $8.000000000e+00, v3;
	[tilespmem:s6+$0xFFFFFF80] =	vst v1  }
0x19a: {  	[tilespmem:s6+$0xFFFFFFC0] =	vst v2;
	v1 =	vld [tilespmem:s9+$0xFFFFFF90]  }
0x19b: {  	[tilespmem:s6+$0x0] =	vst v3;
	v2 =	vld [tilespmem:s9+$0xFFFFFFD0];
	v0 =	vmul.f32 $8.000000000e+00, v0  }
0x19c: {  	s7 =	simm.s32 $0x7F80;
	v3 =	vld [tilespmem:s9+$0x10]  }
0x19d: {  	[tilespmem:s6+$0x50] =	vst v0;
	v0 =	vld [tilespmem:s7+$0x40]  }
0x19e: {  	v4 =	vld [tilespmem:s9+$0x60]  }
0x19f: {  	v5 =	vld [tilespmem:s7+$0xFFFFFFC0];
	v1 =	vmul.f32 $8.000000000e+00, v1  }
0x1a0: {  	v6 =	vld [tilespmem:s7+$0x0];
	v2 =	vmul.f32 $8.000000000e+00, v2  }
0x1a1: {  	v3 =	vmul.f32 $8.000000000e+00, v3;
	[tilespmem:s6+$0xFFFFFF90] =	vst v1;
	v1 =	vld [tilespmem:s7+$0xFFFFFF80]  }
0x1a2: {  	[tilespmem:s6+$0xFFFFFFD0] =	vst v2;
	v2 =	vld [tilespmem:s9+$0xFFFFFFA0];
	v0 =	vmul.f32 $8.000000000e+00, v0  }
0x1a3: {  	s8 =	simm.s32 $0xE780;
	[tilespmem:s6+$0x10] =	vst v3;
	v7 =	vld [tilespmem:s9+$0xFFFFFFE0];
	v3 =	vmul.f32 $8.000000000e+00, v4  }
0x1a4: {  	v4 =	vmul.f32 $8.000000000e+00, v5;
	[tilespmem:s8+$0x40] =	vst v0;
	v0 =	vld [tilespmem:s9+$0x20]  }
0x1a5: {  	v5 =	vmul.f32 $8.000000000e+00, v6;
	v6 =	vld [tilespmem:s7+$0x50];
	[tilespmem:s6+$0x60] =	vst v3  }
0x1a6: {  	v1 =	vmul.f32 $8.000000000e+00, v1;
	[tilespmem:s8+$0xFFFFFFC0] =	vst v4;
	v8 =	vld [tilespmem:s9+$0x70]  }
0x1a7: {  	v2 =	vmul.f32 $8.000000000e+00, v2;
	[tilespmem:s8+$0x0] =	vst v5;
	v9 =	vld [tilespmem:s7+$0xFFFFFFD0]  }
0x1a8: {  	[tilespmem:s8+$0xFFFFFF80] =	vst v1;
	v5 =	vmul.f32 $8.000000000e+00, v7;
	v3 =	vld [tilespmem:s7+$0x10]  }
0x1a9: {  	v4 =	vld [tilespmem:s7+$0xFFFFFF90];
	[tilespmem:s6+$0xFFFFFFA0] =	vst v2;
	v2 =	vmul.f32 $8.000000000e+00, v0  }
0x1aa: {  	v1 =	vld [tilespmem:s9+$0xFFFFFFB0];
	[tilespmem:s6+$0xFFFFFFE0] =	vst v5;
	v7 =	vmul.f32 $8.000000000e+00, v6  }
0x1ab: {  	v0 =	vld [tilespmem:s9+$0xFFFFFFF0];
	[tilespmem:s6+$0x20] =	vst v2;
	v5 =	vmul.f32 $8.000000000e+00, v8  }
0x1ac: {  	s1 =	simm.s32 $0x8080;
	s0 =	simm.s32 $0x4;
	v6 =	vmul.f32 $8.000000000e+00, v9;
	[tilespmem:s8+$0x50] =	vst v7;
	v2 =	vld [tilespmem:s9+$0x30]  }
.LBB2_14:
0x1ad: {  	v7 =	vld [tilespmem:s1+$0x40];
	v3 =	vmul.f32 $8.000000000e+00, v3;
	[tilespmem:s6+$0x70] =	vst v5  }
0x1ae: {  	s0 =	sadd.s32 $0x4, s0;
	v4 =	vmul.f32 $8.000000000e+00, v4;
	[tilespmem:s8+$0xFFFFFFD0] =	vst v6;
	v5 =	vld [tilespmem:s7+$0x60]  }
0x1af: {  	p0 =	slt.u32 s0, $0x64;
	v6 =	vld [tilespmem:s1+$0xFFFFFFC0];
	[tilespmem:s8+$0x10] =	vst v3;
	v1 =	vmul.f32 $8.000000000e+00, v1  }
0x1b0: {  	v3 =	vld [tilespmem:s1+$0x0];
	[tilespmem:s8+$0xFFFFFF90] =	vst v4;
	v0 =	vmul.f32 $8.000000000e+00, v0  }
0x1b1: {  	v4 =	vld [tilespmem:s1+$0xFFFFFF80];
	[tilespmem:s6+$0xFFFFFFB0] =	vst v1;
	v1 =	vmul.f32 $8.000000000e+00, v2  }
0x1b2: {  	v2 =	vmul.f32 $8.000000000e+00, v7;
	v7 =	vld [tilespmem:s7+$0xFFFFFFA0];
	[tilespmem:s6+$0xFFFFFFF0] =	vst v0  }
0x1b3: {  	v0 =	vld [tilespmem:s7+$0xFFFFFFE0];
	v5 =	vmul.f32 $8.000000000e+00, v5;
	[tilespmem:s6+$0x30] =	vst v1;
	s6 =	smov.u32 s8;
	s8 =	sadd.s32 $0x100, s8  }
0x1b4: {  	v1 =	vmul.f32 $8.000000000e+00, v6;
	[tilespmem:s8+$0x40] =	vst v2;
	v2 =	vld [tilespmem:s7+$0x20]  }
0x1b5: {  	v3 =	vmul.f32 $8.000000000e+00, v3;
	v6 =	vld [tilespmem:s1+$0x50];
	[tilespmem:s6+$0x60] =	vst v5  }
0x1b6: {  	v4 =	vmul.f32 $8.000000000e+00, v4;
	[tilespmem:s8+$0xFFFFFFC0] =	vst v1;
	v5 =	vld [tilespmem:s7+$0x70]  }
0x1b7: {  	v8 =	vld [tilespmem:s1+$0xFFFFFFD0];
	[tilespmem:s8+$0x0] =	vst v3;
	v1 =	vmul.f32 $8.000000000e+00, v7  }
.Ltmp6:
0x1b8: {  	[tilespmem:s8+$0xFFFFFF80] =	vst v4;
	v3 =	vld [tilespmem:s1+$0x10];
	v0 =	vmul.f32 $8.000000000e+00, v0;
	(pc) =	sbr.rel @p0 .LBB2_14-.Ltmp6, $4  }
0x1b9: {  	v4 =	vld [tilespmem:s1+$0xFFFFFF90];
	[tilespmem:s6+$0xFFFFFFA0] =	vst v1;
	v2 =	vmul.f32 $8.000000000e+00, v2  }
0x1ba: {  	v7 =	vmul.f32 $8.000000000e+00, v6;
	v1 =	vld [tilespmem:s7+$0xFFFFFFB0];
	[tilespmem:s6+$0xFFFFFFE0] =	vst v0  }
0x1bb: {  	v0 =	vld [tilespmem:s7+$0xFFFFFFF0];
	[tilespmem:s6+$0x20] =	vst v2;
	v5 =	vmul.f32 $8.000000000e+00, v5  }
0x1bc: {  	v6 =	vmul.f32 $8.000000000e+00, v8;
	[tilespmem:s8+$0x50] =	vst v7;
	v2 =	vld [tilespmem:s7+$0x30];
	s7 =	smov.u32 s1;
	s1 =	sadd.s32 $0x100, s1  }
0x1bd: {  	_ = 	snop  }
0x1be: {  	v4 =	vmul.f32 $8.000000000e+00, v4;
	_ =	sdelay $0x1  }
0x1bf: {  	v3 =	vmul.f32 $8.000000000e+00, v3;
	v7 =	vld [tilespmem:s7+$0x60];
	[tilespmem:s8+$0xFFFFFF90] =	vst v4  }
0x1c0: {  	[tilespmem:s8+$0xFFFFFFD0] =	vst v6;
	v4 =	vld [tilespmem:s7+$0xFFFFFFA0]  }
0x1c1: {  	[tilespmem:s8+$0x10] =	vst v3;
	v3 =	vld [tilespmem:s7+$0xFFFFFFE0]  }
0x1c2: {  	v6 =	vld [tilespmem:s7+$0x20];
	_ =	sdelay $0x1  }
0x1c3: {  	v7 =	vmul.f32 $8.000000000e+00, v7  }
0x1c4: {  	v4 =	vmul.f32 $8.000000000e+00, v4  }
0x1c5: {  	[tilespmem:s8+$0x60] =	vst v7;
	v3 =	vmul.f32 $8.000000000e+00, v3  }
0x1c6: {  	v7 =	vld [tilespmem:s7+$0x70];
	[tilespmem:s8+$0xFFFFFFA0] =	vst v4;
	v4 =	vmul.f32 $8.000000000e+00, v6  }
0x1c7: {  	[tilespmem:s8+$0xFFFFFFE0] =	vst v3;
	v6 =	vld [tilespmem:s7+$0xFFFFFFB0]  }
0x1c8: {  	v1 =	vmul.f32 $8.000000000e+00, v1;
	v3 =	vld [tilespmem:s7+$0xFFFFFFF0];
	[tilespmem:s8+$0x20] =	vst v4  }
0x1c9: {  	[tilespmem:s6+$0x70] =	vst v5;
	v0 =	vmul.f32 $8.000000000e+00, v0;
	v4 =	vld [tilespmem:s7+$0x30]  }
0x1ca: {  	[tilespmem:s6+$0xFFFFFFB0] =	vst v1;
	v1 =	vmul.f32 $8.000000000e+00, v2  }
0x1cb: {  	[tilespmem:s6+$0xFFFFFFF0] =	vst v0;
	v0 =	vmul.f32 $8.000000000e+00, v7  }
0x1cc: {  	[tilespmem:s6+$0x30] =	vst v1;
	v1 =	vmul.f32 $8.000000000e+00, v6  }
0x1cd: {  	[tilespmem:s8+$0x70] =	vst v0;
	v0 =	vmul.f32 $8.000000000e+00, v3  }
0x1ce: {  	[tilespmem:s8+$0xFFFFFFB0] =	vst v1;
	v1 =	vmul.f32 $8.000000000e+00, v4  }
0x1cf: {  	[tilespmem:s8+$0xFFFFFFF0] =	vst v0  }
0x1d0: {  	[tilespmem:s8+$0x30] =	vst v1  }
0x1d1: {  	s0 =	rddreg [dreg:$0x5]  }
0x1d2: {  	[hbm4b:s0+s22] =	stream.strided.scatter [tilespmem:s26], [sflag:$0x6], $0x1A00, s23, s22, $0x38;
	[tilespmem:$0x13400] =	vst v63  }
0x1d3: {  	_ =	swait.ge [sflag:s28], $0x1800  }
0x1d4: {  	[sflag:s28] =	ssyncset.done $0x0  }
0x1d5: {  	s12 =	simm.s32 $0x7;
	[sflag:s28] =	ssyncadd.s32 $0xFFFFE800  }
0x1d6: {  	_ =	swait.ge [sflag:s12], $0x1800  }
0x1d7: {  	[sflag:s12] =	ssyncset.done $0x0  }
0x1d8: {  	s9 =	simm.s32 $0x9880;
	[sflag:s12] =	ssyncadd.s32 $0xFFFFE800  }
0x1d9: {  	v0 =	vld [tilespmem:s9+$0x40];
	_ =	sdelay $0x3  }
0x1da: {  	v1 =	vld [tilespmem:s9+$0xFFFFFF80]  }
0x1db: {  	v2 =	vld [tilespmem:s9+$0xFFFFFFC0];
	v0 =	vmul.f32 $8.000000000e+00, v0  }
0x1dc: {  	s6 =	simm.s32 $0x10080;
	v3 =	vld [tilespmem:s9+$0x0]  }
0x1dd: {  	[tilespmem:s6+$0x40] =	vst v0  }
0x1de: {  	v0 =	vld [tilespmem:s9+$0x50]  }
0x1df: {  	v1 =	vmul.f32 $8.000000000e+00, v1  }
0x1e0: {  	v2 =	vmul.f32 $8.000000000e+00, v2  }
0x1e1: {  	v3 =	vmul.f32 $8.000000000e+00, v3;
	[tilespmem:s6+$0xFFFFFF80] =	vst v1  }
0x1e2: {  	[tilespmem:s6+$0xFFFFFFC0] =	vst v2;
	v1 =	vld [tilespmem:s9+$0xFFFFFF90]  }
0x1e3: {  	[tilespmem:s6+$0x0] =	vst v3;
	v2 =	vld [tilespmem:s9+$0xFFFFFFD0];
	v0 =	vmul.f32 $8.000000000e+00, v0  }
0x1e4: {  	s7 =	simm.s32 $0x9980;
	v3 =	vld [tilespmem:s9+$0x10]  }
0x1e5: {  	[tilespmem:s6+$0x50] =	vst v0;
	v0 =	vld [tilespmem:s7+$0x40]  }
0x1e6: {  	v4 =	vld [tilespmem:s9+$0x60]  }
0x1e7: {  	v5 =	vld [tilespmem:s7+$0xFFFFFFC0];
	v1 =	vmul.f32 $8.000000000e+00, v1  }
0x1e8: {  	v6 =	vld [tilespmem:s7+$0x0];
	v2 =	vmul.f32 $8.000000000e+00, v2  }
0x1e9: {  	v3 =	vmul.f32 $8.000000000e+00, v3;
	[tilespmem:s6+$0xFFFFFF90] =	vst v1;
	v1 =	vld [tilespmem:s7+$0xFFFFFF80]  }
0x1ea: {  	[tilespmem:s6+$0xFFFFFFD0] =	vst v2;
	v2 =	vld [tilespmem:s9+$0xFFFFFFA0];
	v0 =	vmul.f32 $8.000000000e+00, v0  }
0x1eb: {  	s8 =	simm.s32 $0x10180;
	[tilespmem:s6+$0x10] =	vst v3;
	v7 =	vld [tilespmem:s9+$0xFFFFFFE0];
	v3 =	vmul.f32 $8.000000000e+00, v4  }
0x1ec: {  	v4 =	vmul.f32 $8.000000000e+00, v5;
	[tilespmem:s8+$0x40] =	vst v0;
	v0 =	vld [tilespmem:s9+$0x20]  }
0x1ed: {  	v5 =	vmul.f32 $8.000000000e+00, v6;
	v6 =	vld [tilespmem:s7+$0x50];
	[tilespmem:s6+$0x60] =	vst v3  }
0x1ee: {  	v1 =	vmul.f32 $8.000000000e+00, v1;
	[tilespmem:s8+$0xFFFFFFC0] =	vst v4;
	v8 =	vld [tilespmem:s9+$0x70]  }
0x1ef: {  	v2 =	vmul.f32 $8.000000000e+00, v2;
	[tilespmem:s8+$0x0] =	vst v5;
	v9 =	vld [tilespmem:s7+$0xFFFFFFD0]  }
0x1f0: {  	[tilespmem:s8+$0xFFFFFF80] =	vst v1;
	v5 =	vmul.f32 $8.000000000e+00, v7;
	v3 =	vld [tilespmem:s7+$0x10]  }
0x1f1: {  	v4 =	vld [tilespmem:s7+$0xFFFFFF90];
	[tilespmem:s6+$0xFFFFFFA0] =	vst v2;
	v2 =	vmul.f32 $8.000000000e+00, v0  }
0x1f2: {  	v1 =	vld [tilespmem:s9+$0xFFFFFFB0];
	[tilespmem:s6+$0xFFFFFFE0] =	vst v5;
	v7 =	vmul.f32 $8.000000000e+00, v6  }
0x1f3: {  	v0 =	vld [tilespmem:s9+$0xFFFFFFF0];
	[tilespmem:s6+$0x20] =	vst v2;
	v5 =	vmul.f32 $8.000000000e+00, v8  }
0x1f4: {  	s1 =	simm.s32 $0x9A80;
	s0 =	simm.s32 $0x4;
	v6 =	vmul.f32 $8.000000000e+00, v9;
	[tilespmem:s8+$0x50] =	vst v7;
	v2 =	vld [tilespmem:s9+$0x30]  }
.LBB2_16:
0x1f5: {  	v7 =	vld [tilespmem:s1+$0x40];
	v3 =	vmul.f32 $8.000000000e+00, v3;
	[tilespmem:s6+$0x70] =	vst v5  }
0x1f6: {  	s0 =	sadd.s32 $0x4, s0;
	v4 =	vmul.f32 $8.000000000e+00, v4;
	[tilespmem:s8+$0xFFFFFFD0] =	vst v6;
	v5 =	vld [tilespmem:s7+$0x60]  }
0x1f7: {  	p0 =	slt.u32 s0, $0x5C;
	v6 =	vld [tilespmem:s1+$0xFFFFFFC0];
	[tilespmem:s8+$0x10] =	vst v3;
	v1 =	vmul.f32 $8.000000000e+00, v1  }
0x1f8: {  	v3 =	vld [tilespmem:s1+$0x0];
	[tilespmem:s8+$0xFFFFFF90] =	vst v4;
	v0 =	vmul.f32 $8.000000000e+00, v0  }
0x1f9: {  	v4 =	vld [tilespmem:s1+$0xFFFFFF80];
	[tilespmem:s6+$0xFFFFFFB0] =	vst v1;
	v1 =	vmul.f32 $8.000000000e+00, v2  }
0x1fa: {  	v2 =	vmul.f32 $8.000000000e+00, v7;
	v7 =	vld [tilespmem:s7+$0xFFFFFFA0];
	[tilespmem:s6+$0xFFFFFFF0] =	vst v0  }
0x1fb: {  	v0 =	vld [tilespmem:s7+$0xFFFFFFE0];
	v5 =	vmul.f32 $8.000000000e+00, v5;
	[tilespmem:s6+$0x30] =	vst v1;
	s6 =	smov.u32 s8;
	s8 =	sadd.s32 $0x100, s8  }
0x1fc: {  	v1 =	vmul.f32 $8.000000000e+00, v6;
	[tilespmem:s8+$0x40] =	vst v2;
	v2 =	vld [tilespmem:s7+$0x20]  }
0x1fd: {  	v3 =	vmul.f32 $8.000000000e+00, v3;
	v6 =	vld [tilespmem:s1+$0x50];
	[tilespmem:s6+$0x60] =	vst v5  }
0x1fe: {  	v4 =	vmul.f32 $8.000000000e+00, v4;
	[tilespmem:s8+$0xFFFFFFC0] =	vst v1;
	v5 =	vld [tilespmem:s7+$0x70]  }
0x1ff: {  	v8 =	vld [tilespmem:s1+$0xFFFFFFD0];
	[tilespmem:s8+$0x0] =	vst v3;
	v1 =	vmul.f32 $8.000000000e+00, v7  }
.Ltmp7:
0x200: {  	[tilespmem:s8+$0xFFFFFF80] =	vst v4;
	v3 =	vld [tilespmem:s1+$0x10];
	v0 =	vmul.f32 $8.000000000e+00, v0;
	(pc) =	sbr.rel @p0 .LBB2_16-.Ltmp7, $4  }
0x201: {  	v4 =	vld [tilespmem:s1+$0xFFFFFF90];
	[tilespmem:s6+$0xFFFFFFA0] =	vst v1;
	v2 =	vmul.f32 $8.000000000e+00, v2  }
0x202: {  	v7 =	vmul.f32 $8.000000000e+00, v6;
	v1 =	vld [tilespmem:s7+$0xFFFFFFB0];
	[tilespmem:s6+$0xFFFFFFE0] =	vst v0  }
0x203: {  	v0 =	vld [tilespmem:s7+$0xFFFFFFF0];
	[tilespmem:s6+$0x20] =	vst v2;
	v5 =	vmul.f32 $8.000000000e+00, v5  }
0x204: {  	v6 =	vmul.f32 $8.000000000e+00, v8;
	[tilespmem:s8+$0x50] =	vst v7;
	v2 =	vld [tilespmem:s7+$0x30];
	s7 =	smov.u32 s1;
	s1 =	sadd.s32 $0x100, s1  }
0x205: {  	_ = 	snop  }
0x206: {  	v4 =	vmul.f32 $8.000000000e+00, v4;
	_ =	sdelay $0x1  }
0x207: {  	v3 =	vmul.f32 $8.000000000e+00, v3;
	v7 =	vld [tilespmem:s7+$0x60];
	[tilespmem:s8+$0xFFFFFF90] =	vst v4  }
0x208: {  	[tilespmem:s8+$0xFFFFFFD0] =	vst v6;
	v4 =	vld [tilespmem:s7+$0xFFFFFFA0]  }
0x209: {  	[tilespmem:s8+$0x10] =	vst v3;
	v3 =	vld [tilespmem:s7+$0xFFFFFFE0]  }
0x20a: {  	v6 =	vld [tilespmem:s7+$0x20];
	_ =	sdelay $0x1  }
0x20b: {  	v7 =	vmul.f32 $8.000000000e+00, v7  }
0x20c: {  	v4 =	vmul.f32 $8.000000000e+00, v4  }
0x20d: {  	[tilespmem:s8+$0x60] =	vst v7;
	v3 =	vmul.f32 $8.000000000e+00, v3  }
0x20e: {  	v7 =	vld [tilespmem:s7+$0x70];
	[tilespmem:s8+$0xFFFFFFA0] =	vst v4;
	v4 =	vmul.f32 $8.000000000e+00, v6  }
0x20f: {  	[tilespmem:s8+$0xFFFFFFE0] =	vst v3;
	v6 =	vld [tilespmem:s7+$0xFFFFFFB0]  }
0x210: {  	v1 =	vmul.f32 $8.000000000e+00, v1;
	v3 =	vld [tilespmem:s7+$0xFFFFFFF0];
	[tilespmem:s8+$0x20] =	vst v4  }
0x211: {  	[tilespmem:s6+$0x70] =	vst v5;
	v0 =	vmul.f32 $8.000000000e+00, v0;
	v4 =	vld [tilespmem:s7+$0x30]  }
0x212: {  	[tilespmem:s6+$0xFFFFFFB0] =	vst v1;
	v1 =	vmul.f32 $8.000000000e+00, v2  }
0x213: {  	[tilespmem:s6+$0xFFFFFFF0] =	vst v0;
	v0 =	vmul.f32 $8.000000000e+00, v7  }
0x214: {  	[tilespmem:s6+$0x30] =	vst v1;
	v1 =	vmul.f32 $8.000000000e+00, v6  }
0x215: {  	[tilespmem:s8+$0x70] =	vst v0;
	v0 =	vmul.f32 $8.000000000e+00, v3  }
0x216: {  	[tilespmem:s8+$0xFFFFFFB0] =	vst v1;
	v1 =	vmul.f32 $8.000000000e+00, v4  }
0x217: {  	[tilespmem:s8+$0xFFFFFFF0] =	vst v0  }
0x218: {  	[tilespmem:s8+$0x30] =	vst v1  }
0x219: {  	s0 =	rddreg [dreg:$0x6]  }
0x21a: {  	[hbm4b:s0+s22] =	stream.strided.scatter [tilespmem:s29], [sflag:$0x7], $0x1800, s23, s22, $0x38;
	[tilespmem:$0x13400] =	vst v63  }
0x21b: {  	_ =	swait.ge [sflag:s30], $0x1A00  }
0x21c: {  	[sflag:s30] =	ssyncset.done $0x0  }
0x21d: {  	[sflag:s30] =	ssyncadd.s32 $0xFFFFE600  }
0x21e: {  	_ =	swait.ge [sflag:s19], $0x1A00  }
0x21f: {  	[sflag:s19] =	ssyncset.done $0x0  }
0x220: {  	s9 =	simm.s32 $0xB280;
	[sflag:s19] =	ssyncadd.s32 $0xFFFFE600  }
0x221: {  	v0 =	vld [tilespmem:s9+$0x40];
	_ =	sdelay $0x3  }
0x222: {  	v1 =	vld [tilespmem:s9+$0xFFFFFF80]  }
0x223: {  	v2 =	vld [tilespmem:s9+$0xFFFFFFC0];
	v0 =	vmul.f32 $8.000000000e+00, v0  }
0x224: {  	s6 =	simm.s32 $0x11A80;
	v3 =	vld [tilespmem:s9+$0x0]  }
0x225: {  	[tilespmem:s6+$0x40] =	vst v0  }
0x226: {  	v0 =	vld [tilespmem:s9+$0x50]  }
0x227: {  	v1 =	vmul.f32 $8.000000000e+00, v1  }
0x228: {  	v2 =	vmul.f32 $8.000000000e+00, v2  }
0x229: {  	v3 =	vmul.f32 $8.000000000e+00, v3;
	[tilespmem:s6+$0xFFFFFF80] =	vst v1  }
0x22a: {  	[tilespmem:s6+$0xFFFFFFC0] =	vst v2;
	v1 =	vld [tilespmem:s9+$0xFFFFFF90]  }
0x22b: {  	[tilespmem:s6+$0x0] =	vst v3;
	v2 =	vld [tilespmem:s9+$0xFFFFFFD0];
	v0 =	vmul.f32 $8.000000000e+00, v0  }
0x22c: {  	s7 =	simm.s32 $0xB380;
	v3 =	vld [tilespmem:s9+$0x10]  }
0x22d: {  	[tilespmem:s6+$0x50] =	vst v0;
	v0 =	vld [tilespmem:s7+$0x40]  }
0x22e: {  	v4 =	vld [tilespmem:s9+$0x60]  }
0x22f: {  	v5 =	vld [tilespmem:s7+$0xFFFFFFC0];
	v1 =	vmul.f32 $8.000000000e+00, v1  }
0x230: {  	v6 =	vld [tilespmem:s7+$0x0];
	v2 =	vmul.f32 $8.000000000e+00, v2  }
0x231: {  	v3 =	vmul.f32 $8.000000000e+00, v3;
	[tilespmem:s6+$0xFFFFFF90] =	vst v1;
	v1 =	vld [tilespmem:s7+$0xFFFFFF80]  }
0x232: {  	[tilespmem:s6+$0xFFFFFFD0] =	vst v2;
	v2 =	vld [tilespmem:s9+$0xFFFFFFA0];
	v0 =	vmul.f32 $8.000000000e+00, v0  }
0x233: {  	s8 =	simm.s32 $0x11B80;
	[tilespmem:s6+$0x10] =	vst v3;
	v7 =	vld [tilespmem:s9+$0xFFFFFFE0];
	v3 =	vmul.f32 $8.000000000e+00, v4  }
0x234: {  	v4 =	vmul.f32 $8.000000000e+00, v5;
	[tilespmem:s8+$0x40] =	vst v0;
	v0 =	vld [tilespmem:s9+$0x20]  }
0x235: {  	v5 =	vmul.f32 $8.000000000e+00, v6;
	v6 =	vld [tilespmem:s7+$0x50];
	[tilespmem:s6+$0x60] =	vst v3  }
0x236: {  	v1 =	vmul.f32 $8.000000000e+00, v1;
	[tilespmem:s8+$0xFFFFFFC0] =	vst v4;
	v8 =	vld [tilespmem:s9+$0x70]  }
0x237: {  	v2 =	vmul.f32 $8.000000000e+00, v2;
	[tilespmem:s8+$0x0] =	vst v5;
	v9 =	vld [tilespmem:s7+$0xFFFFFFD0]  }
0x238: {  	[tilespmem:s8+$0xFFFFFF80] =	vst v1;
	v5 =	vmul.f32 $8.000000000e+00, v7;
	v3 =	vld [tilespmem:s7+$0x10]  }
0x239: {  	v4 =	vld [tilespmem:s7+$0xFFFFFF90];
	[tilespmem:s6+$0xFFFFFFA0] =	vst v2;
	v2 =	vmul.f32 $8.000000000e+00, v0  }
0x23a: {  	v1 =	vld [tilespmem:s9+$0xFFFFFFB0];
	[tilespmem:s6+$0xFFFFFFE0] =	vst v5;
	v7 =	vmul.f32 $8.000000000e+00, v6  }
0x23b: {  	v0 =	vld [tilespmem:s9+$0xFFFFFFF0];
	[tilespmem:s6+$0x20] =	vst v2;
	v5 =	vmul.f32 $8.000000000e+00, v8  }
0x23c: {  	s1 =	simm.s32 $0xB480;
	s0 =	simm.s32 $0x4;
	v6 =	vmul.f32 $8.000000000e+00, v9;
	[tilespmem:s8+$0x50] =	vst v7;
	v2 =	vld [tilespmem:s9+$0x30]  }
.LBB2_18:
0x23d: {  	v7 =	vld [tilespmem:s1+$0x40];
	v3 =	vmul.f32 $8.000000000e+00, v3;
	[tilespmem:s6+$0x70] =	vst v5  }
0x23e: {  	s0 =	sadd.s32 $0x4, s0;
	v4 =	vmul.f32 $8.000000000e+00, v4;
	[tilespmem:s8+$0xFFFFFFD0] =	vst v6;
	v5 =	vld [tilespmem:s7+$0x60]  }
0x23f: {  	p0 =	slt.u32 s0, $0x64;
	v6 =	vld [tilespmem:s1+$0xFFFFFFC0];
	[tilespmem:s8+$0x10] =	vst v3;
	v1 =	vmul.f32 $8.000000000e+00, v1  }
0x240: {  	v3 =	vld [tilespmem:s1+$0x0];
	[tilespmem:s8+$0xFFFFFF90] =	vst v4;
	v0 =	vmul.f32 $8.000000000e+00, v0  }
0x241: {  	v4 =	vld [tilespmem:s1+$0xFFFFFF80];
	[tilespmem:s6+$0xFFFFFFB0] =	vst v1;
	v1 =	vmul.f32 $8.000000000e+00, v2  }
0x242: {  	v2 =	vmul.f32 $8.000000000e+00, v7;
	v7 =	vld [tilespmem:s7+$0xFFFFFFA0];
	[tilespmem:s6+$0xFFFFFFF0] =	vst v0  }
0x243: {  	v0 =	vld [tilespmem:s7+$0xFFFFFFE0];
	v5 =	vmul.f32 $8.000000000e+00, v5;
	[tilespmem:s6+$0x30] =	vst v1;
	s6 =	smov.u32 s8;
	s8 =	sadd.s32 $0x100, s8  }
0x244: {  	v1 =	vmul.f32 $8.000000000e+00, v6;
	[tilespmem:s8+$0x40] =	vst v2;
	v2 =	vld [tilespmem:s7+$0x20]  }
0x245: {  	v3 =	vmul.f32 $8.000000000e+00, v3;
	v6 =	vld [tilespmem:s1+$0x50];
	[tilespmem:s6+$0x60] =	vst v5  }
0x246: {  	v4 =	vmul.f32 $8.000000000e+00, v4;
	[tilespmem:s8+$0xFFFFFFC0] =	vst v1;
	v5 =	vld [tilespmem:s7+$0x70]  }
0x247: {  	v8 =	vld [tilespmem:s1+$0xFFFFFFD0];
	[tilespmem:s8+$0x0] =	vst v3;
	v1 =	vmul.f32 $8.000000000e+00, v7  }
.Ltmp8:
0x248: {  	[tilespmem:s8+$0xFFFFFF80] =	vst v4;
	v3 =	vld [tilespmem:s1+$0x10];
	v0 =	vmul.f32 $8.000000000e+00, v0;
	(pc) =	sbr.rel @p0 .LBB2_18-.Ltmp8, $4  }
0x249: {  	v4 =	vld [tilespmem:s1+$0xFFFFFF90];
	[tilespmem:s6+$0xFFFFFFA0] =	vst v1;
	v2 =	vmul.f32 $8.000000000e+00, v2  }
0x24a: {  	v7 =	vmul.f32 $8.000000000e+00, v6;
	v1 =	vld [tilespmem:s7+$0xFFFFFFB0];
	[tilespmem:s6+$0xFFFFFFE0] =	vst v0  }
0x24b: {  	v0 =	vld [tilespmem:s7+$0xFFFFFFF0];
	[tilespmem:s6+$0x20] =	vst v2;
	v5 =	vmul.f32 $8.000000000e+00, v5  }
0x24c: {  	v6 =	vmul.f32 $8.000000000e+00, v8;
	[tilespmem:s8+$0x50] =	vst v7;
	v2 =	vld [tilespmem:s7+$0x30];
	s7 =	smov.u32 s1;
	s1 =	sadd.s32 $0x100, s1  }
0x24d: {  	v3 =	vmul.f32 $8.000000000e+00, v3  }
0x24e: {  	v7 =	vld [tilespmem:s7+$0x60];
	v4 =	vmul.f32 $8.000000000e+00, v4;
	[tilespmem:s8+$0xFFFFFFD0] =	vst v6  }
0x24f: {  	[tilespmem:s8+$0x10] =	vst v3;
	v53 =	vld [tilespmem:s7+$0xFFFFFFE0]  }
0x250: {  	[tilespmem:s8+$0xFFFFFF90] =	vst v4;
	v54 =	vld [tilespmem:s7+$0x20]  }
0x251: {  	v4 =	vld [tilespmem:s7+$0xFFFFFFA0];
	_ =	sdelay $0x1  }
0x252: {  	v7 =	vmul.f32 $8.000000000e+00, v7  }
0x253: {  	v3 =	vmul.f32 $8.000000000e+00, v53  }
0x254: {  	[tilespmem:s8+$0x60] =	vst v7;
	v6 =	vmul.f32 $8.000000000e+00, v54  }
0x255: {  	v55 =	vld [tilespmem:s7+$0x70];
	v4 =	vmul.f32 $8.000000000e+00, v4;
	[tilespmem:s8+$0xFFFFFFE0] =	vst v3  }
0x256: {  	[tilespmem:s8+$0x20] =	vst v6;
	v57 =	vld [tilespmem:s7+$0xFFFFFFF0]  }
0x257: {  	v1 =	vmul.f32 $8.000000000e+00, v1;
	[tilespmem:s8+$0xFFFFFFA0] =	vst v4;
	v58 =	vld [tilespmem:s7+$0x30]  }
0x258: {  	[tilespmem:s6+$0x70] =	vst v5;
	v0 =	vmul.f32 $8.000000000e+00, v0;
	v56 =	vld [tilespmem:s7+$0xFFFFFFB0]  }
0x259: {  	[tilespmem:s6+$0xFFFFFFB0] =	vst v1;
	v59 =	vmul.f32 $8.000000000e+00, v2  }
0x25a: {  	[tilespmem:s6+$0xFFFFFFF0] =	vst v0;
	v60 =	vmul.f32 $8.000000000e+00, v55  }
0x25b: {  	[tilespmem:s6+$0x30] =	vst v59;
	v62 =	vmul.f32 $8.000000000e+00, v57  }
0x25c: {  	[tilespmem:s8+$0x70] =	vst v60;
	v63 =	vmul.f32 $8.000000000e+00, v58  }
0x25d: {  	v61 =	vmul.f32 $8.000000000e+00, v56;
	[tilespmem:s8+$0xFFFFFFF0] =	vst v62  }
0x25e: {  	[tilespmem:s8+$0x30] =	vst v63  }
0x25f: {  	[tilespmem:s8+$0xFFFFFFB0] =	vst v61  }
0x260: {  	s0 =	rddreg [dreg:$0x7]  }
0x261: {  	[hbm4b:s0+s22] =	stream.strided.scatter [tilespmem:s31], [sflag:$0x8], $0x1A00, s23, s22, $0x38;
	[tilespmem:$0x13400] =	vst v63  }
0x262: {  	_ =	swait.ge [sflag:s10], $0x1800  }
0x263: {  	[sflag:s10] =	ssyncset.done $0x0  }
0x264: {  	[sflag:s10] =	ssyncadd.s32 $0xFFFFE800  }
0x265: {  	_ =	swait.ge [sflag:s11], $0x1A00  }
0x266: {  	[sflag:s11] =	ssyncset.done $0x0  }
0x267: {  	[sflag:s11] =	ssyncadd.s32 $0xFFFFE600;
	s11 =	simm.s32 $0x7  }
0x268: {  	_ =	swait.ge [sflag:s11], $0x1800  }
0x269: {  	[sflag:s11] =	ssyncset.done $0x0  }
0x26a: {  	[sflag:s11] =	ssyncadd.s32 $0xFFFFE800  }
0x26b: {  	_ =	swait.ge [sflag:s19], $0x1A00  }
0x26c: {  	s2 =	sadd.s32 $0x1, s2;
	s12 =	rddreg [dreg:$0x8]  }
0x26d: {  	p0 =	sne.s32 s2, s12  }
.Ltmp9:
0x26e: {  	_ = 	snop;
	(pc) =	sbr.rel @p0 .LBB2_1-.Ltmp9, $3  }
0x26f: {  	_ =	sdelay $0x1  }
0x270: {  	[sflag:s19] =	ssyncset.done $0x0  }
0x271: {  	[sflag:s19] =	ssyncadd.s32 $0xFFFFE600  }
0x272: {  	_ =	sfence.sel $0x180000  }
0x273: {  	[bflag:$0x0] =	sbarrier.arrive $0xFFFF  }
0x274: {  	_ =	strace $0x9000004A  }
0x275: {  	s0 =	stileid.u32;
	[bflag:$0x2] =	sbarrier.arrive $0xFFFF  }
0x276: {  	p0 =	sne.s32 s0, $0x0;
	s0 =	rddreg [dreg:$0x2]  }
0x277: {  	s0 =	sadd.s32 @!p0 $0x100000, s0  }
0x278: {  	[sflag:s0] =	ssyncadd.tile.s32 @!p0 $0x1;
	_ =	shalt  }
.Lfunc_end2:
_tile_overlayer_lowered:
.L_overlay_start_2:
0x279: {  	(tag) =	ssettag $0x2  }
0x27a: {  	s0 =	rddreg [dreg:$0x0];
	s2 =	stileid.u32  }
0x27b: {  	s1 =	rddreg [dreg:$0x1];
	p0 =	sne.s32 s2, $0x0  }
0x27c: {  	s3 =	rddreg [dreg:$0x2];
	[bflag:$0x3] =	sbarrier.arrive $0xFFFF;
	s2 =	simm.s32 @!p0 $0x1C09  }
0x27d: {  	[timem:s3], [sflag:s2] =	dma.local @!p0 [hbm:s0], s1  }
0x27e: {  	s0 =	simm.s32 @!p0 $0x9  }
0x27f: {  	_ =	swait.ge @!p0 [sflag:s0], s1  }
0x280: {  	s1 =	ssub.s32 @!p0 $0x0, s1;
	[sflag:s0] =	ssyncset.done @!p0 $0x0  }
0x281: {  	[sflag:s0] =	ssyncadd.s32 @!p0 s1  }
0x282: {  	[bflag:$0x3] =	sbarrier.arrive $0xFFFF  }
0x283: {  	_ =	shalt  }

// kernel: sparse-core-data-format-call.1.cloned.1.call-start
scs
called_computation.1_lowered:
.L_overlay_start_0:
0x0: {  	s2 =	sld [smem:$0x3FD9]  }
0x1: {  	s3 =	sld [smem:$0x3FFE];
	_ =	sdelay $0x1  }
0x2: {  	s1 =	srdreg.scid  }
0x3: {  	s0 =	sand.u32 $0x1, s1  }
0x4: {  	s18 =	sshll.u32 s0, $0xA;
	s2 =	sadd.s32 s3, s2  }
0x5: {  	s2 =	sadd.s32 s2, s18  }
0x6: {  	[smem:$0x3FC6] =	sst s2  }
0x7: {  	_ = 	snop  }
0x8: {  	s2 =	sld [smem:$0x3FC8];
	(tm) =	ssettm $0x1  }
0x9: {  	s19 =	sld [smem:$0x3FFB];
	_ =	sdelay $0x3  }
0xa: {  	_ =	strace s19  }
0xb: {  	s3 =	sld [smem:$0x3FFC];
	_ =	sdelay $0x3  }
0xc: {  	_ =	strace s3  }
0xd: {  	s3 =	sld [smem:$0x3FFD];
	_ =	sdelay $0x3  }
0xe: {  	_ =	strace s3  }
0xf: {  	_ =	strace $0x8FFFFFFF  }
0x10: {  	s20 =	sld [smem:$0x3FDB];
	_ =	sdelay $0x1  }
0x11: {  	s4 =	simm.s32 $_scs_section_size  }
0x12: {  	s5 =	simm.s32 $_size__tile_overlayer_lowered;
	s6 =	simm.s32 $_tile_overlayer_lowered  }
0x13: {  	s23 =	simm.s32 $0x1BFF;
	s22 =	sshll.u32 s6, $0x1;
	s3 =	sadd.s32 s4, s20  }
0x14: {  	s7 =	simm.s32 $0x0;
	s21 =	sshll.u32 s5, $0x1;
	s5 =	sadd.s32 s22, s3  }
0x15: {  	[timem:s7], [sflag:s23] =	dma.local [hbm:s5], s21  }
0x16: {  	_ =	swait.ge [sflag:s23], s21  }
0x17: {  	s4 =	ssub.s32 $0x0, s21;
	[sflag:s23] =	ssyncset.done $0x0  }
0x18: {  	[sflag:s23] =	ssyncadd.s32 s4;
	_ =	sdelay $0x1  }
0x19: {  	s24 =	simm.s32 $0x1B8B  }
0x1a: {  	_ =	swait.ge [sflag:s24], $0x1  }
0x1b: {  	[sflag:s24] =	ssyncset.done $0x0  }
0x1c: {  	s26 =	simm.s32 $0x1B8E;
	s25 =	sld [smem:$0x3FFE];
	[sflag:s24] =	ssyncadd.s32 $0xFFFFFFFF  }
0x1d: {  	s27 =	simm.s32 $execute0_lowered;
	[smem:$0x3FD2] =	sst s26  }
0x1e: {  	s5 =	sshll.u32 s27, $0x1;
	_ =	strace $0x80000046;
	[dreg:$0x1] =	wrdreg $0xFFFFFFFF  }
0x1f: {  	s28 =	simm.s32 $_size_execute0_lowered;
	s3 =	sadd.s32 s3, s5;
	[dreg:$0x0] =	wrdreg $0x0  }
0x20: {  	s5 =	sshll.u32 s28, $0x1;
	[dreg:$0x2] =	wrdreg s3  }
0x21: {  	[dreg:$0x3] =	wrdreg s5  }
0x22: {  	[dreg:$0x4] =	wrdreg $0xC0  }
0x23: {  	_ =	task [dreg:s7], $0x5FFFF  }
0x24: {  	[dreg:$0x1] =	wrdreg $0xFFFFFFFF  }
0x25: {  	[dreg:$0x0] =	wrdreg $0x60  }
0x26: {  	[dreg:$0x2] =	wrdreg s2  }
0x27: {  	[dreg:$0x3] =	wrdreg s25  }
0x28: {  	[dreg:$0x4] =	wrdreg $0x9  }
0x29: {  	_ =	task.clear_ibuf [dreg:s7], $0x5FFFF;
	_ =	strace $0x90000046  }
0x2a: {  	s29 =	simm.s32 $0x9;
	_ =	strace $0x80000048  }
0x2b: {  	_ =	swait.ge [sflag:s29], $0x1  }
0x2c: {  	[sflag:s29] =	ssyncadd.s32 $0xFFFFFFFF  }
0x2d: {  	_ =	strace $0x90000048  }
0x2e: {  	_ =	sfence  }
0x2f: {  	s30 =	sld [smem:$0x0];
	_ =	sdelay $0x2  }
0x30: {  	s31 =	sshll.u32 s1, $0xD;
	s1 =	sshrl.u32 s1, $0x2  }
0x31: {  	s3 =	sand.u32 $0x4000, s31;
	s1 =	sadd.s32 s1, s30  }
0x32: {  	s0 =	sor.u32 s3, s0;
	s1 =	sshll.u32 s1, $0x11  }
0x33: {  	s0 =	sor.u32 s1, s0  }
0x34: {  	s0 =	sadd.s32 $0x8F2B, s0  }
0x35: {  	[sflag:s0] =	ssyncadd.remote.s32 $0x1  }
0x36: {  	_ =	sfence.sel $0xFFFF  }
0x37: {  	[dreg:$0x0] =	wrdreg $0xFFFFFFFF;
	(pc) =	sbr.abs _section_cstart, $3  }
0x38: {  	[dreg:$0x1] =	wrdreg $0xFFFFFFFF  }
0x39: {  	_ =	task.clear_ibuf [dreg:s7], $0x2FFFF;
	_ =	strace $0x9FFFFFFF  }
0x3a: {  	(tm) =	ssettm $0x7FFFFFFF  }
0x3b: {  	_ =	shalt  }
tec
execute0_lowered:
.L_overlay_start_1:
0x0: {  	(tag) =	ssettag $0x1  }
0x1: {  	s0 =	srdreg.scid;
	s2 =	rddreg [dreg:$0x0]  }
0x2: {  	s5 =	rddreg [dreg:$0x1];
	s1 =	stileid.u32  }
0x3: {  	s4 =	simm.s32 $0x1;
	s6 =	simm.s32 $0x2;
	s15 =	simm.s32 $0x0  }
0x4: {  	p0 =	por $0x0, $0x0;
	s8 =	simm.s32 $0x80;
	s0 =	sshll.u32 s0, $0x4  }
0x5: {  	s14 =	simm.s32 $0x0;
	s9 =	simm.s32 $0x0;
	s3 =	sand.u32 $0x10, s0  }
.Ltmp0:
0x6: {  	s10 =	simm.s32 $0x0;
	s3 =	sor.u32 s1, s3;
	(pc) =	sbr.rel .LBB1_1-.Ltmp0, $4  }
0x7: {  	s0 =	rddreg [dreg:$0x2];
	_ =	strace $0x80000047;
	s3 =	sshll.u32 s3, $0x7  }
0x8: {  	s12 =	simm.s32 $0x0;
	[sflag:s4] =	ssyncpa.u1 $0x0;
	s7 =	ssub.s32 $0xF4200, s3  }
0x9: {  	s13 =	simm.s32 $0x0;
	[sflag:s6] =	ssyncpa.u1 $0x0;
	s6 =	sshrl.u32 s7, $0xC  }
0xa: {  	s5 =	sadd.s32 $0xE00, s5;
	s11 =	smov.u32 s3;
	s7 =	sadd.s32 $0x2, s6  }
.LBB1_5:
0xb: {  	p1 =	slt.u32 s13, $0x2  }
0xc: {  	s17 =	smov.u32 s15;
	p2 =	sgt.s32 @!p1 s15, $0xF41C0;
	s16 =	sshra.s32 @!p1 s15, $0x1F  }
0xd: {  	p3 =	sgt.s32 @!p1 s14, $0x40;
	s18 =	sshra.s32 @!p1 s14, $0x1F;
	p2 =	por !p2, p1  }
0xe: {  	s15 =	sand.u32 @!p1 s16, s15;
	p3 =	por !p3, p1;
	s16 =	smov.u32 s14  }
0xf: {  	s14 =	sand.u32 @!p1 s18, s14;
	s17 =	simm.s32 @p2 $0xF41C0;
	s16 =	simm.s32 @p3 $0x40  }
0x10: {  	s15 =	ssub.s32 @!p1 s17, s15;
	s14 =	ssub.s32 @!p1 s16, s14  }
0x11: {  	s18 =	smov.u32 s12;
	s16 =	sadd.s32 @!p1 $0xFFF0BE40, s15;
	s17 =	sadd.s32 @!p1 $0xFFFFFFC0, s14  }
0x12: {  	s15 =	ssub.s32 @!p1 $0xF4240, s15;
	p2 =	sgt.s32 @!p1 s16, $0x7F;
	p3 =	sgt.s32 @!p1 s17, $0x3F  }
0x13: {  	s14 =	ssub.s32 @!p1 $0x80, s14;
	p2 =	por !p2, p1;
	p3 =	por !p3, p1  }
0x14: {  	s16 =	sadd.s32 $0x1000, s11;
	s15 =	simm.s32 @!p2 $0x0;
	s14 =	simm.s32 @!p3 $0x0  }
0x15: {  	p2 =	sgt.s32 s16, $0xF423F;
	s14 =	smul.u32 @!p1 s14, s15;
	s15 =	sadd.s32 $0x40, s12  }
0x16: {  	s18 =	smov.u32 @p2 s15  }
0x17: {  	s16 =	smov.u32 @p2 s3;
	p2 =	sgt.s32 s18, $0x3F  }
0x18: {  	s18 =	simm.s32 @p2 $0x0;
	p2 =	sne.s32 s13, s7  }
.Ltmp1:
0x19: {  	p0 =	por !p0, !p0;
	s17 =	simm.s32 @!p1 $0x2;
	(pc) =	sbr.rel @!p2 .LBB1_6-.Ltmp1, $4  }
0x1a: {  	s15 =	smov.u32 s9;
	s9 =	smov.u32 s11;
	s14 =	sand.u32 @!p1 $0x3FFFFFFF, s14  }
0x1b: {  	s11 =	smov.u32 s16;
	_ =	swait.ge @!p1 [sflag:s17], s14;
	s19 =	ssub.s32 @!p1 $0x0, s14  }
0x1c: {  	s14 =	smov.u32 s10;
	s13 =	sadd.s32 $0x1, s13;
	[sflag:s17] =	ssyncset.done @!p1 $0x0  }
0x1d: {  	s10 =	smov.u32 s12;
	s12 =	smov.u32 s18;
	[sflag:s17] =	ssyncadd.s32 @!p1 s19  }
.LBB1_1:
0x1e: {  	p1 =	sgt.u32 s13, s6  }
0x1f: {  	s16 =	sshrl.u32 @!p1 s12, $0x3  }
0x20: {  	s17 =	sshll.u32 @!p1 s11, $0x3;
	s16 =	smul.u32 @!p1 $0x7A1400, s16  }
0x21: {  	s18 =	sshll.u32 @!p1 s12, $0x7;
	s17 =	sand.u32 @!p1 $0xFFFFFC00, s17  }
0x22: {  	s16 =	sadd.s32 @!p1 s16, s17;
	s17 =	sand.u32 @!p1 $0x380, s18  }
0x23: {  	s18 =	sand.u32 @!p1 $0x7F, s11;
	s16 =	sor.u32 @!p1 s17, s16  }
0x24: {  	s17 =	sor.u32 @!p1 s18, s16  }
0x25: {  	s18 =	smulhi.u32 @!p1 $0x218D6287, s17;
	_ =	sdelay $0x1  }
0x26: {  	s16 =	smulhi.u32 @!p1 $0x218D6287, s16;
	s18 =	sshrl.u32 @!p1 s18, $0x11  }
0x27: {  	s18 =	smul.u32 @!p1 $0xF4280, s18  }
0x28: {  	s19 =	sxor.u32 @!p1 $0xFFFFFFFF, s13;
	s16 =	sshrl.u32 @!p1 s16, $0x11  }
0x29: {  	s19 =	sshll.u32 @!p1 s19, $0xD;
	s16 =	sand.u32 @!p1 $0x3F, s16;
	s17 =	ssub.s32 @!p1 s17, s18  }
0x2a: {  	s16 =	smul.u32 @!p1 $0x1E850, s16;
	s18 =	sshrl.u32 @!p1 s17, $0x3;
	s17 =	sand.u32 @!p1 $0x7, s17  }
0x2b: {  	s19 =	sand.u32 @!p1 $0x2000, s19;
	s18 =	sadd.s32 @!p1 s2, s18;
	s17 =	sshll.u32 @!p1 s17, $0x12  }
0x2c: {  	s16 =	sadd.s32 @!p1 s16, s18;
	s17 =	sor.u32 @!p1 $0x400, s17;
	s18 =	simm.s32 @!p1 $0x7A1400  }
0x2d: {  	[tilespmem:s19], [sflag:$0x1] =	stream.strided.gather @!p1 [hbm4b:s16+s17], $0x2000, s18, s17, $0x38;
	[tilespmem:$0x8100] =	vst v63  }
0x2e: {  	p1 =	seq.s32 s13, $0x0  }
0x2f: {  	p2 =	sge.u32 @!p1 s13, s7  }
0x30: {  	p1 =	por p1, p2  }
.Ltmp2:
0x31: {  	_ = 	snop;
	(pc) =	sbr.rel @p1 .LBB1_5-.Ltmp2, $1  }
0x32: {  	_ =	sdelay $0x3  }
0x33: {  	s16 =	simm.s32 $0x1  }
0x34: {  	_ =	swait.ge [sflag:s4], $0x2000;
	s16 =	simm.s32 @!p0 $0x0  }
0x35: {  	[sflag:s4] =	ssyncset.done $0x0;
	s17 =	sshll.u32 s16, $0xD  }
0x36: {  	[sflag:s4] =	ssyncadd.s32 $0xFFFFE000;
	s17 =	sor.u32 $0x40, s17  }
0x37: {  	s16 =	smul.u32 $0x8200, s16;
	v0 =	vld [tilespmem:s17+$0x30]  }
0x38: {  	v1 =	vld [tilespmem:s17+$0xFFFFFFD0]  }
0x39: {  	s16 =	sshrl.u32 s16, $0x2;
	v5 =	vld [tilespmem:s17+$0xFFFFFFE0]  }
0x3a: {  	v6 =	vld [tilespmem:s17+$0xFFFFFFF0];
	s19 =	sor.u32 $0x4000, s16  }
0x3b: {  	s31 =	sand.u32 $0x1, s13;
	v4 =	vld [tilespmem:s17+$0x0];
	s18 =	sadd.s32 $0x0, s19  }
0x3c: {  	v3 =	vld [tilespmem:s17+$0x10];
	s16 =	smul.u32 $0x8200, s31;
	[tilespmem:s18+$0x1C70 ss:$0x41] =	vst.msk $0xffff, v0  }
0x3d: {  	v2 =	vld [tilespmem:s17+$0x20];
	[tilespmem:s18+$0x410 ss:$0x41] =	vst.msk $0xffff, v1  }
0x3e: {  	s16 =	sshrl.u32 s16, $0x2;
	v1 =	vld [tilespmem:s17+$0xFFFFFFC0];
	[tilespmem:s18+$0x820 ss:$0x41] =	vst.msk $0xffff, v5;
	s17 =	sadd.s32 $0x80, s17  }
0x3f: {  	s20 =	simm.s32 $0x4;
	s21 =	simm.s32 $0x8;
	s16 =	sor.u32 $0x4000, s16;
	[tilespmem:s18+$0xC30 ss:$0x41] =	vst.msk $0xffff, v6;
	v0 =	vld [tilespmem:s17+$0x30]  }
.LBB1_3:
0x40: {  	p1 =	sne.s32 s21, $0xFC;
	v5 =	vld [tilespmem:s17+$0xFFFFFFD0];
	[tilespmem:s18+$0x1040 ss:$0x41] =	vst.msk $0xffff, v4  }
0x41: {  	v6 =	vld [tilespmem:s17+$0xFFFFFFE0];
	[tilespmem:s18+$0x1450 ss:$0x41] =	vst.msk $0xffff, v3  }
0x42: {  	s22 =	sshra.s32 s20, $0x2;
	s20 =	smov.u32 s21;
	v7 =	vld [tilespmem:s17+$0xFFFFFFF0];
	[tilespmem:s18+$0x1860 ss:$0x41] =	vst.msk $0xffff, v2  }
.Ltmp3:
0x43: {  	v4 =	vld [tilespmem:s17+$0x0];
	[tilespmem:s18+$0x0 ss:$0x41] =	vst.msk $0xffff, v1;
	s18 =	sadd.s32 s22, s19;
	(pc) =	sbr.rel @p1 .LBB1_3-.Ltmp3, $4  }
0x44: {  	v3 =	vld [tilespmem:s17+$0x10];
	[tilespmem:s18+$0x1C70 ss:$0x41] =	vst.msk $0xffff, v0  }
0x45: {  	[tilespmem:s18+$0x410 ss:$0x41] =	vst.msk $0xffff, v5;
	v2 =	vld [tilespmem:s17+$0x20]  }
0x46: {  	v1 =	vld [tilespmem:s17+$0xFFFFFFC0];
	[tilespmem:s18+$0x820 ss:$0x41] =	vst.msk $0xffff, v6;
	s17 =	sadd.s32 $0x80, s17  }
0x47: {  	s21 =	sadd.s32 $0x4, s21;
	v0 =	vld [tilespmem:s17+$0x30];
	[tilespmem:s18+$0xC30 ss:$0x41] =	vst.msk $0xffff, v7  }
0x48: {  	s21 =	sshll.u32 s9, $0x7;
	s22 =	sshll.u32 s10, $0x3;
	s20 =	sshra.s32 s20, $0x2  }
0x49: {  	p1 =	sgt.s32 s9, $0xF41C0;
	s30 =	sshra.s32 s9, $0x1F;
	s25 =	sshra.s32 s10, $0x1F  }
0x4a: {  	v5 =	vld [tilespmem:s17+$0xFFFFFFD0];
	s28 =	sshrl.u32 s10, $0x3;
	s23 =	sand.u32 $0xFFFFFC00, s21;
	s22 =	sand.u32 $0xFFFFFC00, s22  }
0x4b: {  	[tilespmem:s18+$0x1040 ss:$0x41] =	vst.msk $0xffff, v4;
	v58 =	vld [tilespmem:s17+$0xFFFFFFE0];
	s21 =	sand.u32 $0x380, s21;
	s19 =	sadd.s32 s20, s19;
	s22 =	sadd.s32 s22, s23  }
0x4c: {  	v59 =	vld [tilespmem:s17+$0xFFFFFFF0];
	[tilespmem:s18+$0x1450 ss:$0x41] =	vst.msk $0xffff, v3;
	s29 =	sor.u32 s21, s22;
	s21 =	smov.u32 s9;
	s22 =	sand.u32 s30, s9  }
0x4d: {  	v60 =	vld [tilespmem:s17+$0x0];
	[tilespmem:s18+$0x1860 ss:$0x41] =	vst.msk $0xffff, v2;
	s30 =	sand.u32 $0x7, s10;
	s20 =	sshrl.u32 s29, $0x7;
	s21 =	simm.s32 @!p1 $0xF41C0  }
0x4e: {  	v61 =	vld [tilespmem:s17+$0x10];
	[tilespmem:s18+$0x0 ss:$0x41] =	vst.msk $0xffff, v1;
	p1 =	sgt.s32 s10, $0x40;
	s24 =	ssub.s32 s21, s22;
	s21 =	smov.u32 s10  }
0x4f: {  	v62 =	vld [tilespmem:s17+$0x20];
	[tilespmem:s19+$0x1C70 ss:$0x41] =	vst.msk $0xffff, v0;
	s31 =	smulhi.u32 $0x218DEF5, s20;
	s22 =	sand.u32 s25, s10;
	s21 =	simm.s32 @!p1 $0x40  }
0x50: {  	v63 =	vld [tilespmem:s17+$0xFFFFFFC0];
	[tilespmem:s19+$0x410 ss:$0x41] =	vst.msk $0xffff, v5;
	s26 =	sadd.s32 $0xFFF0BE40, s24;
	s17 =	ssub.s32 $0xF4240, s24;
	s21 =	ssub.s32 s21, s22  }
0x51: {  	[tilespmem:s19+$0x820 ss:$0x41] =	vst.msk $0xffff, v58;
	s23 =	sshrl.u32 s31, $0xD;
	p1 =	sgt.s32 s26, $0x7F;
	s27 =	sadd.s32 $0xFFFFFFC0, s21  }
0x52: {  	[tilespmem:s19+$0xC30 ss:$0x41] =	vst.msk $0xffff, v59;
	s23 =	smul.u32 $0xF4240, s23;
	s18 =	ssub.s32 $0x80, s21;
	p2 =	sgt.s32 s27, $0x3F  }
.Ltmp4:
0x53: {  	[tilespmem:s19+$0x1040 ss:$0x41] =	vst.msk $0xffff, v60;
	s17 =	simm.s32 @p1 $0x0;
	s18 =	simm.s32 @p2 $0x0;
	(pc) =	sbr.rel .LBB1_5-.Ltmp4, $4  }
0x54: {  	s29 =	sand.u32 $0xF, s28;
	[tilespmem:s19+$0x1450 ss:$0x41] =	vst.msk $0xffff, v61;
	s20 =	ssub.s32 s20, s23;
	s17 =	smul.u32 s18, s17  }
0x55: {  	[tilespmem:s19+$0x1860 ss:$0x41] =	vst.msk $0xffff, v62;
	s21 =	sshll.u32 s30, $0x12;
	s20 =	sshll.u32 s20, $0x4;
	s18 =	sadd.s32 s5, s29  }
0x56: {  	[tilespmem:s19+$0x0 ss:$0x41] =	vst.msk $0xffff, v63;
	s31 =	sor.u32 $0x40, s21;
	s18 =	sadd.s32 s20, s18;
	s17 =	sand.u32 $0x3FFFFFFF, s17  }
0x57: {  	[hbm4b:s18+s31] =	stream.strided.scatter [tilespmem:s16], [sflag:$0x2], s17, s8, s31, $0x18;
	[tilespmem:$0x8100] =	vst v63  }
.LBB1_6:
0x58: {  	_ =	sfence.sel $0x180000  }
0x59: {  	s2 =	simm.s32 $0x1;
	[bflag:$0x0] =	sbarrier.arrive $0xFFFF  }
0x5a: {  	s31 =	simm.s32 $0x2;
	[sflag:s2] =	ssyncpa.u1 $0x1  }
0x5b: {  	[sflag:s31] =	ssyncpa.u1 $0x1  }
0x5c: {  	p0 =	sne.s32 s1, $0x0;
	_ =	strace $0x90000047  }
0x5d: {  	s0 =	sadd.s32 @!p0 $0x100000, s0;
	[bflag:$0x2] =	sbarrier.arrive $0xFFFF  }
0x5e: {  	[sflag:s0] =	ssyncadd.tile.s32 @!p0 $0x1;
	_ =	shalt  }
.Lfunc_end1:
_tile_overlayer_lowered:
.L_overlay_start_2:
0x5f: {  	(tag) =	ssettag $0x2  }
0x60: {  	s0 =	rddreg [dreg:$0x0];
	s2 =	stileid.u32  }
0x61: {  	s1 =	rddreg [dreg:$0x1];
	p0 =	sne.s32 s2, $0x0  }
0x62: {  	s3 =	rddreg [dreg:$0x2];
	[bflag:$0x3] =	sbarrier.arrive $0xFFFF;
	s2 =	simm.s32 @!p0 $0x1C01  }
0x63: {  	[timem:s3], [sflag:s2] =	dma.local @!p0 [hbm:s0], s1  }
0x64: {  	s0 =	simm.s32 @!p0 $0x1  }
0x65: {  	_ =	swait.ge @!p0 [sflag:s0], s1  }
0x66: {  	s1 =	ssub.s32 @!p0 $0x0, s1;
	[sflag:s0] =	ssyncset.done @!p0 $0x0  }
0x67: {  	[sflag:s0] =	ssyncadd.s32 @!p0 s1  }
0x68: {  	[bflag:$0x3] =	sbarrier.arrive $0xFFFF  }
0x69: {  	_ =	shalt  }

// kernel: sparse-core-data-format-call.cloned.1.call-start
scs
called_computation_lowered:
.L_overlay_start_0:
0x0: {  	s2 =	sld [smem:$0x3FD9]  }
0x1: {  	s3 =	sld [smem:$0x3FFE];
	_ =	sdelay $0x1  }
0x2: {  	s1 =	srdreg.scid  }
0x3: {  	s0 =	sand.u32 $0x1, s1  }
0x4: {  	s18 =	sshll.u32 s0, $0xA;
	s2 =	sadd.s32 s3, s2  }
0x5: {  	s2 =	sadd.s32 s2, s18  }
0x6: {  	[smem:$0x3FC6] =	sst s2  }
0x7: {  	_ = 	snop  }
0x8: {  	s2 =	sld [smem:$0x3FD0];
	(tm) =	ssettm $0x1  }
0x9: {  	s19 =	sld [smem:$0x3FFB];
	_ =	sdelay $0x3  }
0xa: {  	_ =	strace s19  }
0xb: {  	s3 =	sld [smem:$0x3FFC];
	_ =	sdelay $0x3  }
0xc: {  	_ =	strace s3  }
0xd: {  	s3 =	sld [smem:$0x3FFD];
	_ =	sdelay $0x3  }
0xe: {  	_ =	strace s3  }
0xf: {  	_ =	strace $0x8FFFFFFF  }
0x10: {  	s20 =	sld [smem:$0x3FDB];
	_ =	sdelay $0x1  }
0x11: {  	s4 =	simm.s32 $_scs_section_size  }
0x12: {  	s5 =	simm.s32 $_size__tile_overlayer_lowered;
	s6 =	simm.s32 $_tile_overlayer_lowered  }
0x13: {  	s23 =	simm.s32 $0x1BFF;
	s22 =	sshll.u32 s6, $0x1;
	s3 =	sadd.s32 s4, s20  }
0x14: {  	s7 =	simm.s32 $0x0;
	s21 =	sshll.u32 s5, $0x1;
	s5 =	sadd.s32 s22, s3  }
0x15: {  	[timem:s7], [sflag:s23] =	dma.local [hbm:s5], s21  }
0x16: {  	_ =	swait.ge [sflag:s23], s21  }
0x17: {  	s4 =	ssub.s32 $0x0, s21;
	[sflag:s23] =	ssyncset.done $0x0  }
0x18: {  	[sflag:s23] =	ssyncadd.s32 s4;
	_ =	sdelay $0x1  }
0x19: {  	s24 =	simm.s32 $0x1B8B  }
0x1a: {  	_ =	swait.ge [sflag:s24], $0x1  }
0x1b: {  	[sflag:s24] =	ssyncset.done $0x0  }
0x1c: {  	s26 =	simm.s32 $0x1B8E;
	s25 =	sld [smem:$0x3FFE];
	[sflag:s24] =	ssyncadd.s32 $0xFFFFFFFF  }
0x1d: {  	s27 =	simm.s32 $execute0_lowered;
	[smem:$0x3FD2] =	sst s26  }
0x1e: {  	s5 =	sshll.u32 s27, $0x1;
	_ =	strace $0x8000004C;
	[dreg:$0x1] =	wrdreg $0xFFFFFFFF  }
0x1f: {  	s28 =	simm.s32 $_size_execute0_lowered;
	s3 =	sadd.s32 s3, s5;
	[dreg:$0x0] =	wrdreg $0x0  }
0x20: {  	s5 =	sshll.u32 s28, $0x1;
	[dreg:$0x2] =	wrdreg s3  }
0x21: {  	[dreg:$0x3] =	wrdreg s5  }
0x22: {  	[dreg:$0x4] =	wrdreg $0xC0  }
0x23: {  	_ =	task [dreg:s7], $0x5FFFF  }
0x24: {  	[dreg:$0x1] =	wrdreg $0xFFFFFFFF  }
0x25: {  	[dreg:$0x0] =	wrdreg $0x60  }
0x26: {  	[dreg:$0x2] =	wrdreg s25  }
0x27: {  	[dreg:$0x3] =	wrdreg s2  }
0x28: {  	[dreg:$0x4] =	wrdreg $0x9  }
0x29: {  	_ =	task.clear_ibuf [dreg:s7], $0x5FFFF;
	_ =	strace $0x9000004C  }
0x2a: {  	s29 =	simm.s32 $0x9;
	_ =	strace $0x8000004E  }
0x2b: {  	_ =	swait.ge [sflag:s29], $0x1  }
0x2c: {  	[sflag:s29] =	ssyncadd.s32 $0xFFFFFFFF  }
0x2d: {  	_ =	strace $0x9000004E  }
0x2e: {  	_ =	sfence  }
0x2f: {  	s30 =	sld [smem:$0x0];
	_ =	sdelay $0x2  }
0x30: {  	s31 =	sshll.u32 s1, $0xD;
	s1 =	sshrl.u32 s1, $0x2  }
0x31: {  	s3 =	sand.u32 $0x4000, s31;
	s1 =	sadd.s32 s1, s30  }
0x32: {  	s0 =	sor.u32 s3, s0;
	s1 =	sshll.u32 s1, $0x11  }
0x33: {  	s0 =	sor.u32 s1, s0  }
0x34: {  	s0 =	sadd.s32 $0x8F2B, s0  }
0x35: {  	[sflag:s0] =	ssyncadd.remote.s32 $0x1  }
0x36: {  	_ =	sfence.sel $0xFFFF  }
0x37: {  	[dreg:$0x0] =	wrdreg $0xFFFFFFFF;
	(pc) =	sbr.abs _section_cstart, $3  }
0x38: {  	[dreg:$0x1] =	wrdreg $0xFFFFFFFF  }
0x39: {  	_ =	task.clear_ibuf [dreg:s7], $0x2FFFF;
	_ =	strace $0x9FFFFFFF  }
0x3a: {  	(tm) =	ssettm $0x7FFFFFFF  }
0x3b: {  	_ =	shalt  }
tec
execute0_lowered:
.L_overlay_start_1:
0x0: {  	(tag) =	ssettag $0x1  }
0x1: {  	s0 =	srdreg.scid  }
0x2: {  	s1 =	sshll.u32 s0, $0x4  }
0x3: {  	s0 =	stileid.u32;
	s1 =	sand.u32 $0x10, s1  }
0x4: {  	s1 =	sor.u32 s0, s1  }
0x5: {  	s6 =	rddreg [dreg:$0x0];
	s4 =	simm.s32 $0x1;
	s2 =	sshll.u32 s1, $0x7  }
0x6: {  	s7 =	simm.s32 $0x2;
	s12 =	simm.s32 $0x0;
	s1 =	ssub.s32 $0x1000, s2  }
0x7: {  	s8 =	simm.s32 $0x8000;
	s13 =	simm.s32 $0x0;
	s3 =	sand.u32 $0xF80, s1  }
0x8: {  	s9 =	simm.s32 $0x0;
	s5 =	sshrl.u32 s1, $0xC;
	p0 =	sne.s32 s3, $0x0  }
.Ltmp0:
0x9: {  	s1 =	rddreg [dreg:$0x2];
	s4 =	simm.s32 @!p0 $0x0;
	(pc) =	sbr.rel .LBB1_1-.Ltmp0, $4  }
0xa: {  	s11 =	simm.s32 $0x0;
	s3 =	rddreg [dreg:$0x1];
	s5 =	sadd.s32 s4, s5  }
0xb: {  	_ =	strace $0x8000004D;
	s4 =	simm.s32 $0x1;
	s5 =	smul.u32 $0xC8, s5  }
0xc: {  	s6 =	sadd.s32 $0xE00, s6;
	s10 =	smov.u32 s2;
	[sflag:s4] =	ssyncpa.u1 $0x0  }
0xd: {  	p0 =	por $0x0, $0x0;
	[sflag:s7] =	ssyncpa.u1 $0x0;
	s7 =	sor.u32 $0x1, s5  }
.LBB1_4:
0xe: {  	s16 =	sshll.u32 s13, $0x3;
	s17 =	sand.u32 $0x78, s13  }
0xf: {  	s30 =	sand.u32 $0x7E00, s13;
	s12 =	sshll.u32 s12, $0xF;
	s16 =	sand.u32 $0xC00, s16  }
0x10: {  	[tilespmem:s15+$0x810 ss:$0x81] =	vst.msk $0xffff, v2;
	s31 =	sand.u32 $0x7, s13;
	s16 =	sor.u32 s17, s16;
	s17 =	sadd.s32 s3, s30  }
0x11: {  	[tilespmem:s15+$0x1020 ss:$0x81] =	vst.msk $0xffff, v0;
	s13 =	sshll.u32 s31, $0x12;
	s12 =	sadd.s32 s12, s17;
	s16 =	sshrl.u32 s16, $0x3  }
0x12: {  	[tilespmem:s15+$0x0 ss:$0x81] =	vst.msk $0xffff, v1;
	s13 =	sor.u32 $0x400, s13;
	s12 =	sadd.s32 s16, s12  }
0x13: {  	[hbm4b:s12+s13] =	stream.strided.scatter [tilespmem:s14], [sflag:$0x2], $0x2000, s8, s13, $0x20;
	[tilespmem:$0x8080] =	vst v63  }
.LBB1_5:
0x14: {  	s14 =	sadd.s32 $0x1, s9  }
0x15: {  	s12 =	sadd.s32 $0x1000, s10;
	s16 =	smov.u32 s10;
	p2 =	sgt.s32 s14, $0xC7  }
0x16: {  	s16 =	smov.u32 @p2 s12  }
0x17: {  	s14 =	simm.s32 @p2 $0x0;
	p2 =	sgt.s32 s16, $0xFFF  }
0x18: {  	s16 =	smov.u32 @p2 s2;
	p2 =	sne.s32 s11, s7  }
.Ltmp1:
0x19: {  	p1 =	slt.u32 s11, $0x2;
	(pc) =	sbr.rel @!p2 .LBB1_6-.Ltmp1, $4  }
0x1a: {  	s15 =	simm.s32 @!p1 $0x2  }
0x1b: {  	s13 =	smov.u32 s10;
	p0 =	por !p0, !p0;
	_ =	swait.ge @!p1 [sflag:s15], $0x2000  }
0x1c: {  	s12 =	smov.u32 s9;
	[sflag:s15] =	ssyncset.done @!p1 $0x0;
	s9 =	smov.u32 s14  }
0x1d: {  	s11 =	sadd.s32 $0x1, s11;
	[sflag:s15] =	ssyncadd.s32 @!p1 $0xFFFFE000;
	s10 =	smov.u32 s16  }
.LBB1_1:
0x1e: {  	p1 =	sge.u32 s11, s5  }
0x1f: {  	s14 =	sand.u32 @!p1 $0x1FFFFFF, s9  }
0x20: {  	s15 =	smulhi.u32 @!p1 $0x147AE15, s14;
	_ =	sdelay $0x1  }
0x21: {  	s15 =	smul.u32 @!p1 $0xC8, s15  }
0x22: {  	s16 =	sxor.u32 @!p1 $0xFFFFFFFF, s11;
	s17 =	smul.u32 @!p1 $0xC80, s10  }
0x23: {  	s31 =	sadd.s32 $0xFFFFFFFF, s11;
	s16 =	sshll.u32 @!p1 s16, $0xD;
	s14 =	ssub.s32 @!p1 s14, s15  }
0x24: {  	s15 =	sand.u32 @!p1 $0x2000, s16;
	s16 =	sadd.s32 @!p1 s6, s17;
	s14 =	sshll.u32 @!p1 s14, $0x4  }
0x25: {  	s17 =	simm.s32 @!p1 $0x6400;
	s14 =	sadd.s32 @!p1 s14, s16;
	s16 =	simm.s32 @!p1 $0x40  }
0x26: {  	[tilespmem:s15], [sflag:$0x1] =	stream.strided.gather @!p1 [hbm4b:s14+s16], $0x2000, s17, s16, $0x38;
	[tilespmem:$0x8080] =	vst v63  }
0x27: {  	p1 =	sge.u32 s31, s5  }
.Ltmp2:
0x28: {  	_ = 	snop;
	(pc) =	sbr.rel @p1 .LBB1_5-.Ltmp2, $1  }
0x29: {  	_ =	sdelay $0x3  }
0x2a: {  	s14 =	simm.s32 $0x1  }
0x2b: {  	_ =	swait.ge [sflag:s4], $0x2000;
	s14 =	simm.s32 @!p0 $0x0  }
0x2c: {  	[sflag:s4] =	ssyncset.done $0x0;
	s15 =	sshll.u32 s14, $0xD  }
0x2d: {  	[sflag:s4] =	ssyncadd.s32 $0xFFFFE000;
	s18 =	sor.u32 $0x20, s15  }
0x2e: {  	s14 =	smul.u32 $0x8100, s14;
	v3 =	vld [tilespmem:s18+$0x10]  }
0x2f: {  	s30 =	sand.u32 $0x1, s11;
	v2 =	vld [tilespmem:s18+$0xFFFFFFF0]  }
0x30: {  	s15 =	smul.u32 $0x8100, s30;
	s14 =	sshrl.u32 s14, $0x2;
	v0 =	vld [tilespmem:s18+$0x0]  }
0x31: {  	v1 =	vld [tilespmem:s18+$0xFFFFFFE0];
	s16 =	sor.u32 $0x4000, s14  }
0x32: {  	s31 =	sshrl.u32 s15, $0x2;
	s15 =	sadd.s32 $0x0, s16  }
0x33: {  	s17 =	simm.s32 $0x4;
	s18 =	sadd.s32 $0x40, s18;
	s14 =	sor.u32 $0x4000, s31;
	[tilespmem:s15+$0x1830 ss:$0x81] =	vst.msk $0xffff, v3  }
.LBB1_3:
0x34: {  	v3 =	vld [tilespmem:s18+$0x10];
	p1 =	sne.s32 s17, $0x1FC;
	[tilespmem:s15+$0x810 ss:$0x81] =	vst.msk $0xffff, v2;
	s19 =	smov.u32 s17;
	s17 =	sadd.s32 $0x4, s17  }
.Ltmp3:
0x35: {  	v2 =	vld [tilespmem:s18+$0xFFFFFFF0];
	[tilespmem:s15+$0x1020 ss:$0x81] =	vst.msk $0xffff, v0;
	(pc) =	sbr.rel @p1 .LBB1_3-.Ltmp3, $4  }
0x36: {  	v0 =	vld [tilespmem:s18+$0x0];
	[tilespmem:s15+$0x0 ss:$0x81] =	vst.msk $0xffff, v1  }
0x37: {  	s15 =	sshra.s32 s19, $0x2;
	v1 =	vld [tilespmem:s18+$0xFFFFFFE0]  }
0x38: {  	s15 =	sadd.s32 s15, s16  }
0x39: {  	s18 =	sadd.s32 $0x40, s18;
	[tilespmem:s15+$0x1830 ss:$0x81] =	vst.msk $0xffff, v3  }
.Ltmp4:
0x3a: {  	_ = 	snop;
	(pc) =	sbr.rel .LBB1_4-.Ltmp4, $1  }
0x3b: {  	_ =	sdelay $0x3  }
.LBB1_6:
0x3c: {  	_ =	sfence.sel $0x180000  }
0x3d: {  	s2 =	simm.s32 $0x1;
	[bflag:$0x0] =	sbarrier.arrive $0xFFFF  }
0x3e: {  	s31 =	simm.s32 $0x2;
	[sflag:s2] =	ssyncpa.u1 $0x1  }
0x3f: {  	[sflag:s31] =	ssyncpa.u1 $0x1  }
0x40: {  	p0 =	sne.s32 s0, $0x0;
	_ =	strace $0x9000004D  }
0x41: {  	s0 =	sadd.s32 @!p0 $0x100000, s1;
	[bflag:$0x2] =	sbarrier.arrive $0xFFFF  }
0x42: {  	[sflag:s0] =	ssyncadd.tile.s32 @!p0 $0x1;
	_ =	shalt  }
.Lfunc_end1:
_tile_overlayer_lowered:
.L_overlay_start_2:
0x43: {  	(tag) =	ssettag $0x2  }
0x44: {  	s0 =	rddreg [dreg:$0x0];
	s2 =	stileid.u32  }
0x45: {  	s1 =	rddreg [dreg:$0x1];
	p0 =	sne.s32 s2, $0x0  }
0x46: {  	s3 =	rddreg [dreg:$0x2];
	[bflag:$0x3] =	sbarrier.arrive $0xFFFF;
	s2 =	simm.s32 @!p0 $0x1C01  }
0x47: {  	[timem:s3], [sflag:s2] =	dma.local @!p0 [hbm:s0], s1  }
0x48: {  	s0 =	simm.s32 @!p0 $0x1  }
0x49: {  	_ =	swait.ge @!p0 [sflag:s0], s1  }
0x4a: {  	s1 =	ssub.s32 @!p0 $0x0, s1;
	[sflag:s0] =	ssyncset.done @!p0 $0x0  }
0x4b: {  	[sflag:s0] =	ssyncadd.s32 @!p0 s1  }
0x4c: {  	[bflag:$0x3] =	sbarrier.arrive $0xFFFF  }
0x4d: {  	_ =	shalt  }

</sc_bundles>
